<compile_context>
chip_gen: v7x
topology: tpu7x:2x2x1
jax: 0.10.2.dev20260603
libtpu: 0.0.44.dev20260713+nightly
codegen_flags: <defaults>
</compile_context>

<pallas_src>
import functools

import jax
import jax.numpy as jnp
from jax import lax
from jax.experimental import pallas as pl
from jax.experimental.pallas import tpu as pltpu
from jax.experimental.pallas import tpu_sc as plsc

N = 10000
E = 320000
P = 65536
D = 128
NC = 2
NS = 16
NW = NC * NS
C = 128
CPW = 80
CPW0 = 152
CPW1 = 8
EPAD = NW * CPW * C + 2 * C
SROWS = 10240
RPT = SROWS // NS
PPW = P // NW
PCW = PPW // C
PPAD = P + 2 * C
BR = 256


def _histogram(dst_ref, sbuf, deg_v, lane_iota):
    for kk in range(8):
        d16 = dst_ref[pl.ds(kk * 16, 16)]
        sk, _ = plsc.sort_key_val(d16, d16)
        sbuf[pl.ds(1, 16)] = sk
        prev = sbuf[pl.ds(0, 16)]
        nxt = sbuf[pl.ds(2, 16)]
        run_start = plsc.cummax(jnp.where(sk != prev, lane_iota, -1))
        cnt = (lane_iota - run_start + 1).astype(jnp.float32)
        plsc.addupdate_scatter(deg_v, [sk], cnt, mask=sk != nxt)


def _aggregate_body(x_h, srcf_h, dstf_h, zrows_h, zdeg_h, part_h, degf_h,
                    src_c0, src_c1, dst_c0, dst_c1, rows0, rows1,
                    deg_v, sbuf, agg_sh, sem_i, sem_g):
    cid = lax.axis_index("c")
    sid = lax.axis_index("s")
    wid = cid * NS + sid
    lane_iota = lax.iota(jnp.int32, 16)
    src_c = (src_c0, src_c1)
    dst_c = (dst_c0, dst_c1)
    rows = (rows0, rows1)
    cpw = jnp.where(cid == 0, CPW0, CPW1)
    cbase = cid * (NS * CPW0) + sid * cpw

    def base(j):
        return (cbase + j) * C

    def drain_idx():
        pltpu.make_async_copy(srcf_h.at[pl.ds(0, C)], src_c0, sem_i).wait()
        pltpu.make_async_copy(srcf_h.at[pl.ds(0, C)], dst_c0, sem_i).wait()

    def fire_idx(j, k):
        pltpu.async_copy(srcf_h.at[pl.ds(base(j), C)], src_c[k], sem_i)
        pltpu.async_copy(dstf_h.at[pl.ds(base(j), C)], dst_c[k], sem_i)

    pltpu.sync_copy(zrows_h, agg_sh.at[pl.ds(sid * RPT, RPT)])
    pltpu.sync_copy(zdeg_h, deg_v)
    sbuf[pl.ds(0, 16)] = jnp.full((16,), -1, jnp.int32)
    sbuf[pl.ds(16, 16)] = jnp.full((16,), -2, jnp.int32)
    plsc.subcore_barrier()

    fire_idx(0, 0)
    fire_idx(1, 1)
    drain_idx()
    pltpu.async_copy(x_h.at[src_c0], rows0, sem_g)

    @pl.loop(0, cpw, step=2)
    def _(jj):
        for b in range(2):
            j = jj + b
            k, o = b, 1 - b
            pltpu.make_async_copy(x_h.at[pl.ds(0, C)], rows[k],
                                  sem_g).wait()
            drain_idx()
            pltpu.async_copy(x_h.at[src_c[o]], rows[o], sem_g)
            pltpu.sync_copy(rows[k], agg_sh.at[dst_c[k]], add=True)
            _histogram(dst_c[k], sbuf, deg_v, lane_iota)
            fire_idx(j + 2, k)

    pltpu.make_async_copy(x_h.at[pl.ds(0, C)], rows0, sem_g).wait()
    drain_idx()

    plsc.subcore_barrier()
    pltpu.sync_copy(agg_sh.at[pl.ds(sid * RPT, RPT)],
                    part_h.at[cid, pl.ds(sid * RPT, RPT)])
    pltpu.sync_copy(deg_v, degf_h.at[pl.ds(wid * SROWS, SROWS)])


def _encode_body(part_ref, degp_ref, w_ref, h_ref):
    agg = part_ref[0] + part_ref[1]
    deg = jnp.maximum(jnp.sum(degp_ref[...], axis=0), 1.0)
    h = jnp.dot(agg / deg[:, None], w_ref[...],
                preferred_element_type=jnp.float32)
    h_ref[...] = jnp.maximum(h, 0.0)


def _predict_body(h_h, aif_h, bif_h, pred_h,
                  ai_c0, ai_c1, bi_c0, bi_c1, ar0, ar1, br0, br1, ob,
                  sem_i, sem_g):
    cid = lax.axis_index("c")
    sid = lax.axis_index("s")
    wid = cid * NS + sid
    lane_iota = lax.iota(jnp.int32, 16)
    ai_c = (ai_c0, ai_c1)
    bi_c = (bi_c0, bi_c1)
    ar = (ar0, ar1)
    br = (br0, br1)

    def base(j):
        return wid * PPW + j * C

    def drain_idx():
        pltpu.make_async_copy(aif_h.at[pl.ds(0, C)], ai_c0, sem_i).wait()
        pltpu.make_async_copy(aif_h.at[pl.ds(0, C)], bi_c0, sem_i).wait()

    def fire_idx(j, k):
        pltpu.async_copy(aif_h.at[pl.ds(base(j), C)], ai_c[k], sem_i)
        pltpu.async_copy(bif_h.at[pl.ds(base(j), C)], bi_c[k], sem_i)

    def drain_rows(k):
        pltpu.make_async_copy(h_h.at[pl.ds(0, C)], ar[k], sem_g).wait()
        pltpu.make_async_copy(h_h.at[pl.ds(0, C)], br[k], sem_g).wait()

    def fire_rows(k):
        pltpu.async_copy(h_h.at[ai_c[k]], ar[k], sem_g)
        pltpu.async_copy(h_h.at[bi_c[k]], br[k], sem_g)

    fire_idx(0, 0)
    fire_idx(1, 1)
    drain_idx()
    fire_rows(0)

    @pl.loop(0, PCW, step=2)
    def _(jj):
        for b in range(2):
            j = jj + b
            k, o = b, 1 - b
            drain_rows(k)
            drain_idx()
            fire_rows(o)
            fire_idx(j + 2, k)

            def ebody(e, out16):
                a_e = ar[k].at[e]
                b_e = br[k].at[e]
                acc = a_e[pl.ds(0, 16)] * b_e[pl.ds(0, 16)]
                for t in range(1, 8):
                    acc = acc + (a_e[pl.ds(t * 16, 16)]
                                 * b_e[pl.ds(t * 16, 16)])
                s = jnp.sum(acc)
                lane = e % 16
                out16 = jnp.where(lane_iota == lane, s, out16)

                @pl.when(lane == 15)
                def _store():
                    ob[pl.ds(j * C + e - 15, 16)] = out16

                return out16

            lax.fori_loop(0, C, ebody, jnp.zeros((16,), jnp.float32))

    drain_rows(0)
    drain_idx()
    pltpu.sync_copy(ob, pred_h.at[pl.ds(wid * PPW, PPW)])


def kernel(x, edge_index, edge_label_index, W):
    x = x.astype(jnp.float32)
    src = edge_index[0].astype(jnp.int32)
    dst = edge_index[1].astype(jnp.int32)
    pad = EPAD - E
    srcf = jnp.concatenate([src, jnp.zeros((pad,), jnp.int32)])
    dstf = jnp.concatenate([dst, jnp.full((pad,), SROWS - 1, jnp.int32)])
    zrows = jnp.zeros((RPT, D), jnp.float32)
    zdeg = jnp.zeros((SROWS,), jnp.float32)
    lpad = jnp.zeros((PPAD - P,), jnp.int32)
    aif = jnp.concatenate([edge_label_index[0].astype(jnp.int32), lpad])
    bif = jnp.concatenate([edge_label_index[1].astype(jnp.int32), lpad])

    mesh = plsc.VectorSubcoreMesh(core_axis_name="c", subcore_axis_name="s")
    sc_params = pltpu.CompilerParams(needs_layout_passes=False)

    aggregate = functools.partial(
        pl.kernel,
        out_type=(
            jax.ShapeDtypeStruct((NC, SROWS, D), jnp.float32),
            jax.ShapeDtypeStruct((NW * SROWS,), jnp.float32),
        ),
        mesh=mesh,
        scratch_types=[
            pltpu.VMEM((C,), jnp.int32),
            pltpu.VMEM((C,), jnp.int32),
            pltpu.VMEM((C,), jnp.int32),
            pltpu.VMEM((C,), jnp.int32),
            pltpu.VMEM((C, D), jnp.float32),
            pltpu.VMEM((C, D), jnp.float32),
            pltpu.VMEM((SROWS,), jnp.float32),
            pltpu.VMEM((32,), jnp.int32),
            pltpu.VMEM_SHARED((SROWS, D), jnp.float32),
            pltpu.SemaphoreType.DMA,
            pltpu.SemaphoreType.DMA,
        ],
        compiler_params=sc_params,
    )(_aggregate_body)
    part, degf = aggregate(x, srcf, dstf, zrows, zdeg)
    degp = degf.reshape(NW, SROWS)

    h = pl.pallas_call(
        _encode_body,
        grid=(SROWS // BR,),
        in_specs=[
            pl.BlockSpec((NC, BR, D), lambda i: (0, i, 0)),
            pl.BlockSpec((NW, BR), lambda i: (0, i)),
            pl.BlockSpec((D, D), lambda i: (0, 0)),
        ],
        out_specs=pl.BlockSpec((BR, D), lambda i: (i, 0)),
        out_shape=jax.ShapeDtypeStruct((SROWS, D), jnp.float32),
    )(part, degp, W.astype(jnp.float32))

    predict = functools.partial(
        pl.kernel,
        out_type=jax.ShapeDtypeStruct((P,), jnp.float32),
        mesh=mesh,
        scratch_types=[
            pltpu.VMEM((C,), jnp.int32),
            pltpu.VMEM((C,), jnp.int32),
            pltpu.VMEM((C,), jnp.int32),
            pltpu.VMEM((C,), jnp.int32),
            pltpu.VMEM((C, D), jnp.float32),
            pltpu.VMEM((C, D), jnp.float32),
            pltpu.VMEM((C, D), jnp.float32),
            pltpu.VMEM((C, D), jnp.float32),
            pltpu.VMEM((PPW,), jnp.float32),
            pltpu.SemaphoreType.DMA,
            pltpu.SemaphoreType.DMA,
        ],
        compiler_params=sc_params,
    )(_predict_body)
    return predict(h, aif, bif)

# --- scband reference (transcript-rebuilt; emitter-appended) ---
"""Pipeline reference for scband-base-gnnlink-pred-model-6708738916810 (READ-ONLY COPY).

The authoritative reference and input builder live on the scoring server;
editing this copy changes nothing except your own understanding.
"""

import jax, jax.numpy as jnp
import numpy as np

N_NODES = 10000
N_EDGES = 320000
N_LABEL_EDGES = 65536
D_IN = 128
D_OUT = 128


def setup_inputs(seed: int = 0) -> dict:
    key = jax.random.key(seed)
    k1, k2, k3, k4 = jax.random.split(key, 4)
    x = jax.random.normal(k1, (N_NODES, D_IN), dtype=jnp.float32)
    edge_index = jax.random.randint(k2, (2, N_EDGES), 0, N_NODES, dtype=jnp.int64)
    edge_label_index = jax.random.randint(k3, (2, N_LABEL_EDGES), 0, N_NODES, dtype=jnp.int64)
    # Learned parameters: single mean-aggregation GCN-style encoder layer (node_encoder)
    W = jax.random.normal(k4, (D_IN, D_OUT), dtype=jnp.float32) * (1.0 / np.sqrt(D_IN))
    return {"x": x, "edge_index": edge_index, "edge_label_index": edge_label_index, "W": W}


def reference(x, edge_index, edge_label_index, W):
    # node_encoder: mean message passing over incoming edges, then linear + ReLU
    src = edge_index[0]
    dst = edge_index[1]
    n = x.shape[0]
    msgs = jnp.take(x, src, axis=0)                      # gather  [E, D_IN]
    agg = jax.ops.segment_sum(msgs, dst, num_segments=n)  # scatter-add [N, D_IN]
    deg = jax.ops.segment_sum(jnp.ones((msgs.shape[0],), dtype=x.dtype), dst, num_segments=n)
    h = agg / jnp.clip(deg, 1.0)[:, None]
    h = jax.nn.relu(h @ W)
    # edge_predictor: dot product of endpoint embeddings -> logits
    nodes_first = jnp.take(h, edge_label_index[0], axis=0)
    nodes_second = jnp.take(h, edge_label_index[1], axis=0)
    pred = jnp.sum(nodes_first * nodes_second, axis=-1)
    return pred

if __name__ == "__main__":
    import jax
    _d = setup_inputs()
    print(jax.jit(kernel)(*tuple(_d.values())))

</pallas_src>

<mosaic_0001>
#map = affine_map<(d0, d1) -> (0, 0)>
#map1 = affine_map<(d0, d1) -> (0)>
module attributes {stable_mosaic.version = 14 : i64} {
  func.func @_predict_body(%arg0: i32, %arg1: i32, %arg2: memref<10240x128xf32, #tpu.memory_space<hbm>>, %arg3: memref<65792xi32, #tpu.memory_space<hbm>>, %arg4: memref<65792xi32, #tpu.memory_space<hbm>>, %arg5: memref<65536xf32, #tpu.memory_space<hbm>>, %arg6: memref<128xi32, #tpu.memory_space<vmem>>, %arg7: memref<128xi32, #tpu.memory_space<vmem>>, %arg8: memref<128xi32, #tpu.memory_space<vmem>>, %arg9: memref<128xi32, #tpu.memory_space<vmem>>, %arg10: memref<128x128xf32, #tpu.memory_space<vmem>>, %arg11: memref<128x128xf32, #tpu.memory_space<vmem>>, %arg12: memref<128x128xf32, #tpu.memory_space<vmem>>, %arg13: memref<128x128xf32, #tpu.memory_space<vmem>>, %arg14: memref<2048xf32, #tpu.memory_space<vmem>>, %arg15: memref<!tpu.dma_semaphore, #tpu.memory_space<semaphore_mem>>, %arg16: memref<!tpu.dma_semaphore, #tpu.memory_space<semaphore_mem>>) attributes {dimension_semantics = [#tpu.dimension_semantics<core_parallel>, #tpu.dimension_semantics<subcore_parallel>], iteration_bounds = array<i64: 2, 16>, scalar_prefetch = 0 : i64, scratch_operands = 11 : i64, tpu.core_type = #tpu.core_type<sc_vector_subcore>, window_params = [{transform_indices = #map}, {transform_indices = #map1}, {transform_indices = #map1}, {transform_indices = #map1}]} {
    %mul3A = arith.constant 16 : i32
    %mul3A_0 = arith.muli %arg0, %mul3A : i32
    %add3A = arith.addi %mul3A_0, %arg1 : i32
    %iota3A = tpu.iota {dimensions = array<i32: 0>} : vector<16xi32>
    %mul3A_1 = arith.constant 2048 : i32
    %mul3A_2 = arith.muli %add3A, %mul3A_1 : i32
    %add3A_3 = arith.constant 0 : i32
    %add3A_4 = arith.addi %mul3A_2, %add3A_3 : i32
    %dma_start3A = tpu.memref_slice %arg3[%add3A_4] : memref<65792xi32, #tpu.memory_space<hbm>> -> memref<128xi32, #tpu.memory_space<hbm>>
    %dma_start3A_5 = tpu.memref_slice %arg3[%add3A_4] : memref<65792xi32, #tpu.memory_space<hbm>> -> memref<128xi32, #tpu.memory_space<hbm>>
    tpu.enqueue_dma source(%dma_start3A_5 : memref<128xi32, #tpu.memory_space<hbm>>) target(%arg6 : memref<128xi32, #tpu.memory_space<vmem>>) target_semaphore(%arg15 : memref<!tpu.dma_semaphore, #tpu.memory_space<semaphore_mem>>)
    %mul3A_6 = arith.constant 2048 : i32
    %mul3A_7 = arith.muli %add3A, %mul3A_6 : i32
    %add3A_8 = arith.constant 0 : i32
    %add3A_9 = arith.addi %mul3A_7, %add3A_8 : i32
    %dma_start3A_10 = tpu.memref_slice %arg4[%add3A_9] : memref<65792xi32, #tpu.memory_space<hbm>> -> memref<128xi32, #tpu.memory_space<hbm>>
    %dma_start3A_11 = tpu.memref_slice %arg4[%add3A_9] : memref<65792xi32, #tpu.memory_space<hbm>> -> memref<128xi32, #tpu.memory_space<hbm>>
    tpu.enqueue_dma source(%dma_start3A_11 : memref<128xi32, #tpu.memory_space<hbm>>) target(%arg8 : memref<128xi32, #tpu.memory_space<vmem>>) target_semaphore(%arg15 : memref<!tpu.dma_semaphore, #tpu.memory_space<semaphore_mem>>)
    %mul3A_12 = arith.constant 2048 : i32
    %mul3A_13 = arith.muli %add3A, %mul3A_12 : i32
    %add3A_14 = arith.constant 128 : i32
    %add3A_15 = arith.addi %mul3A_13, %add3A_14 : i32
    %dma_start3A_16 = tpu.memref_slice %arg3[%add3A_15] : memref<65792xi32, #tpu.memory_space<hbm>> -> memref<128xi32, #tpu.memory_space<hbm>>
    %dma_start3A_17 = tpu.memref_slice %arg3[%add3A_15] : memref<65792xi32, #tpu.memory_space<hbm>> -> memref<128xi32, #tpu.memory_space<hbm>>
    tpu.enqueue_dma source(%dma_start3A_17 : memref<128xi32, #tpu.memory_space<hbm>>) target(%arg7 : memref<128xi32, #tpu.memory_space<vmem>>) target_semaphore(%arg15 : memref<!tpu.dma_semaphore, #tpu.memory_space<semaphore_mem>>)
    %mul3A_18 = arith.constant 2048 : i32
    %mul3A_19 = arith.muli %add3A, %mul3A_18 : i32
    %add3A_20 = arith.constant 128 : i32
    %add3A_21 = arith.addi %mul3A_19, %add3A_20 : i32
    %dma_start3A_22 = tpu.memref_slice %arg4[%add3A_21] : memref<65792xi32, #tpu.memory_space<hbm>> -> memref<128xi32, #tpu.memory_space<hbm>>
    %dma_start3A_23 = tpu.memref_slice %arg4[%add3A_21] : memref<65792xi32, #tpu.memory_space<hbm>> -> memref<128xi32, #tpu.memory_space<hbm>>
    tpu.enqueue_dma source(%dma_start3A_23 : memref<128xi32, #tpu.memory_space<hbm>>) target(%arg9 : memref<128xi32, #tpu.memory_space<vmem>>) target_semaphore(%arg15 : memref<!tpu.dma_semaphore, #tpu.memory_space<semaphore_mem>>)
    %dma_wait3A = arith.constant 0 : i32
    %dma_wait3A_24 = tpu.memref_slice %arg3[%dma_wait3A] : memref<65792xi32, #tpu.memory_space<hbm>> -> memref<128xi32, #tpu.memory_space<hbm>>
    %dma_wait3A_25 = arith.constant 0 : i32
    %dma_wait3A_26 = tpu.memref_slice %arg3[%dma_wait3A_25] : memref<65792xi32, #tpu.memory_space<hbm>> -> memref<128xi32, #tpu.memory_space<hbm>>
    tpu.wait_dma2 semaphore(%arg15 : memref<!tpu.dma_semaphore, #tpu.memory_space<semaphore_mem>>) src(%dma_wait3A_26 : memref<128xi32, #tpu.memory_space<hbm>>) dst(%arg6 : memref<128xi32, #tpu.memory_space<vmem>>)
    %dma_wait3A_27 = arith.constant 0 : i32
    %dma_wait3A_28 = tpu.memref_slice %arg3[%dma_wait3A_27] : memref<65792xi32, #tpu.memory_space<hbm>> -> memref<128xi32, #tpu.memory_space<hbm>>
    %dma_wait3A_29 = arith.constant 0 : i32
    %dma_wait3A_30 = tpu.memref_slice %arg3[%dma_wait3A_29] : memref<65792xi32, #tpu.memory_space<hbm>> -> memref<128xi32, #tpu.memory_space<hbm>>
    tpu.wait_dma2 semaphore(%arg15 : memref<!tpu.dma_semaphore, #tpu.memory_space<semaphore_mem>>) src(%dma_wait3A_30 : memref<128xi32, #tpu.memory_space<hbm>>) dst(%arg8 : memref<128xi32, #tpu.memory_space<vmem>>)
    %dma_start3A_31 = arith.constant 0 : i32
    %dma_start3A_32 = arith.constant 0 : i32
    %dma_start3A_33 = tpu.memref_slice %arg2[%dma_start3A_31, %dma_start3A_32] : memref<10240x128xf32, #tpu.memory_space<hbm>> -> memref<10240x128xf32, #tpu.memory_space<hbm>>
    tpu.enqueue_indirect_dma source(%dma_start3A_33 : memref<10240x128xf32, #tpu.memory_space<hbm>>) target(%arg10 : memref<128x128xf32, #tpu.memory_space<vmem>>) offsets(%arg6 : memref<128xi32, #tpu.memory_space<vmem>>) semaphore(%arg16 : memref<!tpu.dma_semaphore, #tpu.memory_space<semaphore_mem>>)
    %dma_start3A_34 = arith.constant 0 : i32
    %dma_start3A_35 = arith.constant 0 : i32
    %dma_start3A_36 = tpu.memref_slice %arg2[%dma_start3A_34, %dma_start3A_35] : memref<10240x128xf32, #tpu.memory_space<hbm>> -> memref<10240x128xf32, #tpu.memory_space<hbm>>
    tpu.enqueue_indirect_dma source(%dma_start3A_36 : memref<10240x128xf32, #tpu.memory_space<hbm>>) target(%arg12 : memref<128x128xf32, #tpu.memory_space<vmem>>) offsets(%arg8 : memref<128xi32, #tpu.memory_space<vmem>>) semaphore(%arg16 : memref<!tpu.dma_semaphore, #tpu.memory_space<semaphore_mem>>)
    %scan3A = arith.constant 0 : i32
    %scan3A_37 = arith.constant 8 : i32
    %scan3A_38 = arith.addi %scan3A, %scan3A_37 : i32
    %scan3A_39 = arith.constant 1 : i32
    scf.for %scan3A_63 = %scan3A to %scan3A_38 step %scan3A_39  : i32 {
      %mul3A_64 = arith.constant 2 : i32
      %mul3A_65 = arith.muli %scan3A_63, %mul3A_64 : i32
      %add3A_66 = arith.constant 0 : i32
      %add3A_67 = arith.addi %add3A_66, %mul3A_65 : i32
      %add3A_68 = arith.constant 0 : i32
      %add3A_69 = arith.addi %add3A_67, %add3A_68 : i32
      %dma_wait3A_70 = arith.constant 0 : i32
      %dma_wait3A_71 = arith.constant 0 : i32
      %dma_wait3A_72 = tpu.memref_slice %arg2[%dma_wait3A_70, %dma_wait3A_71] : memref<10240x128xf32, #tpu.memory_space<hbm>> -> memref<128x128xf32, #tpu.memory_space<hbm>>
      %dma_wait3A_73 = arith.constant 0 : i32
      %dma_wait3A_74 = arith.constant 0 : i32
      %dma_wait3A_75 = tpu.memref_slice %arg2[%dma_wait3A_73, %dma_wait3A_74] : memref<10240x128xf32, #tpu.memory_space<hbm>> -> memref<128x128xf32, #tpu.memory_space<hbm>>
      tpu.wait_dma2 semaphore(%arg16 : memref<!tpu.dma_semaphore, #tpu.memory_space<semaphore_mem>>) src(%dma_wait3A_75 : memref<128x128xf32, #tpu.memory_space<hbm>>) dst(%arg10 : memref<128x128xf32, #tpu.memory_space<vmem>>)
      %dma_wait3A_76 = arith.constant 0 : i32
      %dma_wait3A_77 = arith.constant 0 : i32
      %dma_wait3A_78 = tpu.memref_slice %arg2[%dma_wait3A_76, %dma_wait3A_77] : memref<10240x128xf32, #tpu.memory_space<hbm>> -> memref<128x128xf32, #tpu.memory_space<hbm>>
      %dma_wait3A_79 = arith.constant 0 : i32
      %dma_wait3A_80 = arith.constant 0 : i32
      %dma_wait3A_81 = tpu.memref_slice %arg2[%dma_wait3A_79, %dma_wait3A_80] : memref<10240x128xf32, #tpu.memory_space<hbm>> -> memref<128x128xf32, #tpu.memory_space<hbm>>
      tpu.wait_dma2 semaphore(%arg16 : memref<!tpu.dma_semaphore, #tpu.memory_space<semaphore_mem>>) src(%dma_wait3A_81 : memref<128x128xf32, #tpu.memory_space<hbm>>) dst(%arg12 : memref<128x128xf32, #tpu.memory_space<vmem>>)
      %dma_wait3A_82 = arith.constant 0 : i32
      %dma_wait3A_83 = tpu.memref_slice %arg3[%dma_wait3A_82] : memref<65792xi32, #tpu.memory_space<hbm>> -> memref<128xi32, #tpu.memory_space<hbm>>
      %dma_wait3A_84 = arith.constant 0 : i32
      %dma_wait3A_85 = tpu.memref_slice %arg3[%dma_wait3A_84] : memref<65792xi32, #tpu.memory_space<hbm>> -> memref<128xi32, #tpu.memory_space<hbm>>
      tpu.wait_dma2 semaphore(%arg15 : memref<!tpu.dma_semaphore, #tpu.memory_space<semaphore_mem>>) src(%dma_wait3A_85 : memref<128xi32, #tpu.memory_space<hbm>>) dst(%arg6 : memref<128xi32, #tpu.memory_space<vmem>>)
      %dma_wait3A_86 = arith.constant 0 : i32
      %dma_wait3A_87 = tpu.memref_slice %arg3[%dma_wait3A_86] : memref<65792xi32, #tpu.memory_space<hbm>> -> memref<128xi32, #tpu.memory_space<hbm>>
      %dma_wait3A_88 = arith.constant 0 : i32
      %dma_wait3A_89 = tpu.memref_slice %arg3[%dma_wait3A_88] : memref<65792xi32, #tpu.memory_space<hbm>> -> memref<128xi32, #tpu.memory_space<hbm>>
      tpu.wait_dma2 semaphore(%arg15 : memref<!tpu.dma_semaphore, #tpu.memory_space<semaphore_mem>>) src(%dma_wait3A_89 : memref<128xi32, #tpu.memory_space<hbm>>) dst(%arg8 : memref<128xi32, #tpu.memory_space<vmem>>)
      %dma_start3A_90 = arith.constant 0 : i32
      %dma_start3A_91 = arith.constant 0 : i32
      %dma_start3A_92 = tpu.memref_slice %arg2[%dma_start3A_90, %dma_start3A_91] : memref<10240x128xf32, #tpu.memory_space<hbm>> -> memref<10240x128xf32, #tpu.memory_space<hbm>>
      tpu.enqueue_indirect_dma source(%dma_start3A_92 : memref<10240x128xf32, #tpu.memory_space<hbm>>) target(%arg11 : memref<128x128xf32, #tpu.memory_space<vmem>>) offsets(%arg7 : memref<128xi32, #tpu.memory_space<vmem>>) semaphore(%arg16 : memref<!tpu.dma_semaphore, #tpu.memory_space<semaphore_mem>>)
      %dma_start3A_93 = arith.constant 0 : i32
      %dma_start3A_94 = arith.constant 0 : i32
      %dma_start3A_95 = tpu.memref_slice %arg2[%dma_start3A_93, %dma_start3A_94] : memref<10240x128xf32, #tpu.memory_space<hbm>> -> memref<10240x128xf32, #tpu.memory_space<hbm>>
      tpu.enqueue_indirect_dma source(%dma_start3A_95 : memref<10240x128xf32, #tpu.memory_space<hbm>>) target(%arg13 : memref<128x128xf32, #tpu.memory_space<vmem>>) offsets(%arg9 : memref<128xi32, #tpu.memory_space<vmem>>) semaphore(%arg16 : memref<!tpu.dma_semaphore, #tpu.memory_space<semaphore_mem>>)
      %add3A_96 = arith.constant 2 : i32
      %add3A_97 = arith.addi %add3A_69, %add3A_96 : i32
      %mul3A_98 = arith.constant 2048 : i32
      %mul3A_99 = arith.muli %add3A, %mul3A_98 : i32
      %mul3A_100 = arith.constant 128 : i32
      %mul3A_101 = arith.muli %add3A_97, %mul3A_100 : i32
      %add3A_102 = arith.addi %mul3A_99, %mul3A_101 : i32
      %dma_start3A_103 = tpu.memref_slice %arg3[%add3A_102] : memref<65792xi32, #tpu.memory_space<hbm>> -> memref<128xi32, #tpu.memory_space<hbm>>
      %dma_start3A_104 = tpu.memref_slice %arg3[%add3A_102] : memref<65792xi32, #tpu.memory_space<hbm>> -> memref<128xi32, #tpu.memory_space<hbm>>
      tpu.enqueue_dma source(%dma_start3A_104 : memref<128xi32, #tpu.memory_space<hbm>>) target(%arg6 : memref<128xi32, #tpu.memory_space<vmem>>) target_semaphore(%arg15 : memref<!tpu.dma_semaphore, #tpu.memory_space<semaphore_mem>>)
      %mul3A_105 = arith.constant 2048 : i32
      %mul3A_106 = arith.muli %add3A, %mul3A_105 : i32
      %mul3A_107 = arith.constant 128 : i32
      %mul3A_108 = arith.muli %add3A_97, %mul3A_107 : i32
      %add3A_109 = arith.addi %mul3A_106, %mul3A_108 : i32
      %dma_start3A_110 = tpu.memref_slice %arg4[%add3A_109] : memref<65792xi32, #tpu.memory_space<hbm>> -> memref<128xi32, #tpu.memory_space<hbm>>
      %dma_start3A_111 = tpu.memref_slice %arg4[%add3A_109] : memref<65792xi32, #tpu.memory_space<hbm>> -> memref<128xi32, #tpu.memory_space<hbm>>
      tpu.enqueue_dma source(%dma_start3A_111 : memref<128xi32, #tpu.memory_space<hbm>>) target(%arg8 : memref<128xi32, #tpu.memory_space<vmem>>) target_semaphore(%arg15 : memref<!tpu.dma_semaphore, #tpu.memory_space<semaphore_mem>>)
      %broadcast_in_dim3A = arith.constant 0.000000e+00 : f32
      %broadcast_in_dim3A_112 = vector.broadcast %broadcast_in_dim3A : f32 to vector<16xf32>
      %scan3A_113 = arith.constant 0 : i32
      %scan3A_114 = arith.constant 128 : i32
      %scan3A_115 = arith.addi %scan3A_113, %scan3A_114 : i32
      %scan3A_116 = arith.constant 1 : i32
      %scan3A_117 = scf.for %scan3A_171 = %scan3A_113 to %scan3A_115 step %scan3A_116 iter_args(%scan3A_172 = %broadcast_in_dim3A_112) -> (vector<16xf32>)  : i32 {
        %get3A = arith.constant 0 : i32
        %get3A_173 = tpu.memref_slice %arg10[%scan3A_171, %get3A] : memref<128x128xf32, #tpu.memory_space<vmem>> -> memref<1x128xf32, #tpu.memory_space<vmem>>
        %get3A_174 = tpu.memref_squeeze %get3A_173 : memref<1x128xf32, #tpu.memory_space<vmem>> -> memref<128xf32, #tpu.memory_space<vmem>>
        %get3A_175 = arith.constant 0 : index
        %get3A_176 = tpu.vector_load %get3A_174[%get3A_175] {strides = array<i32>} : memref<128xf32, #tpu.memory_space<vmem>>, vector<16xf32>,
        %get3A_177 = arith.constant 0 : i32
        %get3A_178 = tpu.memref_slice %arg12[%scan3A_171, %get3A_177] : memref<128x128xf32, #tpu.memory_space<vmem>> -> memref<1x128xf32, #tpu.memory_space<vmem>>
        %get3A_179 = tpu.memref_squeeze %get3A_178 : memref<1x128xf32, #tpu.memory_space<vmem>> -> memref<128xf32, #tpu.memory_space<vmem>>
        %get3A_180 = arith.constant 0 : index
        %get3A_181 = tpu.vector_load %get3A_179[%get3A_180] {strides = array<i32>} : memref<128xf32, #tpu.memory_space<vmem>>, vector<16xf32>,
        %mul3A_182 = arith.mulf %get3A_176, %get3A_181 : vector<16xf32>
        %get3A_183 = arith.constant 0 : i32
        %get3A_184 = tpu.memref_slice %arg10[%scan3A_171, %get3A_183] : memref<128x128xf32, #tpu.memory_space<vmem>> -> memref<1x128xf32, #tpu.memory_space<vmem>>
        %get3A_185 = tpu.memref_squeeze %get3A_184 : memref<1x128xf32, #tpu.memory_space<vmem>> -> memref<128xf32, #tpu.memory_space<vmem>>
        %get3A_186 = arith.constant 16 : index
        %get3A_187 = tpu.vector_load %get3A_185[%get3A_186] {strides = array<i32>} : memref<128xf32, #tpu.memory_space<vmem>>, vector<16xf32>,
        %get3A_188 = arith.constant 0 : i32
        %get3A_189 = tpu.memref_slice %arg12[%scan3A_171, %get3A_188] : memref<128x128xf32, #tpu.memory_space<vmem>> -> memref<1x128xf32, #tpu.memory_space<vmem>>
        %get3A_190 = tpu.memref_squeeze %get3A_189 : memref<1x128xf32, #tpu.memory_space<vmem>> -> memref<128xf32, #tpu.memory_space<vmem>>
        %get3A_191 = arith.constant 16 : index
        %get3A_192 = tpu.vector_load %get3A_190[%get3A_191] {strides = array<i32>} : memref<128xf32, #tpu.memory_space<vmem>>, vector<16xf32>,
        %mul3A_193 = arith.mulf %get3A_187, %get3A_192 : vector<16xf32>
        %add3A_194 = arith.addf %mul3A_182, %mul3A_193 : vector<16xf32>
        %get3A_195 = arith.constant 0 : i32
        %get3A_196 = tpu.memref_slice %arg10[%scan3A_171, %get3A_195] : memref<128x128xf32, #tpu.memory_space<vmem>> -> memref<1x128xf32, #tpu.memory_space<vmem>>
        %get3A_197 = tpu.memref_squeeze %get3A_196 : memref<1x128xf32, #tpu.memory_space<vmem>> -> memref<128xf32, #tpu.memory_space<vmem>>
        %get3A_198 = arith.constant 32 : index
        %get3A_199 = tpu.vector_load %get3A_197[%get3A_198] {strides = array<i32>} : memref<128xf32, #tpu.memory_space<vmem>>, vector<16xf32>,
        %get3A_200 = arith.constant 0 : i32
        %get3A_201 = tpu.memref_slice %arg12[%scan3A_171, %get3A_200] : memref<128x128xf32, #tpu.memory_space<vmem>> -> memref<1x128xf32, #tpu.memory_space<vmem>>
        %get3A_202 = tpu.memref_squeeze %get3A_201 : memref<1x128xf32, #tpu.memory_space<vmem>> -> memref<128xf32, #tpu.memory_space<vmem>>
        %get3A_203 = arith.constant 32 : index
        %get3A_204 = tpu.vector_load %get3A_202[%get3A_203] {strides = array<i32>} : memref<128xf32, #tpu.memory_space<vmem>>, vector<16xf32>,
        %mul3A_205 = arith.mulf %get3A_199, %get3A_204 : vector<16xf32>
        %add3A_206 = arith.addf %add3A_194, %mul3A_205 : vector<16xf32>
        %get3A_207 = arith.constant 0 : i32
        %get3A_208 = tpu.memref_slice %arg10[%scan3A_171, %get3A_207] : memref<128x128xf32, #tpu.memory_space<vmem>> -> memref<1x128xf32, #tpu.memory_space<vmem>>
        %get3A_209 = tpu.memref_squeeze %get3A_208 : memref<1x128xf32, #tpu.memory_space<vmem>> -> memref<128xf32, #tpu.memory_space<vmem>>
        %get3A_210 = arith.constant 48 : index
        %get3A_211 = tpu.vector_load %get3A_209[%get3A_210] {strides = array<i32>} : memref<128xf32, #tpu.memory_space<vmem>>, vector<16xf32>,
        %get3A_212 = arith.constant 0 : i32
        %get3A_213 = tpu.memref_slice %arg12[%scan3A_171, %get3A_212] : memref<128x128xf32, #tpu.memory_space<vmem>> -> memref<1x128xf32, #tpu.memory_space<vmem>>
        %get3A_214 = tpu.memref_squeeze %get3A_213 : memref<1x128xf32, #tpu.memory_space<vmem>> -> memref<128xf32, #tpu.memory_space<vmem>>
        %get3A_215 = arith.constant 48 : index
        %get3A_216 = tpu.vector_load %get3A_214[%get3A_215] {strides = array<i32>} : memref<128xf32, #tpu.memory_space<vmem>>, vector<16xf32>,
        %mul3A_217 = arith.mulf %get3A_211, %get3A_216 : vector<16xf32>
        %add3A_218 = arith.addf %add3A_206, %mul3A_217 : vector<16xf32>
        %get3A_219 = arith.constant 0 : i32
        %get3A_220 = tpu.memref_slice %arg10[%scan3A_171, %get3A_219] : memref<128x128xf32, #tpu.memory_space<vmem>> -> memref<1x128xf32, #tpu.memory_space<vmem>>
        %get3A_221 = tpu.memref_squeeze %get3A_220 : memref<1x128xf32, #tpu.memory_space<vmem>> -> memref<128xf32, #tpu.memory_space<vmem>>
        %get3A_222 = arith.constant 64 : index
        %get3A_223 = tpu.vector_load %get3A_221[%get3A_222] {strides = array<i32>} : memref<128xf32, #tpu.memory_space<vmem>>, vector<16xf32>,
        %get3A_224 = arith.constant 0 : i32
        %get3A_225 = tpu.memref_slice %arg12[%scan3A_171, %get3A_224] : memref<128x128xf32, #tpu.memory_space<vmem>> -> memref<1x128xf32, #tpu.memory_space<vmem>>
        %get3A_226 = tpu.memref_squeeze %get3A_225 : memref<1x128xf32, #tpu.memory_space<vmem>> -> memref<128xf32, #tpu.memory_space<vmem>>
        %get3A_227 = arith.constant 64 : index
        %get3A_228 = tpu.vector_load %get3A_226[%get3A_227] {strides = array<i32>} : memref<128xf32, #tpu.memory_space<vmem>>, vector<16xf32>,
        %mul3A_229 = arith.mulf %get3A_223, %get3A_228 : vector<16xf32>
        %add3A_230 = arith.addf %add3A_218, %mul3A_229 : vector<16xf32>
        %get3A_231 = arith.constant 0 : i32
        %get3A_232 = tpu.memref_slice %arg10[%scan3A_171, %get3A_231] : memref<128x128xf32, #tpu.memory_space<vmem>> -> memref<1x128xf32, #tpu.memory_space<vmem>>
        %get3A_233 = tpu.memref_squeeze %get3A_232 : memref<1x128xf32, #tpu.memory_space<vmem>> -> memref<128xf32, #tpu.memory_space<vmem>>
        %get3A_234 = arith.constant 80 : index
        %get3A_235 = tpu.vector_load %get3A_233[%get3A_234] {strides = array<i32>} : memref<128xf32, #tpu.memory_space<vmem>>, vector<16xf32>,
        %get3A_236 = arith.constant 0 : i32
        %get3A_237 = tpu.memref_slice %arg12[%scan3A_171, %get3A_236] : memref<128x128xf32, #tpu.memory_space<vmem>> -> memref<1x128xf32, #tpu.memory_space<vmem>>
        %get3A_238 = tpu.memref_squeeze %get3A_237 : memref<1x128xf32, #tpu.memory_space<vmem>> -> memref<128xf32, #tpu.memory_space<vmem>>
        %get3A_239 = arith.constant 80 : index
        %get3A_240 = tpu.vector_load %get3A_238[%get3A_239] {strides = array<i32>} : memref<128xf32, #tpu.memory_space<vmem>>, vector<16xf32>,
        %mul3A_241 = arith.mulf %get3A_235, %get3A_240 : vector<16xf32>
        %add3A_242 = arith.addf %add3A_230, %mul3A_241 : vector<16xf32>
        %get3A_243 = arith.constant 0 : i32
        %get3A_244 = tpu.memref_slice %arg10[%scan3A_171, %get3A_243] : memref<128x128xf32, #tpu.memory_space<vmem>> -> memref<1x128xf32, #tpu.memory_space<vmem>>
        %get3A_245 = tpu.memref_squeeze %get3A_244 : memref<1x128xf32, #tpu.memory_space<vmem>> -> memref<128xf32, #tpu.memory_space<vmem>>
        %get3A_246 = arith.constant 96 : index
        %get3A_247 = tpu.vector_load %get3A_245[%get3A_246] {strides = array<i32>} : memref<128xf32, #tpu.memory_space<vmem>>, vector<16xf32>,
        %get3A_248 = arith.constant 0 : i32
        %get3A_249 = tpu.memref_slice %arg12[%scan3A_171, %get3A_248] : memref<128x128xf32, #tpu.memory_space<vmem>> -> memref<1x128xf32, #tpu.memory_space<vmem>>
        %get3A_250 = tpu.memref_squeeze %get3A_249 : memref<1x128xf32, #tpu.memory_space<vmem>> -> memref<128xf32, #tpu.memory_space<vmem>>
        %get3A_251 = arith.constant 96 : index
        %get3A_252 = tpu.vector_load %get3A_250[%get3A_251] {strides = array<i32>} : memref<128xf32, #tpu.memory_space<vmem>>, vector<16xf32>,
        %mul3A_253 = arith.mulf %get3A_247, %get3A_252 : vector<16xf32>
        %add3A_254 = arith.addf %add3A_242, %mul3A_253 : vector<16xf32>
        %get3A_255 = arith.constant 0 : i32
        %get3A_256 = tpu.memref_slice %arg10[%scan3A_171, %get3A_255] : memref<128x128xf32, #tpu.memory_space<vmem>> -> memref<1x128xf32, #tpu.memory_space<vmem>>
        %get3A_257 = tpu.memref_squeeze %get3A_256 : memref<1x128xf32, #tpu.memory_space<vmem>> -> memref<128xf32, #tpu.memory_space<vmem>>
        %get3A_258 = arith.constant 112 : index
        %get3A_259 = tpu.vector_load %get3A_257[%get3A_258] {strides = array<i32>} : memref<128xf32, #tpu.memory_space<vmem>>, vector<16xf32>,
        %get3A_260 = arith.constant 0 : i32
        %get3A_261 = tpu.memref_slice %arg12[%scan3A_171, %get3A_260] : memref<128x128xf32, #tpu.memory_space<vmem>> -> memref<1x128xf32, #tpu.memory_space<vmem>>
        %get3A_262 = tpu.memref_squeeze %get3A_261 : memref<1x128xf32, #tpu.memory_space<vmem>> -> memref<128xf32, #tpu.memory_space<vmem>>
        %get3A_263 = arith.constant 112 : index
        %get3A_264 = tpu.vector_load %get3A_262[%get3A_263] {strides = array<i32>} : memref<128xf32, #tpu.memory_space<vmem>>, vector<16xf32>,
        %mul3A_265 = arith.mulf %get3A_259, %get3A_264 : vector<16xf32>
        %add3A_266 = arith.addf %add3A_254, %mul3A_265 : vector<16xf32>
        %reduce_sum3A = arith.constant true
        %reduce_sum3A_267 = vector.broadcast %reduce_sum3A : i1 to vector<16xi1>
        %reduce_sum3A_268 = tpu.scan <sum>, %add3A_266 masked %reduce_sum3A_267 : vector<16xf32>, vector<16xi1> -> vector<16xf32>
        %reduce_sum3A_269 = vector.extract %reduce_sum3A_268[15] : f32 from vector<16xf32>
        %jit3A = arith.constant 16 : i32
        %eq3A = arith.constant 0 : i32
        %eq3A_270 = arith.cmpi eq, %jit3A, %eq3A : i32
        %jit3A_271 = arith.constant 1 : i32
        %select_n3A = arith.select %eq3A_270, %jit3A_271, %jit3A : i32
        %rem3A = arith.remsi %scan3A_171, %select_n3A : i32
        %ne3A = arith.constant 0 : i32
        %ne3A_272 = arith.cmpi ne, %rem3A, %ne3A : i32
        %lt3A = arith.constant 0 : i32
        %lt3A_273 = arith.cmpi slt, %rem3A, %lt3A : i32
        %lt3A_274 = arith.constant 0 : i32
        %lt3A_275 = arith.cmpi slt, %select_n3A, %lt3A_274 : i32
        %ne3A_276 = arith.xori %lt3A_273, %lt3A_275 : i1
        %and3A = arith.andi %ne3A_276, %ne3A_272 : i1
        %add3A_277 = arith.addi %rem3A, %select_n3A : i32
        %select_n3A_278 = arith.select %and3A, %add3A_277, %rem3A : i32
        %eq3A_279 = vector.broadcast %select_n3A_278 : i32 to vector<16xi32>
        %eq3A_280 = arith.cmpi eq, %iota3A, %eq3A_279 : vector<16xi32>
        %broadcast_in_dim3A_281 = vector.broadcast %reduce_sum3A_269 : f32 to vector<16xf32>
        %select_n3A_282 = arith.select %eq3A_280, %broadcast_in_dim3A_281, %scan3A_172 : vector<16xi1>, vector<16xf32>
        %eq3A_283 = arith.constant 15 : i32
        %eq3A_284 = arith.cmpi eq, %select_n3A_278, %eq3A_283 : i32
        %convert_element_type3A = arith.extui %eq3A_284 : i1 to i32
        %cond3A = arith.constant 0 : i32
        %cond3A_285 = arith.cmpi ne, %convert_element_type3A, %cond3A : i32
        scf.if %cond3A_285 {
          %mul3A_286 = arith.constant 128 : i32
          %mul3A_287 = arith.muli %add3A_69, %mul3A_286 : i32
          %add3A_288 = arith.addi %mul3A_287, %scan3A_171 : i32
          %sub3A = arith.constant 15 : i32
          %sub3A_289 = arith.subi %add3A_288, %sub3A : i32
          %swap3A = arith.index_cast %sub3A_289 : i32 to index
          %swap3A_290 = tpu.vector_load %arg14[%swap3A] {strides = array<i32>} : memref<2048xf32, #tpu.memory_space<vmem>>, vector<16xf32>,
          tpu.vector_store %arg14[%swap3A], %select_n3A_282 {strides = array<i32>} : memref<2048xf32, #tpu.memory_space<vmem>>, vector<16xf32>,
        } else {
        }
        scf.yield %select_n3A_282 : vector<16xf32>
      }
      %scan3A_118 = arith.constant 128 : i32
      %add3A_119 = arith.constant 1 : i32
      %add3A_120 = arith.addi %add3A_67, %add3A_119 : i32
      %dma_wait3A_121 = arith.constant 0 : i32
      %dma_wait3A_122 = arith.constant 0 : i32
      %dma_wait3A_123 = tpu.memref_slice %arg2[%dma_wait3A_121, %dma_wait3A_122] : memref<10240x128xf32, #tpu.memory_space<hbm>> -> memref<128x128xf32, #tpu.memory_space<hbm>>
      %dma_wait3A_124 = arith.constant 0 : i32
      %dma_wait3A_125 = arith.constant 0 : i32
      %dma_wait3A_126 = tpu.memref_slice %arg2[%dma_wait3A_124, %dma_wait3A_125] : memref<10240x128xf32, #tpu.memory_space<hbm>> -> memref<128x128xf32, #tpu.memory_space<hbm>>
      tpu.wait_dma2 semaphore(%arg16 : memref<!tpu.dma_semaphore, #tpu.memory_space<semaphore_mem>>) src(%dma_wait3A_126 : memref<128x128xf32, #tpu.memory_space<hbm>>) dst(%arg11 : memref<128x128xf32, #tpu.memory_space<vmem>>)
      %dma_wait3A_127 = arith.constant 0 : i32
      %dma_wait3A_128 = arith.constant 0 : i32
      %dma_wait3A_129 = tpu.memref_slice %arg2[%dma_wait3A_127, %dma_wait3A_128] : memref<10240x128xf32, #tpu.memory_space<hbm>> -> memref<128x128xf32, #tpu.memory_space<hbm>>
      %dma_wait3A_130 = arith.constant 0 : i32
      %dma_wait3A_131 = arith.constant 0 : i32
      %dma_wait3A_132 = tpu.memref_slice %arg2[%dma_wait3A_130, %dma_wait3A_131] : memref<10240x128xf32, #tpu.memory_space<hbm>> -> memref<128x128xf32, #tpu.memory_space<hbm>>
      tpu.wait_dma2 semaphore(%arg16 : memref<!tpu.dma_semaphore, #tpu.memory_space<semaphore_mem>>) src(%dma_wait3A_132 : memref<128x128xf32, #tpu.memory_space<hbm>>) dst(%arg13 : memref<128x128xf32, #tpu.memory_space<vmem>>)
      %dma_wait3A_133 = arith.constant 0 : i32
      %dma_wait3A_134 = tpu.memref_slice %arg3[%dma_wait3A_133] : memref<65792xi32, #tpu.memory_space<hbm>> -> memref<128xi32, #tpu.memory_space<hbm>>
      %dma_wait3A_135 = arith.constant 0 : i32
      %dma_wait3A_136 = tpu.memref_slice %arg3[%dma_wait3A_135] : memref<65792xi32, #tpu.memory_space<hbm>> -> memref<128xi32, #tpu.memory_space<hbm>>
      tpu.wait_dma2 semaphore(%arg15 : memref<!tpu.dma_semaphore, #tpu.memory_space<semaphore_mem>>) src(%dma_wait3A_136 : memref<128xi32, #tpu.memory_space<hbm>>) dst(%arg6 : memref<128xi32, #tpu.memory_space<vmem>>)
      %dma_wait3A_137 = arith.constant 0 : i32
      %dma_wait3A_138 = tpu.memref_slice %arg3[%dma_wait3A_137] : memref<65792xi32, #tpu.memory_space<hbm>> -> memref<128xi32, #tpu.memory_space<hbm>>
      %dma_wait3A_139 = arith.constant 0 : i32
      %dma_wait3A_140 = tpu.memref_slice %arg3[%dma_wait3A_139] : memref<65792xi32, #tpu.memory_space<hbm>> -> memref<128xi32, #tpu.memory_space<hbm>>
      tpu.wait_dma2 semaphore(%arg15 : memref<!tpu.dma_semaphore, #tpu.memory_space<semaphore_mem>>) src(%dma_wait3A_140 : memref<128xi32, #tpu.memory_space<hbm>>) dst(%arg8 : memref<128xi32, #tpu.memory_space<vmem>>)
      %dma_start3A_141 = arith.constant 0 : i32
      %dma_start3A_142 = arith.constant 0 : i32
      %dma_start3A_143 = tpu.memref_slice %arg2[%dma_start3A_141, %dma_start3A_142] : memref<10240x128xf32, #tpu.memory_space<hbm>> -> memref<10240x128xf32, #tpu.memory_space<hbm>>
      tpu.enqueue_indirect_dma source(%dma_start3A_143 : memref<10240x128xf32, #tpu.memory_space<hbm>>) target(%arg10 : memref<128x128xf32, #tpu.memory_space<vmem>>) offsets(%arg6 : memref<128xi32, #tpu.memory_space<vmem>>) semaphore(%arg16 : memref<!tpu.dma_semaphore, #tpu.memory_space<semaphore_mem>>)
      %dma_start3A_144 = arith.constant 0 : i32
      %dma_start3A_145 = arith.constant 0 : i32
      %dma_start3A_146 = tpu.memref_slice %arg2[%dma_start3A_144, %dma_start3A_145] : memref<10240x128xf32, #tpu.memory_space<hbm>> -> memref<10240x128xf32, #tpu.memory_space<hbm>>
      tpu.enqueue_indirect_dma source(%dma_start3A_146 : memref<10240x128xf32, #tpu.memory_space<hbm>>) target(%arg12 : memref<128x128xf32, #tpu.memory_space<vmem>>) offsets(%arg8 : memref<128xi32, #tpu.memory_space<vmem>>) semaphore(%arg16 : memref<!tpu.dma_semaphore, #tpu.memory_space<semaphore_mem>>)
      %add3A_147 = arith.constant 2 : i32
      %add3A_148 = arith.addi %add3A_120, %add3A_147 : i32
      %mul3A_149 = arith.constant 2048 : i32
      %mul3A_150 = arith.muli %add3A, %mul3A_149 : i32
      %mul3A_151 = arith.constant 128 : i32
      %mul3A_152 = arith.muli %add3A_148, %mul3A_151 : i32
      %add3A_153 = arith.addi %mul3A_150, %mul3A_152 : i32
      %dma_start3A_154 = tpu.memref_slice %arg3[%add3A_153] : memref<65792xi32, #tpu.memory_space<hbm>> -> memref<128xi32, #tpu.memory_space<hbm>>
      %dma_start3A_155 = tpu.memref_slice %arg3[%add3A_153] : memref<65792xi32, #tpu.memory_space<hbm>> -> memref<128xi32, #tpu.memory_space<hbm>>
      tpu.enqueue_dma source(%dma_start3A_155 : memref<128xi32, #tpu.memory_space<hbm>>) target(%arg7 : memref<128xi32, #tpu.memory_space<vmem>>) target_semaphore(%arg15 : memref<!tpu.dma_semaphore, #tpu.memory_space<semaphore_mem>>)
      %mul3A_156 = arith.constant 2048 : i32
      %mul3A_157 = arith.muli %add3A, %mul3A_156 : i32
      %mul3A_158 = arith.constant 128 : i32
      %mul3A_159 = arith.muli %add3A_148, %mul3A_158 : i32
      %add3A_160 = arith.addi %mul3A_157, %mul3A_159 : i32
      %dma_start3A_161 = tpu.memref_slice %arg4[%add3A_160] : memref<65792xi32, #tpu.memory_space<hbm>> -> memref<128xi32, #tpu.memory_space<hbm>>
      %dma_start3A_162 = tpu.memref_slice %arg4[%add3A_160] : memref<65792xi32, #tpu.memory_space<hbm>> -> memref<128xi32, #tpu.memory_space<hbm>>
      tpu.enqueue_dma source(%dma_start3A_162 : memref<128xi32, #tpu.memory_space<hbm>>) target(%arg9 : memref<128xi32, #tpu.memory_space<vmem>>) target_semaphore(%arg15 : memref<!tpu.dma_semaphore, #tpu.memory_space<semaphore_mem>>)
      %broadcast_in_dim3A_163 = arith.constant 0.000000e+00 : f32
      %broadcast_in_dim3A_164 = vector.broadcast %broadcast_in_dim3A_163 : f32 to vector<16xf32>
      %scan3A_165 = arith.constant 0 : i32
      %scan3A_166 = arith.constant 128 : i32
      %scan3A_167 = arith.addi %scan3A_165, %scan3A_166 : i32
      %scan3A_168 = arith.constant 1 : i32
      %scan3A_169 = scf.for %scan3A_171 = %scan3A_165 to %scan3A_167 step %scan3A_168 iter_args(%scan3A_172 = %broadcast_in_dim3A_164) -> (vector<16xf32>)  : i32 {
        %get3A = arith.constant 0 : i32
        %get3A_173 = tpu.memref_slice %arg11[%scan3A_171, %get3A] : memref<128x128xf32, #tpu.memory_space<vmem>> -> memref<1x128xf32, #tpu.memory_space<vmem>>
        %get3A_174 = tpu.memref_squeeze %get3A_173 : memref<1x128xf32, #tpu.memory_space<vmem>> -> memref<128xf32, #tpu.memory_space<vmem>>
        %get3A_175 = arith.constant 0 : index
        %get3A_176 = tpu.vector_load %get3A_174[%get3A_175] {strides = array<i32>} : memref<128xf32, #tpu.memory_space<vmem>>, vector<16xf32>,
        %get3A_177 = arith.constant 0 : i32
        %get3A_178 = tpu.memref_slice %arg13[%scan3A_171, %get3A_177] : memref<128x128xf32, #tpu.memory_space<vmem>> -> memref<1x128xf32, #tpu.memory_space<vmem>>
        %get3A_179 = tpu.memref_squeeze %get3A_178 : memref<1x128xf32, #tpu.memory_space<vmem>> -> memref<128xf32, #tpu.memory_space<vmem>>
        %get3A_180 = arith.constant 0 : index
        %get3A_181 = tpu.vector_load %get3A_179[%get3A_180] {strides = array<i32>} : memref<128xf32, #tpu.memory_space<vmem>>, vector<16xf32>,
        %mul3A_182 = arith.mulf %get3A_176, %get3A_181 : vector<16xf32>
        %get3A_183 = arith.constant 0 : i32
        %get3A_184 = tpu.memref_slice %arg11[%scan3A_171, %get3A_183] : memref<128x128xf32, #tpu.memory_space<vmem>> -> memref<1x128xf32, #tpu.memory_space<vmem>>
        %get3A_185 = tpu.memref_squeeze %get3A_184 : memref<1x128xf32, #tpu.memory_space<vmem>> -> memref<128xf32, #tpu.memory_space<vmem>>
        %get3A_186 = arith.constant 16 : index
        %get3A_187 = tpu.vector_load %get3A_185[%get3A_186] {strides = array<i32>} : memref<128xf32, #tpu.memory_space<vmem>>, vector<16xf32>,
        %get3A_188 = arith.constant 0 : i32
        %get3A_189 = tpu.memref_slice %arg13[%scan3A_171, %get3A_188] : memref<128x128xf32, #tpu.memory_space<vmem>> -> memref<1x128xf32, #tpu.memory_space<vmem>>
        %get3A_190 = tpu.memref_squeeze %get3A_189 : memref<1x128xf32, #tpu.memory_space<vmem>> -> memref<128xf32, #tpu.memory_space<vmem>>
        %get3A_191 = arith.constant 16 : index
        %get3A_192 = tpu.vector_load %get3A_190[%get3A_191] {strides = array<i32>} : memref<128xf32, #tpu.memory_space<vmem>>, vector<16xf32>,
        %mul3A_193 = arith.mulf %get3A_187, %get3A_192 : vector<16xf32>
        %add3A_194 = arith.addf %mul3A_182, %mul3A_193 : vector<16xf32>
        %get3A_195 = arith.constant 0 : i32
        %get3A_196 = tpu.memref_slice %arg11[%scan3A_171, %get3A_195] : memref<128x128xf32, #tpu.memory_space<vmem>> -> memref<1x128xf32, #tpu.memory_space<vmem>>
        %get3A_197 = tpu.memref_squeeze %get3A_196 : memref<1x128xf32, #tpu.memory_space<vmem>> -> memref<128xf32, #tpu.memory_space<vmem>>
        %get3A_198 = arith.constant 32 : index
        %get3A_199 = tpu.vector_load %get3A_197[%get3A_198] {strides = array<i32>} : memref<128xf32, #tpu.memory_space<vmem>>, vector<16xf32>,
        %get3A_200 = arith.constant 0 : i32
        %get3A_201 = tpu.memref_slice %arg13[%scan3A_171, %get3A_200] : memref<128x128xf32, #tpu.memory_space<vmem>> -> memref<1x128xf32, #tpu.memory_space<vmem>>
        %get3A_202 = tpu.memref_squeeze %get3A_201 : memref<1x128xf32, #tpu.memory_space<vmem>> -> memref<128xf32, #tpu.memory_space<vmem>>
        %get3A_203 = arith.constant 32 : index
        %get3A_204 = tpu.vector_load %get3A_202[%get3A_203] {strides = array<i32>} : memref<128xf32, #tpu.memory_space<vmem>>, vector<16xf32>,
        %mul3A_205 = arith.mulf %get3A_199, %get3A_204 : vector<16xf32>
        %add3A_206 = arith.addf %add3A_194, %mul3A_205 : vector<16xf32>
        %get3A_207 = arith.constant 0 : i32
        %get3A_208 = tpu.memref_slice %arg11[%scan3A_171, %get3A_207] : memref<128x128xf32, #tpu.memory_space<vmem>> -> memref<1x128xf32, #tpu.memory_space<vmem>>
        %get3A_209 = tpu.memref_squeeze %get3A_208 : memref<1x128xf32, #tpu.memory_space<vmem>> -> memref<128xf32, #tpu.memory_space<vmem>>
        %get3A_210 = arith.constant 48 : index
        %get3A_211 = tpu.vector_load %get3A_209[%get3A_210] {strides = array<i32>} : memref<128xf32, #tpu.memory_space<vmem>>, vector<16xf32>,
        %get3A_212 = arith.constant 0 : i32
        %get3A_213 = tpu.memref_slice %arg13[%scan3A_171, %get3A_212] : memref<128x128xf32, #tpu.memory_space<vmem>> -> memref<1x128xf32, #tpu.memory_space<vmem>>
        %get3A_214 = tpu.memref_squeeze %get3A_213 : memref<1x128xf32, #tpu.memory_space<vmem>> -> memref<128xf32, #tpu.memory_space<vmem>>
        %get3A_215 = arith.constant 48 : index
        %get3A_216 = tpu.vector_load %get3A_214[%get3A_215] {strides = array<i32>} : memref<128xf32, #tpu.memory_space<vmem>>, vector<16xf32>,
        %mul3A_217 = arith.mulf %get3A_211, %get3A_216 : vector<16xf32>
        %add3A_218 = arith.addf %add3A_206, %mul3A_217 : vector<16xf32>
        %get3A_219 = arith.constant 0 : i32
        %get3A_220 = tpu.memref_slice %arg11[%scan3A_171, %get3A_219] : memref<128x128xf32, #tpu.memory_space<vmem>> -> memref<1x128xf32, #tpu.memory_space<vmem>>
        %get3A_221 = tpu.memref_squeeze %get3A_220 : memref<1x128xf32, #tpu.memory_space<vmem>> -> memref<128xf32, #tpu.memory_space<vmem>>
        %get3A_222 = arith.constant 64 : index
        %get3A_223 = tpu.vector_load %get3A_221[%get3A_222] {strides = array<i32>} : memref<128xf32, #tpu.memory_space<vmem>>, vector<16xf32>,
        %get3A_224 = arith.constant 0 : i32
        %get3A_225 = tpu.memref_slice %arg13[%scan3A_171, %get3A_224] : memref<128x128xf32, #tpu.memory_space<vmem>> -> memref<1x128xf32, #tpu.memory_space<vmem>>
        %get3A_226 = tpu.memref_squeeze %get3A_225 : memref<1x128xf32, #tpu.memory_space<vmem>> -> memref<128xf32, #tpu.memory_space<vmem>>
        %get3A_227 = arith.constant 64 : index
        %get3A_228 = tpu.vector_load %get3A_226[%get3A_227] {strides = array<i32>} : memref<128xf32, #tpu.memory_space<vmem>>, vector<16xf32>,
        %mul3A_229 = arith.mulf %get3A_223, %get3A_228 : vector<16xf32>
        %add3A_230 = arith.addf %add3A_218, %mul3A_229 : vector<16xf32>
        %get3A_231 = arith.constant 0 : i32
        %get3A_232 = tpu.memref_slice %arg11[%scan3A_171, %get3A_231] : memref<128x128xf32, #tpu.memory_space<vmem>> -> memref<1x128xf32, #tpu.memory_space<vmem>>
        %get3A_233 = tpu.memref_squeeze %get3A_232 : memref<1x128xf32, #tpu.memory_space<vmem>> -> memref<128xf32, #tpu.memory_space<vmem>>
        %get3A_234 = arith.constant 80 : index
        %get3A_235 = tpu.vector_load %get3A_233[%get3A_234] {strides = array<i32>} : memref<128xf32, #tpu.memory_space<vmem>>, vector<16xf32>,
        %get3A_236 = arith.constant 0 : i32
        %get3A_237 = tpu.memref_slice %arg13[%scan3A_171, %get3A_236] : memref<128x128xf32, #tpu.memory_space<vmem>> -> memref<1x128xf32, #tpu.memory_space<vmem>>
        %get3A_238 = tpu.memref_squeeze %get3A_237 : memref<1x128xf32, #tpu.memory_space<vmem>> -> memref<128xf32, #tpu.memory_space<vmem>>
        %get3A_239 = arith.constant 80 : index
        %get3A_240 = tpu.vector_load %get3A_238[%get3A_239] {strides = array<i32>} : memref<128xf32, #tpu.memory_space<vmem>>, vector<16xf32>,
        %mul3A_241 = arith.mulf %get3A_235, %get3A_240 : vector<16xf32>
        %add3A_242 = arith.addf %add3A_230, %mul3A_241 : vector<16xf32>
        %get3A_243 = arith.constant 0 : i32
        %get3A_244 = tpu.memref_slice %arg11[%scan3A_171, %get3A_243] : memref<128x128xf32, #tpu.memory_space<vmem>> -> memref<1x128xf32, #tpu.memory_space<vmem>>
        %get3A_245 = tpu.memref_squeeze %get3A_244 : memref<1x128xf32, #tpu.memory_space<vmem>> -> memref<128xf32, #tpu.memory_space<vmem>>
        %get3A_246 = arith.constant 96 : index
        %get3A_247 = tpu.vector_load %get3A_245[%get3A_246] {strides = array<i32>} : memref<128xf32, #tpu.memory_space<vmem>>, vector<16xf32>,
        %get3A_248 = arith.constant 0 : i32
        %get3A_249 = tpu.memref_slice %arg13[%scan3A_171, %get3A_248] : memref<128x128xf32, #tpu.memory_space<vmem>> -> memref<1x128xf32, #tpu.memory_space<vmem>>
        %get3A_250 = tpu.memref_squeeze %get3A_249 : memref<1x128xf32, #tpu.memory_space<vmem>> -> memref<128xf32, #tpu.memory_space<vmem>>
        %get3A_251 = arith.constant 96 : index
        %get3A_252 = tpu.vector_load %get3A_250[%get3A_251] {strides = array<i32>} : memref<128xf32, #tpu.memory_space<vmem>>, vector<16xf32>,
        %mul3A_253 = arith.mulf %get3A_247, %get3A_252 : vector<16xf32>
        %add3A_254 = arith.addf %add3A_242, %mul3A_253 : vector<16xf32>
        %get3A_255 = arith.constant 0 : i32
        %get3A_256 = tpu.memref_slice %arg11[%scan3A_171, %get3A_255] : memref<128x128xf32, #tpu.memory_space<vmem>> -> memref<1x128xf32, #tpu.memory_space<vmem>>
        %get3A_257 = tpu.memref_squeeze %get3A_256 : memref<1x128xf32, #tpu.memory_space<vmem>> -> memref<128xf32, #tpu.memory_space<vmem>>
        %get3A_258 = arith.constant 112 : index
        %get3A_259 = tpu.vector_load %get3A_257[%get3A_258] {strides = array<i32>} : memref<128xf32, #tpu.memory_space<vmem>>, vector<16xf32>,
        %get3A_260 = arith.constant 0 : i32
        %get3A_261 = tpu.memref_slice %arg13[%scan3A_171, %get3A_260] : memref<128x128xf32, #tpu.memory_space<vmem>> -> memref<1x128xf32, #tpu.memory_space<vmem>>
        %get3A_262 = tpu.memref_squeeze %get3A_261 : memref<1x128xf32, #tpu.memory_space<vmem>> -> memref<128xf32, #tpu.memory_space<vmem>>
        %get3A_263 = arith.constant 112 : index
        %get3A_264 = tpu.vector_load %get3A_262[%get3A_263] {strides = array<i32>} : memref<128xf32, #tpu.memory_space<vmem>>, vector<16xf32>,
        %mul3A_265 = arith.mulf %get3A_259, %get3A_264 : vector<16xf32>
        %add3A_266 = arith.addf %add3A_254, %mul3A_265 : vector<16xf32>
        %reduce_sum3A = arith.constant true
        %reduce_sum3A_267 = vector.broadcast %reduce_sum3A : i1 to vector<16xi1>
        %reduce_sum3A_268 = tpu.scan <sum>, %add3A_266 masked %reduce_sum3A_267 : vector<16xf32>, vector<16xi1> -> vector<16xf32>
        %reduce_sum3A_269 = vector.extract %reduce_sum3A_268[15] : f32 from vector<16xf32>
        %jit3A = arith.constant 16 : i32
        %eq3A = arith.constant 0 : i32
        %eq3A_270 = arith.cmpi eq, %jit3A, %eq3A : i32
        %jit3A_271 = arith.constant 1 : i32
        %select_n3A = arith.select %eq3A_270, %jit3A_271, %jit3A : i32
        %rem3A = arith.remsi %scan3A_171, %select_n3A : i32
        %ne3A = arith.constant 0 : i32
        %ne3A_272 = arith.cmpi ne, %rem3A, %ne3A : i32
        %lt3A = arith.constant 0 : i32
        %lt3A_273 = arith.cmpi slt, %rem3A, %lt3A : i32
        %lt3A_274 = arith.constant 0 : i32
        %lt3A_275 = arith.cmpi slt, %select_n3A, %lt3A_274 : i32
        %ne3A_276 = arith.xori %lt3A_273, %lt3A_275 : i1
        %and3A = arith.andi %ne3A_276, %ne3A_272 : i1
        %add3A_277 = arith.addi %rem3A, %select_n3A : i32
        %select_n3A_278 = arith.select %and3A, %add3A_277, %rem3A : i32
        %eq3A_279 = vector.broadcast %select_n3A_278 : i32 to vector<16xi32>
        %eq3A_280 = arith.cmpi eq, %iota3A, %eq3A_279 : vector<16xi32>
        %broadcast_in_dim3A_281 = vector.broadcast %reduce_sum3A_269 : f32 to vector<16xf32>
        %select_n3A_282 = arith.select %eq3A_280, %broadcast_in_dim3A_281, %scan3A_172 : vector<16xi1>, vector<16xf32>
        %eq3A_283 = arith.constant 15 : i32
        %eq3A_284 = arith.cmpi eq, %select_n3A_278, %eq3A_283 : i32
        %convert_element_type3A = arith.extui %eq3A_284 : i1 to i32
        %cond3A = arith.constant 0 : i32
        %cond3A_285 = arith.cmpi ne, %convert_element_type3A, %cond3A : i32
        scf.if %cond3A_285 {
          %mul3A_286 = arith.constant 128 : i32
          %mul3A_287 = arith.muli %add3A_120, %mul3A_286 : i32
          %add3A_288 = arith.addi %mul3A_287, %scan3A_171 : i32
          %sub3A = arith.constant 15 : i32
          %sub3A_289 = arith.subi %add3A_288, %sub3A : i32
          %swap3A = arith.index_cast %sub3A_289 : i32 to index
          %swap3A_290 = tpu.vector_load %arg14[%swap3A] {strides = array<i32>} : memref<2048xf32, #tpu.memory_space<vmem>>, vector<16xf32>,
          tpu.vector_store %arg14[%swap3A], %select_n3A_282 {strides = array<i32>} : memref<2048xf32, #tpu.memory_space<vmem>>, vector<16xf32>,
        } else {
        }
        scf.yield %select_n3A_282 : vector<16xf32>
      }
      %scan3A_170 = arith.constant 128 : i32
    }
    %scan3A_40 = arith.constant 8 : i32
    %dma_wait3A_41 = arith.constant 0 : i32
    %dma_wait3A_42 = arith.constant 0 : i32
    %dma_wait3A_43 = tpu.memref_slice %arg2[%dma_wait3A_41, %dma_wait3A_42] : memref<10240x128xf32, #tpu.memory_space<hbm>> -> memref<128x128xf32, #tpu.memory_space<hbm>>
    %dma_wait3A_44 = arith.constant 0 : i32
    %dma_wait3A_45 = arith.constant 0 : i32
    %dma_wait3A_46 = tpu.memref_slice %arg2[%dma_wait3A_44, %dma_wait3A_45] : memref<10240x128xf32, #tpu.memory_space<hbm>> -> memref<128x128xf32, #tpu.memory_space<hbm>>
    tpu.wait_dma2 semaphore(%arg16 : memref<!tpu.dma_semaphore, #tpu.memory_space<semaphore_mem>>) src(%dma_wait3A_46 : memref<128x128xf32, #tpu.memory_space<hbm>>) dst(%arg10 : memref<128x128xf32, #tpu.memory_space<vmem>>)
    %dma_wait3A_47 = arith.constant 0 : i32
    %dma_wait3A_48 = arith.constant 0 : i32
    %dma_wait3A_49 = tpu.memref_slice %arg2[%dma_wait3A_47, %dma_wait3A_48] : memref<10240x128xf32, #tpu.memory_space<hbm>> -> memref<128x128xf32, #tpu.memory_space<hbm>>
    %dma_wait3A_50 = arith.constant 0 : i32
    %dma_wait3A_51 = arith.constant 0 : i32
    %dma_wait3A_52 = tpu.memref_slice %arg2[%dma_wait3A_50, %dma_wait3A_51] : memref<10240x128xf32, #tpu.memory_space<hbm>> -> memref<128x128xf32, #tpu.memory_space<hbm>>
    tpu.wait_dma2 semaphore(%arg16 : memref<!tpu.dma_semaphore, #tpu.memory_space<semaphore_mem>>) src(%dma_wait3A_52 : memref<128x128xf32, #tpu.memory_space<hbm>>) dst(%arg12 : memref<128x128xf32, #tpu.memory_space<vmem>>)
    %dma_wait3A_53 = arith.constant 0 : i32
    %dma_wait3A_54 = tpu.memref_slice %arg3[%dma_wait3A_53] : memref<65792xi32, #tpu.memory_space<hbm>> -> memref<128xi32, #tpu.memory_space<hbm>>
    %dma_wait3A_55 = arith.constant 0 : i32
    %dma_wait3A_56 = tpu.memref_slice %arg3[%dma_wait3A_55] : memref<65792xi32, #tpu.memory_space<hbm>> -> memref<128xi32, #tpu.memory_space<hbm>>
    tpu.wait_dma2 semaphore(%arg15 : memref<!tpu.dma_semaphore, #tpu.memory_space<semaphore_mem>>) src(%dma_wait3A_56 : memref<128xi32, #tpu.memory_space<hbm>>) dst(%arg6 : memref<128xi32, #tpu.memory_space<vmem>>)
    %dma_wait3A_57 = arith.constant 0 : i32
    %dma_wait3A_58 = tpu.memref_slice %arg3[%dma_wait3A_57] : memref<65792xi32, #tpu.memory_space<hbm>> -> memref<128xi32, #tpu.memory_space<hbm>>
    %dma_wait3A_59 = arith.constant 0 : i32
    %dma_wait3A_60 = tpu.memref_slice %arg3[%dma_wait3A_59] : memref<65792xi32, #tpu.memory_space<hbm>> -> memref<128xi32, #tpu.memory_space<hbm>>
    tpu.wait_dma2 semaphore(%arg15 : memref<!tpu.dma_semaphore, #tpu.memory_space<semaphore_mem>>) src(%dma_wait3A_60 : memref<128xi32, #tpu.memory_space<hbm>>) dst(%arg8 : memref<128xi32, #tpu.memory_space<vmem>>)
    %mul3A_61 = arith.constant 2048 : i32
    %mul3A_62 = arith.muli %add3A, %mul3A_61 : i32
    "tpu.region"() ({
      %run_scoped3A = tpu.sem_alloc : memref<!tpu.dma_semaphore, #tpu.memory_space<semaphore_mem>>
      %dma_start3A_63 = tpu.memref_slice %arg5[%mul3A_62] : memref<65536xf32, #tpu.memory_space<hbm>> -> memref<2048xf32, #tpu.memory_space<hbm>>
      %dma_start3A_64 = tpu.memref_slice %arg5[%mul3A_62] : memref<65536xf32, #tpu.memory_space<hbm>> -> memref<2048xf32, #tpu.memory_space<hbm>>
      tpu.enqueue_dma source(%arg14 : memref<2048xf32, #tpu.memory_space<vmem>>) target(%dma_start3A_64 : memref<2048xf32, #tpu.memory_space<hbm>>) target_semaphore(%run_scoped3A : memref<!tpu.dma_semaphore, #tpu.memory_space<semaphore_mem>>)
      %dma_wait3A_65 = tpu.memref_slice %arg5[%mul3A_62] : memref<65536xf32, #tpu.memory_space<hbm>> -> memref<2048xf32, #tpu.memory_space<hbm>>
      %dma_wait3A_66 = tpu.memref_slice %arg5[%mul3A_62] : memref<65536xf32, #tpu.memory_space<hbm>> -> memref<2048xf32, #tpu.memory_space<hbm>>
      tpu.wait_dma2 semaphore(%run_scoped3A : memref<!tpu.dma_semaphore, #tpu.memory_space<semaphore_mem>>) src(%arg14 : memref<2048xf32, #tpu.memory_space<vmem>>) dst(%dma_wait3A_66 : memref<2048xf32, #tpu.memory_space<hbm>>)
      tpu.yield
    }) : () -> ()
    return
  }
}

#map = affine_map<(d0, d1) -> (0, 0)>
#map1 = affine_map<(d0, d1) -> (0)>
#map2 = affine_map<(d0, d1) -> (0, 0, 0)>
module attributes {stable_mosaic.version = 14 : i64} {
  func.func @_aggregate_body(%arg0: i32, %arg1: i32, %arg2: memref<10000x128xf32, #tpu.memory_space<hbm>>, %arg3: memref<327936xi32, #tpu.memory_space<hbm>>, %arg4: memref<327936xi32, #tpu.memory_space<hbm>>, %arg5: memref<640x128xf32, #tpu.memory_space<hbm>>, %arg6: memref<10240xf32, #tpu.memory_space<hbm>>, %arg7: memref<2x10240x128xf32, #tpu.memory_space<hbm>>, %arg8: memref<327680xf32, #tpu.memory_space<hbm>>, %arg9: memref<128xi32, #tpu.memory_space<vmem>>, %arg10: memref<128xi32, #tpu.memory_space<vmem>>, %arg11: memref<128xi32, #tpu.memory_space<vmem>>, %arg12: memref<128xi32, #tpu.memory_space<vmem>>, %arg13: memref<128x128xf32, #tpu.memory_space<vmem>>, %arg14: memref<128x128xf32, #tpu.memory_space<vmem>>, %arg15: memref<10240xf32, #tpu.memory_space<vmem>>, %arg16: memref<32xi32, #tpu.memory_space<vmem>>, %arg17: memref<10240x128xf32, #tpu.memory_space<vmem_shared>>, %arg18: memref<!tpu.dma_semaphore, #tpu.memory_space<semaphore_mem>>, %arg19: memref<!tpu.dma_semaphore, #tpu.memory_space<semaphore_mem>>) attributes {dimension_semantics = [#tpu.dimension_semantics<core_parallel>, #tpu.dimension_semantics<subcore_parallel>], iteration_bounds = array<i64: 2, 16>, scalar_prefetch = 0 : i64, scratch_operands = 11 : i64, tpu.core_type = #tpu.core_type<sc_vector_subcore>, window_params = [{transform_indices = #map}, {transform_indices = #map1}, {transform_indices = #map1}, {transform_indices = #map}, {transform_indices = #map1}, {transform_indices = #map2}, {transform_indices = #map1}]} {
    %mul3A = arith.constant 16 : i32
    %mul3A_0 = arith.muli %arg0, %mul3A : i32
    %add3A = arith.addi %mul3A_0, %arg1 : i32
    %iota3A = tpu.iota {dimensions = array<i32: 0>} : vector<16xi32>
    %eq3A = arith.constant 0 : i32
    %eq3A_1 = arith.cmpi eq, %arg0, %eq3A : i32
    %jit3A = arith.constant 152 : i32
    %jit3A_2 = arith.constant 8 : i32
    %select_n3A = arith.select %eq3A_1, %jit3A, %jit3A_2 : i32
    %mul3A_3 = arith.constant 2432 : i32
    %mul3A_4 = arith.muli %arg0, %mul3A_3 : i32
    %mul3A_5 = arith.muli %arg1, %select_n3A : i32
    %add3A_6 = arith.addi %mul3A_4, %mul3A_5 : i32
    %mul3A_7 = arith.constant 640 : i32
    %mul3A_8 = arith.muli %arg1, %mul3A_7 : i32
    "tpu.region"() ({
      %run_scoped3A = tpu.sem_alloc : memref<!tpu.dma_semaphore, #tpu.memory_space<semaphore_mem>>
      %dma_start3A_85 = arith.constant 0 : i32
      %dma_start3A_86 = tpu.memref_slice %arg17[%mul3A_8, %dma_start3A_85] : memref<10240x128xf32, #tpu.memory_space<vmem_shared>> -> memref<640x128xf32, #tpu.memory_space<vmem_shared>>
      tpu.enqueue_dma source(%arg5 : memref<640x128xf32, #tpu.memory_space<hbm>>) target(%dma_start3A_86 : memref<640x128xf32, #tpu.memory_space<vmem_shared>>) target_semaphore(%run_scoped3A : memref<!tpu.dma_semaphore, #tpu.memory_space<semaphore_mem>>)
      %dma_wait3A_87 = arith.constant 0 : i32
      %dma_wait3A_88 = tpu.memref_slice %arg17[%mul3A_8, %dma_wait3A_87] : memref<10240x128xf32, #tpu.memory_space<vmem_shared>> -> memref<640x128xf32, #tpu.memory_space<vmem_shared>>
      tpu.wait_dma2 semaphore(%run_scoped3A : memref<!tpu.dma_semaphore, #tpu.memory_space<semaphore_mem>>) src(%arg5 : memref<640x128xf32, #tpu.memory_space<hbm>>) dst(%dma_wait3A_88 : memref<640x128xf32, #tpu.memory_space<vmem_shared>>)
      tpu.yield
    }) : () -> ()
    "tpu.region"() ({
      %run_scoped3A = tpu.sem_alloc : memref<!tpu.dma_semaphore, #tpu.memory_space<semaphore_mem>>
      tpu.enqueue_dma source(%arg6 : memref<10240xf32, #tpu.memory_space<hbm>>) target(%arg15 : memref<10240xf32, #tpu.memory_space<vmem>>) target_semaphore(%run_scoped3A : memref<!tpu.dma_semaphore, #tpu.memory_space<semaphore_mem>>)
      tpu.wait_dma2 semaphore(%run_scoped3A : memref<!tpu.dma_semaphore, #tpu.memory_space<semaphore_mem>>) src(%arg6 : memref<10240xf32, #tpu.memory_space<hbm>>) dst(%arg15 : memref<10240xf32, #tpu.memory_space<vmem>>)
      tpu.yield
    }) : () -> ()
    %broadcast_in_dim3A = arith.constant -1 : i32
    %broadcast_in_dim3A_9 = vector.broadcast %broadcast_in_dim3A : i32 to vector<16xi32>
    %swap3A = arith.constant 0 : index
    %swap3A_10 = tpu.vector_load %arg16[%swap3A] {strides = array<i32>} : memref<32xi32, #tpu.memory_space<vmem>>, vector<16xi32>,
    tpu.vector_store %arg16[%swap3A], %broadcast_in_dim3A_9 {strides = array<i32>} : memref<32xi32, #tpu.memory_space<vmem>>, vector<16xi32>,
    %broadcast_in_dim3A_11 = arith.constant -2 : i32
    %broadcast_in_dim3A_12 = vector.broadcast %broadcast_in_dim3A_11 : i32 to vector<16xi32>
    %swap3A_13 = arith.constant 16 : index
    %swap3A_14 = tpu.vector_load %arg16[%swap3A_13] {strides = array<i32>} : memref<32xi32, #tpu.memory_space<vmem>>, vector<16xi32>,
    tpu.vector_store %arg16[%swap3A_13], %broadcast_in_dim3A_12 {strides = array<i32>} : memref<32xi32, #tpu.memory_space<vmem>>, vector<16xi32>,
    %barrier3A = arith.constant 0 : index
    tpu.barrier barrier_id(%barrier3A)
    %add3A_15 = arith.constant 0 : i32
    %add3A_16 = arith.addi %add3A_6, %add3A_15 : i32
    %mul3A_17 = arith.constant 128 : i32
    %mul3A_18 = arith.muli %add3A_16, %mul3A_17 : i32
    %dma_start3A = tpu.memref_slice %arg3[%mul3A_18] : memref<327936xi32, #tpu.memory_space<hbm>> -> memref<128xi32, #tpu.memory_space<hbm>>
    %dma_start3A_19 = tpu.memref_slice %arg3[%mul3A_18] : memref<327936xi32, #tpu.memory_space<hbm>> -> memref<128xi32, #tpu.memory_space<hbm>>
    tpu.enqueue_dma source(%dma_start3A_19 : memref<128xi32, #tpu.memory_space<hbm>>) target(%arg9 : memref<128xi32, #tpu.memory_space<vmem>>) target_semaphore(%arg18 : memref<!tpu.dma_semaphore, #tpu.memory_space<semaphore_mem>>)
    %add3A_20 = arith.constant 0 : i32
    %add3A_21 = arith.addi %add3A_6, %add3A_20 : i32
    %mul3A_22 = arith.constant 128 : i32
    %mul3A_23 = arith.muli %add3A_21, %mul3A_22 : i32
    %dma_start3A_24 = tpu.memref_slice %arg4[%mul3A_23] : memref<327936xi32, #tpu.memory_space<hbm>> -> memref<128xi32, #tpu.memory_space<hbm>>
    %dma_start3A_25 = tpu.memref_slice %arg4[%mul3A_23] : memref<327936xi32, #tpu.memory_space<hbm>> -> memref<128xi32, #tpu.memory_space<hbm>>
    tpu.enqueue_dma source(%dma_start3A_25 : memref<128xi32, #tpu.memory_space<hbm>>) target(%arg11 : memref<128xi32, #tpu.memory_space<vmem>>) target_semaphore(%arg18 : memref<!tpu.dma_semaphore, #tpu.memory_space<semaphore_mem>>)
    %add3A_26 = arith.constant 1 : i32
    %add3A_27 = arith.addi %add3A_6, %add3A_26 : i32
    %mul3A_28 = arith.constant 128 : i32
    %mul3A_29 = arith.muli %add3A_27, %mul3A_28 : i32
    %dma_start3A_30 = tpu.memref_slice %arg3[%mul3A_29] : memref<327936xi32, #tpu.memory_space<hbm>> -> memref<128xi32, #tpu.memory_space<hbm>>
    %dma_start3A_31 = tpu.memref_slice %arg3[%mul3A_29] : memref<327936xi32, #tpu.memory_space<hbm>> -> memref<128xi32, #tpu.memory_space<hbm>>
    tpu.enqueue_dma source(%dma_start3A_31 : memref<128xi32, #tpu.memory_space<hbm>>) target(%arg10 : memref<128xi32, #tpu.memory_space<vmem>>) target_semaphore(%arg18 : memref<!tpu.dma_semaphore, #tpu.memory_space<semaphore_mem>>)
    %add3A_32 = arith.constant 1 : i32
    %add3A_33 = arith.addi %add3A_6, %add3A_32 : i32
    %mul3A_34 = arith.constant 128 : i32
    %mul3A_35 = arith.muli %add3A_33, %mul3A_34 : i32
    %dma_start3A_36 = tpu.memref_slice %arg4[%mul3A_35] : memref<327936xi32, #tpu.memory_space<hbm>> -> memref<128xi32, #tpu.memory_space<hbm>>
    %dma_start3A_37 = tpu.memref_slice %arg4[%mul3A_35] : memref<327936xi32, #tpu.memory_space<hbm>> -> memref<128xi32, #tpu.memory_space<hbm>>
    tpu.enqueue_dma source(%dma_start3A_37 : memref<128xi32, #tpu.memory_space<hbm>>) target(%arg12 : memref<128xi32, #tpu.memory_space<vmem>>) target_semaphore(%arg18 : memref<!tpu.dma_semaphore, #tpu.memory_space<semaphore_mem>>)
    %dma_wait3A = arith.constant 0 : i32
    %dma_wait3A_38 = tpu.memref_slice %arg3[%dma_wait3A] : memref<327936xi32, #tpu.memory_space<hbm>> -> memref<128xi32, #tpu.memory_space<hbm>>
    %dma_wait3A_39 = arith.constant 0 : i32
    %dma_wait3A_40 = tpu.memref_slice %arg3[%dma_wait3A_39] : memref<327936xi32, #tpu.memory_space<hbm>> -> memref<128xi32, #tpu.memory_space<hbm>>
    tpu.wait_dma2 semaphore(%arg18 : memref<!tpu.dma_semaphore, #tpu.memory_space<semaphore_mem>>) src(%dma_wait3A_40 : memref<128xi32, #tpu.memory_space<hbm>>) dst(%arg9 : memref<128xi32, #tpu.memory_space<vmem>>)
    %dma_wait3A_41 = arith.constant 0 : i32
    %dma_wait3A_42 = tpu.memref_slice %arg3[%dma_wait3A_41] : memref<327936xi32, #tpu.memory_space<hbm>> -> memref<128xi32, #tpu.memory_space<hbm>>
    %dma_wait3A_43 = arith.constant 0 : i32
    %dma_wait3A_44 = tpu.memref_slice %arg3[%dma_wait3A_43] : memref<327936xi32, #tpu.memory_space<hbm>> -> memref<128xi32, #tpu.memory_space<hbm>>
    tpu.wait_dma2 semaphore(%arg18 : memref<!tpu.dma_semaphore, #tpu.memory_space<semaphore_mem>>) src(%dma_wait3A_44 : memref<128xi32, #tpu.memory_space<hbm>>) dst(%arg11 : memref<128xi32, #tpu.memory_space<vmem>>)
    %dma_start3A_45 = arith.constant 0 : i32
    %dma_start3A_46 = arith.constant 0 : i32
    %dma_start3A_47 = tpu.memref_slice %arg2[%dma_start3A_45, %dma_start3A_46] : memref<10000x128xf32, #tpu.memory_space<hbm>> -> memref<10000x128xf32, #tpu.memory_space<hbm>>
    tpu.enqueue_indirect_dma source(%dma_start3A_47 : memref<10000x128xf32, #tpu.memory_space<hbm>>) target(%arg13 : memref<128x128xf32, #tpu.memory_space<vmem>>) offsets(%arg9 : memref<128xi32, #tpu.memory_space<vmem>>) semaphore(%arg19 : memref<!tpu.dma_semaphore, #tpu.memory_space<semaphore_mem>>)
    %sub3A = arith.constant 0 : i32
    %sub3A_48 = arith.subi %select_n3A, %sub3A : i32
    %sub3A_49 = arith.constant 2 : i32
    %sub3A_50 = arith.constant 1 : i32
    %sub3A_51 = arith.subi %sub3A_49, %sub3A_50 : i32
    %add3A_52 = arith.addi %sub3A_48, %sub3A_51 : i32
    %div3A = arith.constant 2 : i32
    %div3A_53 = arith.divsi %add3A_52, %div3A : i32
    %while3A = arith.constant 2 : i32
    %while3A_54 = arith.constant 0 : i32
    %while3A_55 = arith.constant 0 : i32
    %while3A_56 = arith.subi %div3A_53, %while3A_55 : i32
    %while3A_57 = arith.addi %while3A_55, %while3A_56 : i32
    %while3A_58 = arith.constant 1 : i32
    %while3A_59 = arith.divsi %while3A_56, %while3A_58 : i32
    %while3A_60 = arith.muli %while3A_59, %while3A_58 : i32
    %while3A_61 = arith.addi %while3A_55, %while3A_60 : i32
    %while3A_62 = arith.constant 1 : i32
    scf.for %while3A_85 = %while3A_55 to %while3A_61 step %while3A_62  : i32 {
      %mul3A_86 = arith.muli %while3A_85, %while3A : i32
      %add3A_87 = arith.addi %while3A_54, %mul3A_86 : i32
      %add3A_88 = arith.constant 0 : i32
      %add3A_89 = arith.addi %add3A_87, %add3A_88 : i32
      %dma_wait3A_90 = arith.constant 0 : i32
      %dma_wait3A_91 = arith.constant 0 : i32
      %dma_wait3A_92 = tpu.memref_slice %arg2[%dma_wait3A_90, %dma_wait3A_91] : memref<10000x128xf32, #tpu.memory_space<hbm>> -> memref<128x128xf32, #tpu.memory_space<hbm>>
      %dma_wait3A_93 = arith.constant 0 : i32
      %dma_wait3A_94 = arith.constant 0 : i32
      %dma_wait3A_95 = tpu.memref_slice %arg2[%dma_wait3A_93, %dma_wait3A_94] : memref<10000x128xf32, #tpu.memory_space<hbm>> -> memref<128x128xf32, #tpu.memory_space<hbm>>
      tpu.wait_dma2 semaphore(%arg19 : memref<!tpu.dma_semaphore, #tpu.memory_space<semaphore_mem>>) src(%dma_wait3A_95 : memref<128x128xf32, #tpu.memory_space<hbm>>) dst(%arg13 : memref<128x128xf32, #tpu.memory_space<vmem>>)
      %dma_wait3A_96 = arith.constant 0 : i32
      %dma_wait3A_97 = tpu.memref_slice %arg3[%dma_wait3A_96] : memref<327936xi32, #tpu.memory_space<hbm>> -> memref<128xi32, #tpu.memory_space<hbm>>
      %dma_wait3A_98 = arith.constant 0 : i32
      %dma_wait3A_99 = tpu.memref_slice %arg3[%dma_wait3A_98] : memref<327936xi32, #tpu.memory_space<hbm>> -> memref<128xi32, #tpu.memory_space<hbm>>
      tpu.wait_dma2 semaphore(%arg18 : memref<!tpu.dma_semaphore, #tpu.memory_space<semaphore_mem>>) src(%dma_wait3A_99 : memref<128xi32, #tpu.memory_space<hbm>>) dst(%arg9 : memref<128xi32, #tpu.memory_space<vmem>>)
      %dma_wait3A_100 = arith.constant 0 : i32
      %dma_wait3A_101 = tpu.memref_slice %arg3[%dma_wait3A_100] : memref<327936xi32, #tpu.memory_space<hbm>> -> memref<128xi32, #tpu.memory_space<hbm>>
      %dma_wait3A_102 = arith.constant 0 : i32
      %dma_wait3A_103 = tpu.memref_slice %arg3[%dma_wait3A_102] : memref<327936xi32, #tpu.memory_space<hbm>> -> memref<128xi32, #tpu.memory_space<hbm>>
      tpu.wait_dma2 semaphore(%arg18 : memref<!tpu.dma_semaphore, #tpu.memory_space<semaphore_mem>>) src(%dma_wait3A_103 : memref<128xi32, #tpu.memory_space<hbm>>) dst(%arg11 : memref<128xi32, #tpu.memory_space<vmem>>)
      %dma_start3A_104 = arith.constant 0 : i32
      %dma_start3A_105 = arith.constant 0 : i32
      %dma_start3A_106 = tpu.memref_slice %arg2[%dma_start3A_104, %dma_start3A_105] : memref<10000x128xf32, #tpu.memory_space<hbm>> -> memref<10000x128xf32, #tpu.memory_space<hbm>>
      tpu.enqueue_indirect_dma source(%dma_start3A_106 : memref<10000x128xf32, #tpu.memory_space<hbm>>) target(%arg14 : memref<128x128xf32, #tpu.memory_space<vmem>>) offsets(%arg10 : memref<128xi32, #tpu.memory_space<vmem>>) semaphore(%arg19 : memref<!tpu.dma_semaphore, #tpu.memory_space<semaphore_mem>>)
      "tpu.region"() ({
        %run_scoped3A = tpu.sem_alloc : memref<!tpu.dma_semaphore, #tpu.memory_space<semaphore_mem>>
        %dma_start3A_673 = arith.constant 0 : i32
        %dma_start3A_674 = arith.constant 0 : i32
        %dma_start3A_675 = tpu.memref_slice %arg17[%dma_start3A_673, %dma_start3A_674] : memref<10240x128xf32, #tpu.memory_space<vmem_shared>> -> memref<10240x128xf32, #tpu.memory_space<vmem_shared>>
        tpu.enqueue_indirect_dma source(%arg13 : memref<128x128xf32, #tpu.memory_space<vmem>>) target(%dma_start3A_675 : memref<10240x128xf32, #tpu.memory_space<vmem_shared>>) offsets(%arg11 : memref<128xi32, #tpu.memory_space<vmem>>) semaphore(%run_scoped3A : memref<!tpu.dma_semaphore, #tpu.memory_space<semaphore_mem>>) {add = true}
        %dma_wait3A_676 = arith.constant 0 : i32
        %dma_wait3A_677 = arith.constant 0 : i32
        %dma_wait3A_678 = tpu.memref_slice %arg17[%dma_wait3A_676, %dma_wait3A_677] : memref<10240x128xf32, #tpu.memory_space<vmem_shared>> -> memref<10240x128xf32, #tpu.memory_space<vmem_shared>>
        tpu.wait_indirect_dma semaphore(%run_scoped3A : memref<!tpu.dma_semaphore, #tpu.memory_space<semaphore_mem>>) src(%arg13 : memref<128x128xf32, #tpu.memory_space<vmem>>) dst(%dma_wait3A_678 : memref<10240x128xf32, #tpu.memory_space<vmem_shared>>)
        tpu.yield
      }) : () -> ()
      %get3A = arith.constant 0 : index
      %get3A_107 = tpu.vector_load %arg11[%get3A] {strides = array<i32>} : memref<128xi32, #tpu.memory_space<vmem>>, vector<16xi32>,
      %masked_sort3A = arith.constant dense<true> : vector<16xi1>
      %masked_sort3A_108 = arith.constant -2147483648 : i32
      %masked_sort3A_109 = vector.broadcast %masked_sort3A_108 : i32 to vector<16xi32>
      %masked_sort3A_110 = arith.xori %get3A_107, %masked_sort3A_109 : vector<16xi32>
      %masked_sort3A_111, %masked_sort3A_112, %masked_sort3A_113 = tpu.sort %masked_sort3A_110, %get3A_107 masked %masked_sort3A : (vector<16xi32>, vector<16xi32>, vector<16xi1>) -> (vector<16xi1>, vector<16xi32>, vector<16xi32>)
      %masked_sort3A_114 = arith.xori %masked_sort3A_112, %masked_sort3A_109 : vector<16xi32>
      %swap3A_115 = arith.constant 1 : index
      %swap3A_116 = tpu.vector_load %arg16[%swap3A_115] {strides = array<i32>} : memref<32xi32, #tpu.memory_space<vmem>>, vector<16xi32>,
      tpu.vector_store %arg16[%swap3A_115], %masked_sort3A_114 {strides = array<i32>} : memref<32xi32, #tpu.memory_space<vmem>>, vector<16xi32>,
      %get3A_117 = arith.constant 0 : index
      %get3A_118 = tpu.vector_load %arg16[%get3A_117] {strides = array<i32>} : memref<32xi32, #tpu.memory_space<vmem>>, vector<16xi32>,
      %get3A_119 = arith.constant 2 : index
      %get3A_120 = tpu.vector_load %arg16[%get3A_119] {strides = array<i32>} : memref<32xi32, #tpu.memory_space<vmem>>, vector<16xi32>,
      %ne3A = arith.cmpi ne, %masked_sort3A_114, %get3A_118 : vector<16xi32>
      %jit3A_121 = arith.constant -1 : i32
      %broadcast_in_dim3A_122 = vector.broadcast %jit3A_121 : i32 to vector<16xi32>
      %select_n3A_123 = arith.select %ne3A, %iota3A, %broadcast_in_dim3A_122 : vector<16xi1>, vector<16xi32>
      %broadcast_in_dim3A_124 = arith.constant true
      %broadcast_in_dim3A_125 = vector.broadcast %broadcast_in_dim3A_124 : i1 to vector<16xi1>
      %masked_cummax3A = arith.constant -2147483648 : i32
      %masked_cummax3A_126 = vector.broadcast %masked_cummax3A : i32 to vector<16xi32>
      %masked_cummax3A_127 = arith.xori %select_n3A_123, %masked_cummax3A_126 : vector<16xi32>
      %masked_cummax3A_128 = tpu.scan <max>, %masked_cummax3A_127 masked %broadcast_in_dim3A_125 : vector<16xi32>, vector<16xi1> -> vector<16xi32>
      %masked_cummax3A_129 = arith.xori %masked_cummax3A_128, %masked_cummax3A_126 : vector<16xi32>
      %sub3A_130 = arith.subi %iota3A, %masked_cummax3A_129 : vector<16xi32>
      %add3A_131 = arith.constant 1 : i32
      %add3A_132 = vector.broadcast %add3A_131 : i32 to vector<16xi32>
      %add3A_133 = arith.addi %sub3A_130, %add3A_132 : vector<16xi32>
      %convert_element_type3A = arith.sitofp %add3A_133 : vector<16xi32> to vector<16xf32>
      %ne3A_134 = arith.cmpi ne, %masked_sort3A_114, %get3A_120 : vector<16xi32>
      tpu.vector_store_idx %arg15[%masked_sort3A_114], %convert_element_type3A masked %ne3A_134 {add = true} : memref<10240xf32, #tpu.memory_space<vmem>>[vector<16xi32>], vector<16xf32>, vector<16xi1>
      %get3A_135 = arith.constant 16 : index
      %get3A_136 = tpu.vector_load %arg11[%get3A_135] {strides = array<i32>} : memref<128xi32, #tpu.memory_space<vmem>>, vector<16xi32>,
      %masked_sort3A_137 = arith.constant dense<true> : vector<16xi1>
      %masked_sort3A_138 = arith.constant -2147483648 : i32
      %masked_sort3A_139 = vector.broadcast %masked_sort3A_138 : i32 to vector<16xi32>
      %masked_sort3A_140 = arith.xori %get3A_136, %masked_sort3A_139 : vector<16xi32>
      %masked_sort3A_141, %masked_sort3A_142, %masked_sort3A_143 = tpu.sort %masked_sort3A_140, %get3A_136 masked %masked_sort3A_137 : (vector<16xi32>, vector<16xi32>, vector<16xi1>) -> (vector<16xi1>, vector<16xi32>, vector<16xi32>)
      %masked_sort3A_144 = arith.xori %masked_sort3A_142, %masked_sort3A_139 : vector<16xi32>
      %swap3A_145 = arith.constant 1 : index
      %swap3A_146 = tpu.vector_load %arg16[%swap3A_145] {strides = array<i32>} : memref<32xi32, #tpu.memory_space<vmem>>, vector<16xi32>,
      tpu.vector_store %arg16[%swap3A_145], %masked_sort3A_144 {strides = array<i32>} : memref<32xi32, #tpu.memory_space<vmem>>, vector<16xi32>,
      %get3A_147 = arith.constant 0 : index
      %get3A_148 = tpu.vector_load %arg16[%get3A_147] {strides = array<i32>} : memref<32xi32, #tpu.memory_space<vmem>>, vector<16xi32>,
      %get3A_149 = arith.constant 2 : index
      %get3A_150 = tpu.vector_load %arg16[%get3A_149] {strides = array<i32>} : memref<32xi32, #tpu.memory_space<vmem>>, vector<16xi32>,
      %ne3A_151 = arith.cmpi ne, %masked_sort3A_144, %get3A_148 : vector<16xi32>
      %jit3A_152 = arith.constant -1 : i32
      %broadcast_in_dim3A_153 = vector.broadcast %jit3A_152 : i32 to vector<16xi32>
      %select_n3A_154 = arith.select %ne3A_151, %iota3A, %broadcast_in_dim3A_153 : vector<16xi1>, vector<16xi32>
      %broadcast_in_dim3A_155 = arith.constant true
      %broadcast_in_dim3A_156 = vector.broadcast %broadcast_in_dim3A_155 : i1 to vector<16xi1>
      %masked_cummax3A_157 = arith.constant -2147483648 : i32
      %masked_cummax3A_158 = vector.broadcast %masked_cummax3A_157 : i32 to vector<16xi32>
      %masked_cummax3A_159 = arith.xori %select_n3A_154, %masked_cummax3A_158 : vector<16xi32>
      %masked_cummax3A_160 = tpu.scan <max>, %masked_cummax3A_159 masked %broadcast_in_dim3A_156 : vector<16xi32>, vector<16xi1> -> vector<16xi32>
      %masked_cummax3A_161 = arith.xori %masked_cummax3A_160, %masked_cummax3A_158 : vector<16xi32>
      %sub3A_162 = arith.subi %iota3A, %masked_cummax3A_161 : vector<16xi32>
      %add3A_163 = arith.constant 1 : i32
      %add3A_164 = vector.broadcast %add3A_163 : i32 to vector<16xi32>
      %add3A_165 = arith.addi %sub3A_162, %add3A_164 : vector<16xi32>
      %convert_element_type3A_166 = arith.sitofp %add3A_165 : vector<16xi32> to vector<16xf32>
      %ne3A_167 = arith.cmpi ne, %masked_sort3A_144, %get3A_150 : vector<16xi32>
      tpu.vector_store_idx %arg15[%masked_sort3A_144], %convert_element_type3A_166 masked %ne3A_167 {add = true} : memref<10240xf32, #tpu.memory_space<vmem>>[vector<16xi32>], vector<16xf32>, vector<16xi1>
      %get3A_168 = arith.constant 32 : index
      %get3A_169 = tpu.vector_load %arg11[%get3A_168] {strides = array<i32>} : memref<128xi32, #tpu.memory_space<vmem>>, vector<16xi32>,
      %masked_sort3A_170 = arith.constant dense<true> : vector<16xi1>
      %masked_sort3A_171 = arith.constant -2147483648 : i32
      %masked_sort3A_172 = vector.broadcast %masked_sort3A_171 : i32 to vector<16xi32>
      %masked_sort3A_173 = arith.xori %get3A_169, %masked_sort3A_172 : vector<16xi32>
      %masked_sort3A_174, %masked_sort3A_175, %masked_sort3A_176 = tpu.sort %masked_sort3A_173, %get3A_169 masked %masked_sort3A_170 : (vector<16xi32>, vector<16xi32>, vector<16xi1>) -> (vector<16xi1>, vector<16xi32>, vector<16xi32>)
      %masked_sort3A_177 = arith.xori %masked_sort3A_175, %masked_sort3A_172 : vector<16xi32>
      %swap3A_178 = arith.constant 1 : index
      %swap3A_179 = tpu.vector_load %arg16[%swap3A_178] {strides = array<i32>} : memref<32xi32, #tpu.memory_space<vmem>>, vector<16xi32>,
      tpu.vector_store %arg16[%swap3A_178], %masked_sort3A_177 {strides = array<i32>} : memref<32xi32, #tpu.memory_space<vmem>>, vector<16xi32>,
      %get3A_180 = arith.constant 0 : index
      %get3A_181 = tpu.vector_load %arg16[%get3A_180] {strides = array<i32>} : memref<32xi32, #tpu.memory_space<vmem>>, vector<16xi32>,
      %get3A_182 = arith.constant 2 : index
      %get3A_183 = tpu.vector_load %arg16[%get3A_182] {strides = array<i32>} : memref<32xi32, #tpu.memory_space<vmem>>, vector<16xi32>,
      %ne3A_184 = arith.cmpi ne, %masked_sort3A_177, %get3A_181 : vector<16xi32>
      %jit3A_185 = arith.constant -1 : i32
      %broadcast_in_dim3A_186 = vector.broadcast %jit3A_185 : i32 to vector<16xi32>
      %select_n3A_187 = arith.select %ne3A_184, %iota3A, %broadcast_in_dim3A_186 : vector<16xi1>, vector<16xi32>
      %broadcast_in_dim3A_188 = arith.constant true
      %broadcast_in_dim3A_189 = vector.broadcast %broadcast_in_dim3A_188 : i1 to vector<16xi1>
      %masked_cummax3A_190 = arith.constant -2147483648 : i32
      %masked_cummax3A_191 = vector.broadcast %masked_cummax3A_190 : i32 to vector<16xi32>
      %masked_cummax3A_192 = arith.xori %select_n3A_187, %masked_cummax3A_191 : vector<16xi32>
      %masked_cummax3A_193 = tpu.scan <max>, %masked_cummax3A_192 masked %broadcast_in_dim3A_189 : vector<16xi32>, vector<16xi1> -> vector<16xi32>
      %masked_cummax3A_194 = arith.xori %masked_cummax3A_193, %masked_cummax3A_191 : vector<16xi32>
      %sub3A_195 = arith.subi %iota3A, %masked_cummax3A_194 : vector<16xi32>
      %add3A_196 = arith.constant 1 : i32
      %add3A_197 = vector.broadcast %add3A_196 : i32 to vector<16xi32>
      %add3A_198 = arith.addi %sub3A_195, %add3A_197 : vector<16xi32>
      %convert_element_type3A_199 = arith.sitofp %add3A_198 : vector<16xi32> to vector<16xf32>
      %ne3A_200 = arith.cmpi ne, %masked_sort3A_177, %get3A_183 : vector<16xi32>
      tpu.vector_store_idx %arg15[%masked_sort3A_177], %convert_element_type3A_199 masked %ne3A_200 {add = true} : memref<10240xf32, #tpu.memory_space<vmem>>[vector<16xi32>], vector<16xf32>, vector<16xi1>
      %get3A_201 = arith.constant 48 : index
      %get3A_202 = tpu.vector_load %arg11[%get3A_201] {strides = array<i32>} : memref<128xi32, #tpu.memory_space<vmem>>, vector<16xi32>,
      %masked_sort3A_203 = arith.constant dense<true> : vector<16xi1>
      %masked_sort3A_204 = arith.constant -2147483648 : i32
      %masked_sort3A_205 = vector.broadcast %masked_sort3A_204 : i32 to vector<16xi32>
      %masked_sort3A_206 = arith.xori %get3A_202, %masked_sort3A_205 : vector<16xi32>
      %masked_sort3A_207, %masked_sort3A_208, %masked_sort3A_209 = tpu.sort %masked_sort3A_206, %get3A_202 masked %masked_sort3A_203 : (vector<16xi32>, vector<16xi32>, vector<16xi1>) -> (vector<16xi1>, vector<16xi32>, vector<16xi32>)
      %masked_sort3A_210 = arith.xori %masked_sort3A_208, %masked_sort3A_205 : vector<16xi32>
      %swap3A_211 = arith.constant 1 : index
      %swap3A_212 = tpu.vector_load %arg16[%swap3A_211] {strides = array<i32>} : memref<32xi32, #tpu.memory_space<vmem>>, vector<16xi32>,
      tpu.vector_store %arg16[%swap3A_211], %masked_sort3A_210 {strides = array<i32>} : memref<32xi32, #tpu.memory_space<vmem>>, vector<16xi32>,
      %get3A_213 = arith.constant 0 : index
      %get3A_214 = tpu.vector_load %arg16[%get3A_213] {strides = array<i32>} : memref<32xi32, #tpu.memory_space<vmem>>, vector<16xi32>,
      %get3A_215 = arith.constant 2 : index
      %get3A_216 = tpu.vector_load %arg16[%get3A_215] {strides = array<i32>} : memref<32xi32, #tpu.memory_space<vmem>>, vector<16xi32>,
      %ne3A_217 = arith.cmpi ne, %masked_sort3A_210, %get3A_214 : vector<16xi32>
      %jit3A_218 = arith.constant -1 : i32
      %broadcast_in_dim3A_219 = vector.broadcast %jit3A_218 : i32 to vector<16xi32>
      %select_n3A_220 = arith.select %ne3A_217, %iota3A, %broadcast_in_dim3A_219 : vector<16xi1>, vector<16xi32>
      %broadcast_in_dim3A_221 = arith.constant true
      %broadcast_in_dim3A_222 = vector.broadcast %broadcast_in_dim3A_221 : i1 to vector<16xi1>
      %masked_cummax3A_223 = arith.constant -2147483648 : i32
      %masked_cummax3A_224 = vector.broadcast %masked_cummax3A_223 : i32 to vector<16xi32>
      %masked_cummax3A_225 = arith.xori %select_n3A_220, %masked_cummax3A_224 : vector<16xi32>
      %masked_cummax3A_226 = tpu.scan <max>, %masked_cummax3A_225 masked %broadcast_in_dim3A_222 : vector<16xi32>, vector<16xi1> -> vector<16xi32>
      %masked_cummax3A_227 = arith.xori %masked_cummax3A_226, %masked_cummax3A_224 : vector<16xi32>
      %sub3A_228 = arith.subi %iota3A, %masked_cummax3A_227 : vector<16xi32>
      %add3A_229 = arith.constant 1 : i32
      %add3A_230 = vector.broadcast %add3A_229 : i32 to vector<16xi32>
      %add3A_231 = arith.addi %sub3A_228, %add3A_230 : vector<16xi32>
      %convert_element_type3A_232 = arith.sitofp %add3A_231 : vector<16xi32> to vector<16xf32>
      %ne3A_233 = arith.cmpi ne, %masked_sort3A_210, %get3A_216 : vector<16xi32>
      tpu.vector_store_idx %arg15[%masked_sort3A_210], %convert_element_type3A_232 masked %ne3A_233 {add = true} : memref<10240xf32, #tpu.memory_space<vmem>>[vector<16xi32>], vector<16xf32>, vector<16xi1>
      %get3A_234 = arith.constant 64 : index
      %get3A_235 = tpu.vector_load %arg11[%get3A_234] {strides = array<i32>} : memref<128xi32, #tpu.memory_space<vmem>>, vector<16xi32>,
      %masked_sort3A_236 = arith.constant dense<true> : vector<16xi1>
      %masked_sort3A_237 = arith.constant -2147483648 : i32
      %masked_sort3A_238 = vector.broadcast %masked_sort3A_237 : i32 to vector<16xi32>
      %masked_sort3A_239 = arith.xori %get3A_235, %masked_sort3A_238 : vector<16xi32>
      %masked_sort3A_240, %masked_sort3A_241, %masked_sort3A_242 = tpu.sort %masked_sort3A_239, %get3A_235 masked %masked_sort3A_236 : (vector<16xi32>, vector<16xi32>, vector<16xi1>) -> (vector<16xi1>, vector<16xi32>, vector<16xi32>)
      %masked_sort3A_243 = arith.xori %masked_sort3A_241, %masked_sort3A_238 : vector<16xi32>
      %swap3A_244 = arith.constant 1 : index
      %swap3A_245 = tpu.vector_load %arg16[%swap3A_244] {strides = array<i32>} : memref<32xi32, #tpu.memory_space<vmem>>, vector<16xi32>,
      tpu.vector_store %arg16[%swap3A_244], %masked_sort3A_243 {strides = array<i32>} : memref<32xi32, #tpu.memory_space<vmem>>, vector<16xi32>,
      %get3A_246 = arith.constant 0 : index
      %get3A_247 = tpu.vector_load %arg16[%get3A_246] {strides = array<i32>} : memref<32xi32, #tpu.memory_space<vmem>>, vector<16xi32>,
      %get3A_248 = arith.constant 2 : index
      %get3A_249 = tpu.vector_load %arg16[%get3A_248] {strides = array<i32>} : memref<32xi32, #tpu.memory_space<vmem>>, vector<16xi32>,
      %ne3A_250 = arith.cmpi ne, %masked_sort3A_243, %get3A_247 : vector<16xi32>
      %jit3A_251 = arith.constant -1 : i32
      %broadcast_in_dim3A_252 = vector.broadcast %jit3A_251 : i32 to vector<16xi32>
      %select_n3A_253 = arith.select %ne3A_250, %iota3A, %broadcast_in_dim3A_252 : vector<16xi1>, vector<16xi32>
      %broadcast_in_dim3A_254 = arith.constant true
      %broadcast_in_dim3A_255 = vector.broadcast %broadcast_in_dim3A_254 : i1 to vector<16xi1>
      %masked_cummax3A_256 = arith.constant -2147483648 : i32
      %masked_cummax3A_257 = vector.broadcast %masked_cummax3A_256 : i32 to vector<16xi32>
      %masked_cummax3A_258 = arith.xori %select_n3A_253, %masked_cummax3A_257 : vector<16xi32>
      %masked_cummax3A_259 = tpu.scan <max>, %masked_cummax3A_258 masked %broadcast_in_dim3A_255 : vector<16xi32>, vector<16xi1> -> vector<16xi32>
      %masked_cummax3A_260 = arith.xori %masked_cummax3A_259, %masked_cummax3A_257 : vector<16xi32>
      %sub3A_261 = arith.subi %iota3A, %masked_cummax3A_260 : vector<16xi32>
      %add3A_262 = arith.constant 1 : i32
      %add3A_263 = vector.broadcast %add3A_262 : i32 to vector<16xi32>
      %add3A_264 = arith.addi %sub3A_261, %add3A_263 : vector<16xi32>
      %convert_element_type3A_265 = arith.sitofp %add3A_264 : vector<16xi32> to vector<16xf32>
      %ne3A_266 = arith.cmpi ne, %masked_sort3A_243, %get3A_249 : vector<16xi32>
      tpu.vector_store_idx %arg15[%masked_sort3A_243], %convert_element_type3A_265 masked %ne3A_266 {add = true} : memref<10240xf32, #tpu.memory_space<vmem>>[vector<16xi32>], vector<16xf32>, vector<16xi1>
      %get3A_267 = arith.constant 80 : index
      %get3A_268 = tpu.vector_load %arg11[%get3A_267] {strides = array<i32>} : memref<128xi32, #tpu.memory_space<vmem>>, vector<16xi32>,
      %masked_sort3A_269 = arith.constant dense<true> : vector<16xi1>
      %masked_sort3A_270 = arith.constant -2147483648 : i32
      %masked_sort3A_271 = vector.broadcast %masked_sort3A_270 : i32 to vector<16xi32>
      %masked_sort3A_272 = arith.xori %get3A_268, %masked_sort3A_271 : vector<16xi32>
      %masked_sort3A_273, %masked_sort3A_274, %masked_sort3A_275 = tpu.sort %masked_sort3A_272, %get3A_268 masked %masked_sort3A_269 : (vector<16xi32>, vector<16xi32>, vector<16xi1>) -> (vector<16xi1>, vector<16xi32>, vector<16xi32>)
      %masked_sort3A_276 = arith.xori %masked_sort3A_274, %masked_sort3A_271 : vector<16xi32>
      %swap3A_277 = arith.constant 1 : index
      %swap3A_278 = tpu.vector_load %arg16[%swap3A_277] {strides = array<i32>} : memref<32xi32, #tpu.memory_space<vmem>>, vector<16xi32>,
      tpu.vector_store %arg16[%swap3A_277], %masked_sort3A_276 {strides = array<i32>} : memref<32xi32, #tpu.memory_space<vmem>>, vector<16xi32>,
      %get3A_279 = arith.constant 0 : index
      %get3A_280 = tpu.vector_load %arg16[%get3A_279] {strides = array<i32>} : memref<32xi32, #tpu.memory_space<vmem>>, vector<16xi32>,
      %get3A_281 = arith.constant 2 : index
      %get3A_282 = tpu.vector_load %arg16[%get3A_281] {strides = array<i32>} : memref<32xi32, #tpu.memory_space<vmem>>, vector<16xi32>,
      %ne3A_283 = arith.cmpi ne, %masked_sort3A_276, %get3A_280 : vector<16xi32>
      %jit3A_284 = arith.constant -1 : i32
      %broadcast_in_dim3A_285 = vector.broadcast %jit3A_284 : i32 to vector<16xi32>
      %select_n3A_286 = arith.select %ne3A_283, %iota3A, %broadcast_in_dim3A_285 : vector<16xi1>, vector<16xi32>
      %broadcast_in_dim3A_287 = arith.constant true
      %broadcast_in_dim3A_288 = vector.broadcast %broadcast_in_dim3A_287 : i1 to vector<16xi1>
      %masked_cummax3A_289 = arith.constant -2147483648 : i32
      %masked_cummax3A_290 = vector.broadcast %masked_cummax3A_289 : i32 to vector<16xi32>
      %masked_cummax3A_291 = arith.xori %select_n3A_286, %masked_cummax3A_290 : vector<16xi32>
      %masked_cummax3A_292 = tpu.scan <max>, %masked_cummax3A_291 masked %broadcast_in_dim3A_288 : vector<16xi32>, vector<16xi1> -> vector<16xi32>
      %masked_cummax3A_293 = arith.xori %masked_cummax3A_292, %masked_cummax3A_290 : vector<16xi32>
      %sub3A_294 = arith.subi %iota3A, %masked_cummax3A_293 : vector<16xi32>
      %add3A_295 = arith.constant 1 : i32
      %add3A_296 = vector.broadcast %add3A_295 : i32 to vector<16xi32>
      %add3A_297 = arith.addi %sub3A_294, %add3A_296 : vector<16xi32>
      %convert_element_type3A_298 = arith.sitofp %add3A_297 : vector<16xi32> to vector<16xf32>
      %ne3A_299 = arith.cmpi ne, %masked_sort3A_276, %get3A_282 : vector<16xi32>
      tpu.vector_store_idx %arg15[%masked_sort3A_276], %convert_element_type3A_298 masked %ne3A_299 {add = true} : memref<10240xf32, #tpu.memory_space<vmem>>[vector<16xi32>], vector<16xf32>, vector<16xi1>
      %get3A_300 = arith.constant 96 : index
      %get3A_301 = tpu.vector_load %arg11[%get3A_300] {strides = array<i32>} : memref<128xi32, #tpu.memory_space<vmem>>, vector<16xi32>,
      %masked_sort3A_302 = arith.constant dense<true> : vector<16xi1>
      %masked_sort3A_303 = arith.constant -2147483648 : i32
      %masked_sort3A_304 = vector.broadcast %masked_sort3A_303 : i32 to vector<16xi32>
      %masked_sort3A_305 = arith.xori %get3A_301, %masked_sort3A_304 : vector<16xi32>
      %masked_sort3A_306, %masked_sort3A_307, %masked_sort3A_308 = tpu.sort %masked_sort3A_305, %get3A_301 masked %masked_sort3A_302 : (vector<16xi32>, vector<16xi32>, vector<16xi1>) -> (vector<16xi1>, vector<16xi32>, vector<16xi32>)
      %masked_sort3A_309 = arith.xori %masked_sort3A_307, %masked_sort3A_304 : vector<16xi32>
      %swap3A_310 = arith.constant 1 : index
      %swap3A_311 = tpu.vector_load %arg16[%swap3A_310] {strides = array<i32>} : memref<32xi32, #tpu.memory_space<vmem>>, vector<16xi32>,
      tpu.vector_store %arg16[%swap3A_310], %masked_sort3A_309 {strides = array<i32>} : memref<32xi32, #tpu.memory_space<vmem>>, vector<16xi32>,
      %get3A_312 = arith.constant 0 : index
      %get3A_313 = tpu.vector_load %arg16[%get3A_312] {strides = array<i32>} : memref<32xi32, #tpu.memory_space<vmem>>, vector<16xi32>,
      %get3A_314 = arith.constant 2 : index
      %get3A_315 = tpu.vector_load %arg16[%get3A_314] {strides = array<i32>} : memref<32xi32, #tpu.memory_space<vmem>>, vector<16xi32>,
      %ne3A_316 = arith.cmpi ne, %masked_sort3A_309, %get3A_313 : vector<16xi32>
      %jit3A_317 = arith.constant -1 : i32
      %broadcast_in_dim3A_318 = vector.broadcast %jit3A_317 : i32 to vector<16xi32>
      %select_n3A_319 = arith.select %ne3A_316, %iota3A, %broadcast_in_dim3A_318 : vector<16xi1>, vector<16xi32>
      %broadcast_in_dim3A_320 = arith.constant true
      %broadcast_in_dim3A_321 = vector.broadcast %broadcast_in_dim3A_320 : i1 to vector<16xi1>
      %masked_cummax3A_322 = arith.constant -2147483648 : i32
      %masked_cummax3A_323 = vector.broadcast %masked_cummax3A_322 : i32 to vector<16xi32>
      %masked_cummax3A_324 = arith.xori %select_n3A_319, %masked_cummax3A_323 : vector<16xi32>
      %masked_cummax3A_325 = tpu.scan <max>, %masked_cummax3A_324 masked %broadcast_in_dim3A_321 : vector<16xi32>, vector<16xi1> -> vector<16xi32>
      %masked_cummax3A_326 = arith.xori %masked_cummax3A_325, %masked_cummax3A_323 : vector<16xi32>
      %sub3A_327 = arith.subi %iota3A, %masked_cummax3A_326 : vector<16xi32>
      %add3A_328 = arith.constant 1 : i32
      %add3A_329 = vector.broadcast %add3A_328 : i32 to vector<16xi32>
      %add3A_330 = arith.addi %sub3A_327, %add3A_329 : vector<16xi32>
      %convert_element_type3A_331 = arith.sitofp %add3A_330 : vector<16xi32> to vector<16xf32>
      %ne3A_332 = arith.cmpi ne, %masked_sort3A_309, %get3A_315 : vector<16xi32>
      tpu.vector_store_idx %arg15[%masked_sort3A_309], %convert_element_type3A_331 masked %ne3A_332 {add = true} : memref<10240xf32, #tpu.memory_space<vmem>>[vector<16xi32>], vector<16xf32>, vector<16xi1>
      %get3A_333 = arith.constant 112 : index
      %get3A_334 = tpu.vector_load %arg11[%get3A_333] {strides = array<i32>} : memref<128xi32, #tpu.memory_space<vmem>>, vector<16xi32>,
      %masked_sort3A_335 = arith.constant dense<true> : vector<16xi1>
      %masked_sort3A_336 = arith.constant -2147483648 : i32
      %masked_sort3A_337 = vector.broadcast %masked_sort3A_336 : i32 to vector<16xi32>
      %masked_sort3A_338 = arith.xori %get3A_334, %masked_sort3A_337 : vector<16xi32>
      %masked_sort3A_339, %masked_sort3A_340, %masked_sort3A_341 = tpu.sort %masked_sort3A_338, %get3A_334 masked %masked_sort3A_335 : (vector<16xi32>, vector<16xi32>, vector<16xi1>) -> (vector<16xi1>, vector<16xi32>, vector<16xi32>)
      %masked_sort3A_342 = arith.xori %masked_sort3A_340, %masked_sort3A_337 : vector<16xi32>
      %swap3A_343 = arith.constant 1 : index
      %swap3A_344 = tpu.vector_load %arg16[%swap3A_343] {strides = array<i32>} : memref<32xi32, #tpu.memory_space<vmem>>, vector<16xi32>,
      tpu.vector_store %arg16[%swap3A_343], %masked_sort3A_342 {strides = array<i32>} : memref<32xi32, #tpu.memory_space<vmem>>, vector<16xi32>,
      %get3A_345 = arith.constant 0 : index
      %get3A_346 = tpu.vector_load %arg16[%get3A_345] {strides = array<i32>} : memref<32xi32, #tpu.memory_space<vmem>>, vector<16xi32>,
      %get3A_347 = arith.constant 2 : index
      %get3A_348 = tpu.vector_load %arg16[%get3A_347] {strides = array<i32>} : memref<32xi32, #tpu.memory_space<vmem>>, vector<16xi32>,
      %ne3A_349 = arith.cmpi ne, %masked_sort3A_342, %get3A_346 : vector<16xi32>
      %jit3A_350 = arith.constant -1 : i32
      %broadcast_in_dim3A_351 = vector.broadcast %jit3A_350 : i32 to vector<16xi32>
      %select_n3A_352 = arith.select %ne3A_349, %iota3A, %broadcast_in_dim3A_351 : vector<16xi1>, vector<16xi32>
      %broadcast_in_dim3A_353 = arith.constant true
      %broadcast_in_dim3A_354 = vector.broadcast %broadcast_in_dim3A_353 : i1 to vector<16xi1>
      %masked_cummax3A_355 = arith.constant -2147483648 : i32
      %masked_cummax3A_356 = vector.broadcast %masked_cummax3A_355 : i32 to vector<16xi32>
      %masked_cummax3A_357 = arith.xori %select_n3A_352, %masked_cummax3A_356 : vector<16xi32>
      %masked_cummax3A_358 = tpu.scan <max>, %masked_cummax3A_357 masked %broadcast_in_dim3A_354 : vector<16xi32>, vector<16xi1> -> vector<16xi32>
      %masked_cummax3A_359 = arith.xori %masked_cummax3A_358, %masked_cummax3A_356 : vector<16xi32>
      %sub3A_360 = arith.subi %iota3A, %masked_cummax3A_359 : vector<16xi32>
      %add3A_361 = arith.constant 1 : i32
      %add3A_362 = vector.broadcast %add3A_361 : i32 to vector<16xi32>
      %add3A_363 = arith.addi %sub3A_360, %add3A_362 : vector<16xi32>
      %convert_element_type3A_364 = arith.sitofp %add3A_363 : vector<16xi32> to vector<16xf32>
      %ne3A_365 = arith.cmpi ne, %masked_sort3A_342, %get3A_348 : vector<16xi32>
      tpu.vector_store_idx %arg15[%masked_sort3A_342], %convert_element_type3A_364 masked %ne3A_365 {add = true} : memref<10240xf32, #tpu.memory_space<vmem>>[vector<16xi32>], vector<16xf32>, vector<16xi1>
      %add3A_366 = arith.constant 2 : i32
      %add3A_367 = arith.addi %add3A_89, %add3A_366 : i32
      %add3A_368 = arith.addi %add3A_6, %add3A_367 : i32
      %mul3A_369 = arith.constant 128 : i32
      %mul3A_370 = arith.muli %add3A_368, %mul3A_369 : i32
      %dma_start3A_371 = tpu.memref_slice %arg3[%mul3A_370] : memref<327936xi32, #tpu.memory_space<hbm>> -> memref<128xi32, #tpu.memory_space<hbm>>
      %dma_start3A_372 = tpu.memref_slice %arg3[%mul3A_370] : memref<327936xi32, #tpu.memory_space<hbm>> -> memref<128xi32, #tpu.memory_space<hbm>>
      tpu.enqueue_dma source(%dma_start3A_372 : memref<128xi32, #tpu.memory_space<hbm>>) target(%arg9 : memref<128xi32, #tpu.memory_space<vmem>>) target_semaphore(%arg18 : memref<!tpu.dma_semaphore, #tpu.memory_space<semaphore_mem>>)
      %add3A_373 = arith.addi %add3A_6, %add3A_367 : i32
      %mul3A_374 = arith.constant 128 : i32
      %mul3A_375 = arith.muli %add3A_373, %mul3A_374 : i32
      %dma_start3A_376 = tpu.memref_slice %arg4[%mul3A_375] : memref<327936xi32, #tpu.memory_space<hbm>> -> memref<128xi32, #tpu.memory_space<hbm>>
      %dma_start3A_377 = tpu.memref_slice %arg4[%mul3A_375] : memref<327936xi32, #tpu.memory_space<hbm>> -> memref<128xi32, #tpu.memory_space<hbm>>
      tpu.enqueue_dma source(%dma_start3A_377 : memref<128xi32, #tpu.memory_space<hbm>>) target(%arg11 : memref<128xi32, #tpu.memory_space<vmem>>) target_semaphore(%arg18 : memref<!tpu.dma_semaphore, #tpu.memory_space<semaphore_mem>>)
      %add3A_378 = arith.constant 1 : i32
      %add3A_379 = arith.addi %add3A_87, %add3A_378 : i32
      %dma_wait3A_380 = arith.constant 0 : i32
      %dma_wait3A_381 = arith.constant 0 : i32
      %dma_wait3A_382 = tpu.memref_slice %arg2[%dma_wait3A_380, %dma_wait3A_381] : memref<10000x128xf32, #tpu.memory_space<hbm>> -> memref<128x128xf32, #tpu.memory_space<hbm>>
      %dma_wait3A_383 = arith.constant 0 : i32
      %dma_wait3A_384 = arith.constant 0 : i32
      %dma_wait3A_385 = tpu.memref_slice %arg2[%dma_wait3A_383, %dma_wait3A_384] : memref<10000x128xf32, #tpu.memory_space<hbm>> -> memref<128x128xf32, #tpu.memory_space<hbm>>
      tpu.wait_dma2 semaphore(%arg19 : memref<!tpu.dma_semaphore, #tpu.memory_space<semaphore_mem>>) src(%dma_wait3A_385 : memref<128x128xf32, #tpu.memory_space<hbm>>) dst(%arg14 : memref<128x128xf32, #tpu.memory_space<vmem>>)
      %dma_wait3A_386 = arith.constant 0 : i32
      %dma_wait3A_387 = tpu.memref_slice %arg3[%dma_wait3A_386] : memref<327936xi32, #tpu.memory_space<hbm>> -> memref<128xi32, #tpu.memory_space<hbm>>
      %dma_wait3A_388 = arith.constant 0 : i32
      %dma_wait3A_389 = tpu.memref_slice %arg3[%dma_wait3A_388] : memref<327936xi32, #tpu.memory_space<hbm>> -> memref<128xi32, #tpu.memory_space<hbm>>
      tpu.wait_dma2 semaphore(%arg18 : memref<!tpu.dma_semaphore, #tpu.memory_space<semaphore_mem>>) src(%dma_wait3A_389 : memref<128xi32, #tpu.memory_space<hbm>>) dst(%arg9 : memref<128xi32, #tpu.memory_space<vmem>>)
      %dma_wait3A_390 = arith.constant 0 : i32
      %dma_wait3A_391 = tpu.memref_slice %arg3[%dma_wait3A_390] : memref<327936xi32, #tpu.memory_space<hbm>> -> memref<128xi32, #tpu.memory_space<hbm>>
      %dma_wait3A_392 = arith.constant 0 : i32
      %dma_wait3A_393 = tpu.memref_slice %arg3[%dma_wait3A_392] : memref<327936xi32, #tpu.memory_space<hbm>> -> memref<128xi32, #tpu.memory_space<hbm>>
      tpu.wait_dma2 semaphore(%arg18 : memref<!tpu.dma_semaphore, #tpu.memory_space<semaphore_mem>>) src(%dma_wait3A_393 : memref<128xi32, #tpu.memory_space<hbm>>) dst(%arg11 : memref<128xi32, #tpu.memory_space<vmem>>)
      %dma_start3A_394 = arith.constant 0 : i32
      %dma_start3A_395 = arith.constant 0 : i32
      %dma_start3A_396 = tpu.memref_slice %arg2[%dma_start3A_394, %dma_start3A_395] : memref<10000x128xf32, #tpu.memory_space<hbm>> -> memref<10000x128xf32, #tpu.memory_space<hbm>>
      tpu.enqueue_indirect_dma source(%dma_start3A_396 : memref<10000x128xf32, #tpu.memory_space<hbm>>) target(%arg13 : memref<128x128xf32, #tpu.memory_space<vmem>>) offsets(%arg9 : memref<128xi32, #tpu.memory_space<vmem>>) semaphore(%arg19 : memref<!tpu.dma_semaphore, #tpu.memory_space<semaphore_mem>>)
      "tpu.region"() ({
        %run_scoped3A = tpu.sem_alloc : memref<!tpu.dma_semaphore, #tpu.memory_space<semaphore_mem>>
        %dma_start3A_673 = arith.constant 0 : i32
        %dma_start3A_674 = arith.constant 0 : i32
        %dma_start3A_675 = tpu.memref_slice %arg17[%dma_start3A_673, %dma_start3A_674] : memref<10240x128xf32, #tpu.memory_space<vmem_shared>> -> memref<10240x128xf32, #tpu.memory_space<vmem_shared>>
        tpu.enqueue_indirect_dma source(%arg14 : memref<128x128xf32, #tpu.memory_space<vmem>>) target(%dma_start3A_675 : memref<10240x128xf32, #tpu.memory_space<vmem_shared>>) offsets(%arg12 : memref<128xi32, #tpu.memory_space<vmem>>) semaphore(%run_scoped3A : memref<!tpu.dma_semaphore, #tpu.memory_space<semaphore_mem>>) {add = true}
        %dma_wait3A_676 = arith.constant 0 : i32
        %dma_wait3A_677 = arith.constant 0 : i32
        %dma_wait3A_678 = tpu.memref_slice %arg17[%dma_wait3A_676, %dma_wait3A_677] : memref<10240x128xf32, #tpu.memory_space<vmem_shared>> -> memref<10240x128xf32, #tpu.memory_space<vmem_shared>>
        tpu.wait_indirect_dma semaphore(%run_scoped3A : memref<!tpu.dma_semaphore, #tpu.memory_space<semaphore_mem>>) src(%arg14 : memref<128x128xf32, #tpu.memory_space<vmem>>) dst(%dma_wait3A_678 : memref<10240x128xf32, #tpu.memory_space<vmem_shared>>)
        tpu.yield
      }) : () -> ()
      %get3A_397 = arith.constant 0 : index
      %get3A_398 = tpu.vector_load %arg12[%get3A_397] {strides = array<i32>} : memref<128xi32, #tpu.memory_space<vmem>>, vector<16xi32>,
      %masked_sort3A_399 = arith.constant dense<true> : vector<16xi1>
      %masked_sort3A_400 = arith.constant -2147483648 : i32
      %masked_sort3A_401 = vector.broadcast %masked_sort3A_400 : i32 to vector<16xi32>
      %masked_sort3A_402 = arith.xori %get3A_398, %masked_sort3A_401 : vector<16xi32>
      %masked_sort3A_403, %masked_sort3A_404, %masked_sort3A_405 = tpu.sort %masked_sort3A_402, %get3A_398 masked %masked_sort3A_399 : (vector<16xi32>, vector<16xi32>, vector<16xi1>) -> (vector<16xi1>, vector<16xi32>, vector<16xi32>)
      %masked_sort3A_406 = arith.xori %masked_sort3A_404, %masked_sort3A_401 : vector<16xi32>
      %swap3A_407 = arith.constant 1 : index
      %swap3A_408 = tpu.vector_load %arg16[%swap3A_407] {strides = array<i32>} : memref<32xi32, #tpu.memory_space<vmem>>, vector<16xi32>,
      tpu.vector_store %arg16[%swap3A_407], %masked_sort3A_406 {strides = array<i32>} : memref<32xi32, #tpu.memory_space<vmem>>, vector<16xi32>,
      %get3A_409 = arith.constant 0 : index
      %get3A_410 = tpu.vector_load %arg16[%get3A_409] {strides = array<i32>} : memref<32xi32, #tpu.memory_space<vmem>>, vector<16xi32>,
      %get3A_411 = arith.constant 2 : index
      %get3A_412 = tpu.vector_load %arg16[%get3A_411] {strides = array<i32>} : memref<32xi32, #tpu.memory_space<vmem>>, vector<16xi32>,
      %ne3A_413 = arith.cmpi ne, %masked_sort3A_406, %get3A_410 : vector<16xi32>
      %jit3A_414 = arith.constant -1 : i32
      %broadcast_in_dim3A_415 = vector.broadcast %jit3A_414 : i32 to vector<16xi32>
      %select_n3A_416 = arith.select %ne3A_413, %iota3A, %broadcast_in_dim3A_415 : vector<16xi1>, vector<16xi32>
      %broadcast_in_dim3A_417 = arith.constant true
      %broadcast_in_dim3A_418 = vector.broadcast %broadcast_in_dim3A_417 : i1 to vector<16xi1>
      %masked_cummax3A_419 = arith.constant -2147483648 : i32
      %masked_cummax3A_420 = vector.broadcast %masked_cummax3A_419 : i32 to vector<16xi32>
      %masked_cummax3A_421 = arith.xori %select_n3A_416, %masked_cummax3A_420 : vector<16xi32>
      %masked_cummax3A_422 = tpu.scan <max>, %masked_cummax3A_421 masked %broadcast_in_dim3A_418 : vector<16xi32>, vector<16xi1> -> vector<16xi32>
      %masked_cummax3A_423 = arith.xori %masked_cummax3A_422, %masked_cummax3A_420 : vector<16xi32>
      %sub3A_424 = arith.subi %iota3A, %masked_cummax3A_423 : vector<16xi32>
      %add3A_425 = arith.constant 1 : i32
      %add3A_426 = vector.broadcast %add3A_425 : i32 to vector<16xi32>
      %add3A_427 = arith.addi %sub3A_424, %add3A_426 : vector<16xi32>
      %convert_element_type3A_428 = arith.sitofp %add3A_427 : vector<16xi32> to vector<16xf32>
      %ne3A_429 = arith.cmpi ne, %masked_sort3A_406, %get3A_412 : vector<16xi32>
      tpu.vector_store_idx %arg15[%masked_sort3A_406], %convert_element_type3A_428 masked %ne3A_429 {add = true} : memref<10240xf32, #tpu.memory_space<vmem>>[vector<16xi32>], vector<16xf32>, vector<16xi1>
      %get3A_430 = arith.constant 16 : index
      %get3A_431 = tpu.vector_load %arg12[%get3A_430] {strides = array<i32>} : memref<128xi32, #tpu.memory_space<vmem>>, vector<16xi32>,
      %masked_sort3A_432 = arith.constant dense<true> : vector<16xi1>
      %masked_sort3A_433 = arith.constant -2147483648 : i32
      %masked_sort3A_434 = vector.broadcast %masked_sort3A_433 : i32 to vector<16xi32>
      %masked_sort3A_435 = arith.xori %get3A_431, %masked_sort3A_434 : vector<16xi32>
      %masked_sort3A_436, %masked_sort3A_437, %masked_sort3A_438 = tpu.sort %masked_sort3A_435, %get3A_431 masked %masked_sort3A_432 : (vector<16xi32>, vector<16xi32>, vector<16xi1>) -> (vector<16xi1>, vector<16xi32>, vector<16xi32>)
      %masked_sort3A_439 = arith.xori %masked_sort3A_437, %masked_sort3A_434 : vector<16xi32>
      %swap3A_440 = arith.constant 1 : index
      %swap3A_441 = tpu.vector_load %arg16[%swap3A_440] {strides = array<i32>} : memref<32xi32, #tpu.memory_space<vmem>>, vector<16xi32>,
      tpu.vector_store %arg16[%swap3A_440], %masked_sort3A_439 {strides = array<i32>} : memref<32xi32, #tpu.memory_space<vmem>>, vector<16xi32>,
      %get3A_442 = arith.constant 0 : index
      %get3A_443 = tpu.vector_load %arg16[%get3A_442] {strides = array<i32>} : memref<32xi32, #tpu.memory_space<vmem>>, vector<16xi32>,
      %get3A_444 = arith.constant 2 : index
      %get3A_445 = tpu.vector_load %arg16[%get3A_444] {strides = array<i32>} : memref<32xi32, #tpu.memory_space<vmem>>, vector<16xi32>,
      %ne3A_446 = arith.cmpi ne, %masked_sort3A_439, %get3A_443 : vector<16xi32>
      %jit3A_447 = arith.constant -1 : i32
      %broadcast_in_dim3A_448 = vector.broadcast %jit3A_447 : i32 to vector<16xi32>
      %select_n3A_449 = arith.select %ne3A_446, %iota3A, %broadcast_in_dim3A_448 : vector<16xi1>, vector<16xi32>
      %broadcast_in_dim3A_450 = arith.constant true
      %broadcast_in_dim3A_451 = vector.broadcast %broadcast_in_dim3A_450 : i1 to vector<16xi1>
      %masked_cummax3A_452 = arith.constant -2147483648 : i32
      %masked_cummax3A_453 = vector.broadcast %masked_cummax3A_452 : i32 to vector<16xi32>
      %masked_cummax3A_454 = arith.xori %select_n3A_449, %masked_cummax3A_453 : vector<16xi32>
      %masked_cummax3A_455 = tpu.scan <max>, %masked_cummax3A_454 masked %broadcast_in_dim3A_451 : vector<16xi32>, vector<16xi1> -> vector<16xi32>
      %masked_cummax3A_456 = arith.xori %masked_cummax3A_455, %masked_cummax3A_453 : vector<16xi32>
      %sub3A_457 = arith.subi %iota3A, %masked_cummax3A_456 : vector<16xi32>
      %add3A_458 = arith.constant 1 : i32
      %add3A_459 = vector.broadcast %add3A_458 : i32 to vector<16xi32>
      %add3A_460 = arith.addi %sub3A_457, %add3A_459 : vector<16xi32>
      %convert_element_type3A_461 = arith.sitofp %add3A_460 : vector<16xi32> to vector<16xf32>
      %ne3A_462 = arith.cmpi ne, %masked_sort3A_439, %get3A_445 : vector<16xi32>
      tpu.vector_store_idx %arg15[%masked_sort3A_439], %convert_element_type3A_461 masked %ne3A_462 {add = true} : memref<10240xf32, #tpu.memory_space<vmem>>[vector<16xi32>], vector<16xf32>, vector<16xi1>
      %get3A_463 = arith.constant 32 : index
      %get3A_464 = tpu.vector_load %arg12[%get3A_463] {strides = array<i32>} : memref<128xi32, #tpu.memory_space<vmem>>, vector<16xi32>,
      %masked_sort3A_465 = arith.constant dense<true> : vector<16xi1>
      %masked_sort3A_466 = arith.constant -2147483648 : i32
      %masked_sort3A_467 = vector.broadcast %masked_sort3A_466 : i32 to vector<16xi32>
      %masked_sort3A_468 = arith.xori %get3A_464, %masked_sort3A_467 : vector<16xi32>
      %masked_sort3A_469, %masked_sort3A_470, %masked_sort3A_471 = tpu.sort %masked_sort3A_468, %get3A_464 masked %masked_sort3A_465 : (vector<16xi32>, vector<16xi32>, vector<16xi1>) -> (vector<16xi1>, vector<16xi32>, vector<16xi32>)
      %masked_sort3A_472 = arith.xori %masked_sort3A_470, %masked_sort3A_467 : vector<16xi32>
      %swap3A_473 = arith.constant 1 : index
      %swap3A_474 = tpu.vector_load %arg16[%swap3A_473] {strides = array<i32>} : memref<32xi32, #tpu.memory_space<vmem>>, vector<16xi32>,
      tpu.vector_store %arg16[%swap3A_473], %masked_sort3A_472 {strides = array<i32>} : memref<32xi32, #tpu.memory_space<vmem>>, vector<16xi32>,
      %get3A_475 = arith.constant 0 : index
      %get3A_476 = tpu.vector_load %arg16[%get3A_475] {strides = array<i32>} : memref<32xi32, #tpu.memory_space<vmem>>, vector<16xi32>,
      %get3A_477 = arith.constant 2 : index
      %get3A_478 = tpu.vector_load %arg16[%get3A_477] {strides = array<i32>} : memref<32xi32, #tpu.memory_space<vmem>>, vector<16xi32>,
      %ne3A_479 = arith.cmpi ne, %masked_sort3A_472, %get3A_476 : vector<16xi32>
      %jit3A_480 = arith.constant -1 : i32
      %broadcast_in_dim3A_481 = vector.broadcast %jit3A_480 : i32 to vector<16xi32>
      %select_n3A_482 = arith.select %ne3A_479, %iota3A, %broadcast_in_dim3A_481 : vector<16xi1>, vector<16xi32>
      %broadcast_in_dim3A_483 = arith.constant true
      %broadcast_in_dim3A_484 = vector.broadcast %broadcast_in_dim3A_483 : i1 to vector<16xi1>
      %masked_cummax3A_485 = arith.constant -2147483648 : i32
      %masked_cummax3A_486 = vector.broadcast %masked_cummax3A_485 : i32 to vector<16xi32>
      %masked_cummax3A_487 = arith.xori %select_n3A_482, %masked_cummax3A_486 : vector<16xi32>
      %masked_cummax3A_488 = tpu.scan <max>, %masked_cummax3A_487 masked %broadcast_in_dim3A_484 : vector<16xi32>, vector<16xi1> -> vector<16xi32>
      %masked_cummax3A_489 = arith.xori %masked_cummax3A_488, %masked_cummax3A_486 : vector<16xi32>
      %sub3A_490 = arith.subi %iota3A, %masked_cummax3A_489 : vector<16xi32>
      %add3A_491 = arith.constant 1 : i32
      %add3A_492 = vector.broadcast %add3A_491 : i32 to vector<16xi32>
      %add3A_493 = arith.addi %sub3A_490, %add3A_492 : vector<16xi32>
      %convert_element_type3A_494 = arith.sitofp %add3A_493 : vector<16xi32> to vector<16xf32>
      %ne3A_495 = arith.cmpi ne, %masked_sort3A_472, %get3A_478 : vector<16xi32>
      tpu.vector_store_idx %arg15[%masked_sort3A_472], %convert_element_type3A_494 masked %ne3A_495 {add = true} : memref<10240xf32, #tpu.memory_space<vmem>>[vector<16xi32>], vector<16xf32>, vector<16xi1>
      %get3A_496 = arith.constant 48 : index
      %get3A_497 = tpu.vector_load %arg12[%get3A_496] {strides = array<i32>} : memref<128xi32, #tpu.memory_space<vmem>>, vector<16xi32>,
      %masked_sort3A_498 = arith.constant dense<true> : vector<16xi1>
      %masked_sort3A_499 = arith.constant -2147483648 : i32
      %masked_sort3A_500 = vector.broadcast %masked_sort3A_499 : i32 to vector<16xi32>
      %masked_sort3A_501 = arith.xori %get3A_497, %masked_sort3A_500 : vector<16xi32>
      %masked_sort3A_502, %masked_sort3A_503, %masked_sort3A_504 = tpu.sort %masked_sort3A_501, %get3A_497 masked %masked_sort3A_498 : (vector<16xi32>, vector<16xi32>, vector<16xi1>) -> (vector<16xi1>, vector<16xi32>, vector<16xi32>)
      %masked_sort3A_505 = arith.xori %masked_sort3A_503, %masked_sort3A_500 : vector<16xi32>
      %swap3A_506 = arith.constant 1 : index
      %swap3A_507 = tpu.vector_load %arg16[%swap3A_506] {strides = array<i32>} : memref<32xi32, #tpu.memory_space<vmem>>, vector<16xi32>,
      tpu.vector_store %arg16[%swap3A_506], %masked_sort3A_505 {strides = array<i32>} : memref<32xi32, #tpu.memory_space<vmem>>, vector<16xi32>,
      %get3A_508 = arith.constant 0 : index
      %get3A_509 = tpu.vector_load %arg16[%get3A_508] {strides = array<i32>} : memref<32xi32, #tpu.memory_space<vmem>>, vector<16xi32>,
      %get3A_510 = arith.constant 2 : index
      %get3A_511 = tpu.vector_load %arg16[%get3A_510] {strides = array<i32>} : memref<32xi32, #tpu.memory_space<vmem>>, vector<16xi32>,
      %ne3A_512 = arith.cmpi ne, %masked_sort3A_505, %get3A_509 : vector<16xi32>
      %jit3A_513 = arith.constant -1 : i32
      %broadcast_in_dim3A_514 = vector.broadcast %jit3A_513 : i32 to vector<16xi32>
      %select_n3A_515 = arith.select %ne3A_512, %iota3A, %broadcast_in_dim3A_514 : vector<16xi1>, vector<16xi32>
      %broadcast_in_dim3A_516 = arith.constant true
      %broadcast_in_dim3A_517 = vector.broadcast %broadcast_in_dim3A_516 : i1 to vector<16xi1>
      %masked_cummax3A_518 = arith.constant -2147483648 : i32
      %masked_cummax3A_519 = vector.broadcast %masked_cummax3A_518 : i32 to vector<16xi32>
      %masked_cummax3A_520 = arith.xori %select_n3A_515, %masked_cummax3A_519 : vector<16xi32>
      %masked_cummax3A_521 = tpu.scan <max>, %masked_cummax3A_520 masked %broadcast_in_dim3A_517 : vector<16xi32>, vector<16xi1> -> vector<16xi32>
      %masked_cummax3A_522 = arith.xori %masked_cummax3A_521, %masked_cummax3A_519 : vector<16xi32>
      %sub3A_523 = arith.subi %iota3A, %masked_cummax3A_522 : vector<16xi32>
      %add3A_524 = arith.constant 1 : i32
      %add3A_525 = vector.broadcast %add3A_524 : i32 to vector<16xi32>
      %add3A_526 = arith.addi %sub3A_523, %add3A_525 : vector<16xi32>
      %convert_element_type3A_527 = arith.sitofp %add3A_526 : vector<16xi32> to vector<16xf32>
      %ne3A_528 = arith.cmpi ne, %masked_sort3A_505, %get3A_511 : vector<16xi32>
      tpu.vector_store_idx %arg15[%masked_sort3A_505], %convert_element_type3A_527 masked %ne3A_528 {add = true} : memref<10240xf32, #tpu.memory_space<vmem>>[vector<16xi32>], vector<16xf32>, vector<16xi1>
      %get3A_529 = arith.constant 64 : index
      %get3A_530 = tpu.vector_load %arg12[%get3A_529] {strides = array<i32>} : memref<128xi32, #tpu.memory_space<vmem>>, vector<16xi32>,
      %masked_sort3A_531 = arith.constant dense<true> : vector<16xi1>
      %masked_sort3A_532 = arith.constant -2147483648 : i32
      %masked_sort3A_533 = vector.broadcast %masked_sort3A_532 : i32 to vector<16xi32>
      %masked_sort3A_534 = arith.xori %get3A_530, %masked_sort3A_533 : vector<16xi32>
      %masked_sort3A_535, %masked_sort3A_536, %masked_sort3A_537 = tpu.sort %masked_sort3A_534, %get3A_530 masked %masked_sort3A_531 : (vector<16xi32>, vector<16xi32>, vector<16xi1>) -> (vector<16xi1>, vector<16xi32>, vector<16xi32>)
      %masked_sort3A_538 = arith.xori %masked_sort3A_536, %masked_sort3A_533 : vector<16xi32>
      %swap3A_539 = arith.constant 1 : index
      %swap3A_540 = tpu.vector_load %arg16[%swap3A_539] {strides = array<i32>} : memref<32xi32, #tpu.memory_space<vmem>>, vector<16xi32>,
      tpu.vector_store %arg16[%swap3A_539], %masked_sort3A_538 {strides = array<i32>} : memref<32xi32, #tpu.memory_space<vmem>>, vector<16xi32>,
      %get3A_541 = arith.constant 0 : index
      %get3A_542 = tpu.vector_load %arg16[%get3A_541] {strides = array<i32>} : memref<32xi32, #tpu.memory_space<vmem>>, vector<16xi32>,
      %get3A_543 = arith.constant 2 : index
      %get3A_544 = tpu.vector_load %arg16[%get3A_543] {strides = array<i32>} : memref<32xi32, #tpu.memory_space<vmem>>, vector<16xi32>,
      %ne3A_545 = arith.cmpi ne, %masked_sort3A_538, %get3A_542 : vector<16xi32>
      %jit3A_546 = arith.constant -1 : i32
      %broadcast_in_dim3A_547 = vector.broadcast %jit3A_546 : i32 to vector<16xi32>
      %select_n3A_548 = arith.select %ne3A_545, %iota3A, %broadcast_in_dim3A_547 : vector<16xi1>, vector<16xi32>
      %broadcast_in_dim3A_549 = arith.constant true
      %broadcast_in_dim3A_550 = vector.broadcast %broadcast_in_dim3A_549 : i1 to vector<16xi1>
      %masked_cummax3A_551 = arith.constant -2147483648 : i32
      %masked_cummax3A_552 = vector.broadcast %masked_cummax3A_551 : i32 to vector<16xi32>
      %masked_cummax3A_553 = arith.xori %select_n3A_548, %masked_cummax3A_552 : vector<16xi32>
      %masked_cummax3A_554 = tpu.scan <max>, %masked_cummax3A_553 masked %broadcast_in_dim3A_550 : vector<16xi32>, vector<16xi1> -> vector<16xi32>
      %masked_cummax3A_555 = arith.xori %masked_cummax3A_554, %masked_cummax3A_552 : vector<16xi32>
      %sub3A_556 = arith.subi %iota3A, %masked_cummax3A_555 : vector<16xi32>
      %add3A_557 = arith.constant 1 : i32
      %add3A_558 = vector.broadcast %add3A_557 : i32 to vector<16xi32>
      %add3A_559 = arith.addi %sub3A_556, %add3A_558 : vector<16xi32>
      %convert_element_type3A_560 = arith.sitofp %add3A_559 : vector<16xi32> to vector<16xf32>
      %ne3A_561 = arith.cmpi ne, %masked_sort3A_538, %get3A_544 : vector<16xi32>
      tpu.vector_store_idx %arg15[%masked_sort3A_538], %convert_element_type3A_560 masked %ne3A_561 {add = true} : memref<10240xf32, #tpu.memory_space<vmem>>[vector<16xi32>], vector<16xf32>, vector<16xi1>
      %get3A_562 = arith.constant 80 : index
      %get3A_563 = tpu.vector_load %arg12[%get3A_562] {strides = array<i32>} : memref<128xi32, #tpu.memory_space<vmem>>, vector<16xi32>,
      %masked_sort3A_564 = arith.constant dense<true> : vector<16xi1>
      %masked_sort3A_565 = arith.constant -2147483648 : i32
      %masked_sort3A_566 = vector.broadcast %masked_sort3A_565 : i32 to vector<16xi32>
      %masked_sort3A_567 = arith.xori %get3A_563, %masked_sort3A_566 : vector<16xi32>
      %masked_sort3A_568, %masked_sort3A_569, %masked_sort3A_570 = tpu.sort %masked_sort3A_567, %get3A_563 masked %masked_sort3A_564 : (vector<16xi32>, vector<16xi32>, vector<16xi1>) -> (vector<16xi1>, vector<16xi32>, vector<16xi32>)
      %masked_sort3A_571 = arith.xori %masked_sort3A_569, %masked_sort3A_566 : vector<16xi32>
      %swap3A_572 = arith.constant 1 : index
      %swap3A_573 = tpu.vector_load %arg16[%swap3A_572] {strides = array<i32>} : memref<32xi32, #tpu.memory_space<vmem>>, vector<16xi32>,
      tpu.vector_store %arg16[%swap3A_572], %masked_sort3A_571 {strides = array<i32>} : memref<32xi32, #tpu.memory_space<vmem>>, vector<16xi32>,
      %get3A_574 = arith.constant 0 : index
      %get3A_575 = tpu.vector_load %arg16[%get3A_574] {strides = array<i32>} : memref<32xi32, #tpu.memory_space<vmem>>, vector<16xi32>,
      %get3A_576 = arith.constant 2 : index
      %get3A_577 = tpu.vector_load %arg16[%get3A_576] {strides = array<i32>} : memref<32xi32, #tpu.memory_space<vmem>>, vector<16xi32>,
      %ne3A_578 = arith.cmpi ne, %masked_sort3A_571, %get3A_575 : vector<16xi32>
      %jit3A_579 = arith.constant -1 : i32
      %broadcast_in_dim3A_580 = vector.broadcast %jit3A_579 : i32 to vector<16xi32>
      %select_n3A_581 = arith.select %ne3A_578, %iota3A, %broadcast_in_dim3A_580 : vector<16xi1>, vector<16xi32>
      %broadcast_in_dim3A_582 = arith.constant true
      %broadcast_in_dim3A_583 = vector.broadcast %broadcast_in_dim3A_582 : i1 to vector<16xi1>
      %masked_cummax3A_584 = arith.constant -2147483648 : i32
      %masked_cummax3A_585 = vector.broadcast %masked_cummax3A_584 : i32 to vector<16xi32>
      %masked_cummax3A_586 = arith.xori %select_n3A_581, %masked_cummax3A_585 : vector<16xi32>
      %masked_cummax3A_587 = tpu.scan <max>, %masked_cummax3A_586 masked %broadcast_in_dim3A_583 : vector<16xi32>, vector<16xi1> -> vector<16xi32>
      %masked_cummax3A_588 = arith.xori %masked_cummax3A_587, %masked_cummax3A_585 : vector<16xi32>
      %sub3A_589 = arith.subi %iota3A, %masked_cummax3A_588 : vector<16xi32>
      %add3A_590 = arith.constant 1 : i32
      %add3A_591 = vector.broadcast %add3A_590 : i32 to vector<16xi32>
      %add3A_592 = arith.addi %sub3A_589, %add3A_591 : vector<16xi32>
      %convert_element_type3A_593 = arith.sitofp %add3A_592 : vector<16xi32> to vector<16xf32>
      %ne3A_594 = arith.cmpi ne, %masked_sort3A_571, %get3A_577 : vector<16xi32>
      tpu.vector_store_idx %arg15[%masked_sort3A_571], %convert_element_type3A_593 masked %ne3A_594 {add = true} : memref<10240xf32, #tpu.memory_space<vmem>>[vector<16xi32>], vector<16xf32>, vector<16xi1>
      %get3A_595 = arith.constant 96 : index
      %get3A_596 = tpu.vector_load %arg12[%get3A_595] {strides = array<i32>} : memref<128xi32, #tpu.memory_space<vmem>>, vector<16xi32>,
      %masked_sort3A_597 = arith.constant dense<true> : vector<16xi1>
      %masked_sort3A_598 = arith.constant -2147483648 : i32
      %masked_sort3A_599 = vector.broadcast %masked_sort3A_598 : i32 to vector<16xi32>
      %masked_sort3A_600 = arith.xori %get3A_596, %masked_sort3A_599 : vector<16xi32>
      %masked_sort3A_601, %masked_sort3A_602, %masked_sort3A_603 = tpu.sort %masked_sort3A_600, %get3A_596 masked %masked_sort3A_597 : (vector<16xi32>, vector<16xi32>, vector<16xi1>) -> (vector<16xi1>, vector<16xi32>, vector<16xi32>)
      %masked_sort3A_604 = arith.xori %masked_sort3A_602, %masked_sort3A_599 : vector<16xi32>
      %swap3A_605 = arith.constant 1 : index
      %swap3A_606 = tpu.vector_load %arg16[%swap3A_605] {strides = array<i32>} : memref<32xi32, #tpu.memory_space<vmem>>, vector<16xi32>,
      tpu.vector_store %arg16[%swap3A_605], %masked_sort3A_604 {strides = array<i32>} : memref<32xi32, #tpu.memory_space<vmem>>, vector<16xi32>,
      %get3A_607 = arith.constant 0 : index
      %get3A_608 = tpu.vector_load %arg16[%get3A_607] {strides = array<i32>} : memref<32xi32, #tpu.memory_space<vmem>>, vector<16xi32>,
      %get3A_609 = arith.constant 2 : index
      %get3A_610 = tpu.vector_load %arg16[%get3A_609] {strides = array<i32>} : memref<32xi32, #tpu.memory_space<vmem>>, vector<16xi32>,
      %ne3A_611 = arith.cmpi ne, %masked_sort3A_604, %get3A_608 : vector<16xi32>
      %jit3A_612 = arith.constant -1 : i32
      %broadcast_in_dim3A_613 = vector.broadcast %jit3A_612 : i32 to vector<16xi32>
      %select_n3A_614 = arith.select %ne3A_611, %iota3A, %broadcast_in_dim3A_613 : vector<16xi1>, vector<16xi32>
      %broadcast_in_dim3A_615 = arith.constant true
      %broadcast_in_dim3A_616 = vector.broadcast %broadcast_in_dim3A_615 : i1 to vector<16xi1>
      %masked_cummax3A_617 = arith.constant -2147483648 : i32
      %masked_cummax3A_618 = vector.broadcast %masked_cummax3A_617 : i32 to vector<16xi32>
      %masked_cummax3A_619 = arith.xori %select_n3A_614, %masked_cummax3A_618 : vector<16xi32>
      %masked_cummax3A_620 = tpu.scan <max>, %masked_cummax3A_619 masked %broadcast_in_dim3A_616 : vector<16xi32>, vector<16xi1> -> vector<16xi32>
      %masked_cummax3A_621 = arith.xori %masked_cummax3A_620, %masked_cummax3A_618 : vector<16xi32>
      %sub3A_622 = arith.subi %iota3A, %masked_cummax3A_621 : vector<16xi32>
      %add3A_623 = arith.constant 1 : i32
      %add3A_624 = vector.broadcast %add3A_623 : i32 to vector<16xi32>
      %add3A_625 = arith.addi %sub3A_622, %add3A_624 : vector<16xi32>
      %convert_element_type3A_626 = arith.sitofp %add3A_625 : vector<16xi32> to vector<16xf32>
      %ne3A_627 = arith.cmpi ne, %masked_sort3A_604, %get3A_610 : vector<16xi32>
      tpu.vector_store_idx %arg15[%masked_sort3A_604], %convert_element_type3A_626 masked %ne3A_627 {add = true} : memref<10240xf32, #tpu.memory_space<vmem>>[vector<16xi32>], vector<16xf32>, vector<16xi1>
      %get3A_628 = arith.constant 112 : index
      %get3A_629 = tpu.vector_load %arg12[%get3A_628] {strides = array<i32>} : memref<128xi32, #tpu.memory_space<vmem>>, vector<16xi32>,
      %masked_sort3A_630 = arith.constant dense<true> : vector<16xi1>
      %masked_sort3A_631 = arith.constant -2147483648 : i32
      %masked_sort3A_632 = vector.broadcast %masked_sort3A_631 : i32 to vector<16xi32>
      %masked_sort3A_633 = arith.xori %get3A_629, %masked_sort3A_632 : vector<16xi32>
      %masked_sort3A_634, %masked_sort3A_635, %masked_sort3A_636 = tpu.sort %masked_sort3A_633, %get3A_629 masked %masked_sort3A_630 : (vector<16xi32>, vector<16xi32>, vector<16xi1>) -> (vector<16xi1>, vector<16xi32>, vector<16xi32>)
      %masked_sort3A_637 = arith.xori %masked_sort3A_635, %masked_sort3A_632 : vector<16xi32>
      %swap3A_638 = arith.constant 1 : index
      %swap3A_639 = tpu.vector_load %arg16[%swap3A_638] {strides = array<i32>} : memref<32xi32, #tpu.memory_space<vmem>>, vector<16xi32>,
      tpu.vector_store %arg16[%swap3A_638], %masked_sort3A_637 {strides = array<i32>} : memref<32xi32, #tpu.memory_space<vmem>>, vector<16xi32>,
      %get3A_640 = arith.constant 0 : index
      %get3A_641 = tpu.vector_load %arg16[%get3A_640] {strides = array<i32>} : memref<32xi32, #tpu.memory_space<vmem>>, vector<16xi32>,
      %get3A_642 = arith.constant 2 : index
      %get3A_643 = tpu.vector_load %arg16[%get3A_642] {strides = array<i32>} : memref<32xi32, #tpu.memory_space<vmem>>, vector<16xi32>,
      %ne3A_644 = arith.cmpi ne, %masked_sort3A_637, %get3A_641 : vector<16xi32>
      %jit3A_645 = arith.constant -1 : i32
      %broadcast_in_dim3A_646 = vector.broadcast %jit3A_645 : i32 to vector<16xi32>
      %select_n3A_647 = arith.select %ne3A_644, %iota3A, %broadcast_in_dim3A_646 : vector<16xi1>, vector<16xi32>
      %broadcast_in_dim3A_648 = arith.constant true
      %broadcast_in_dim3A_649 = vector.broadcast %broadcast_in_dim3A_648 : i1 to vector<16xi1>
      %masked_cummax3A_650 = arith.constant -2147483648 : i32
      %masked_cummax3A_651 = vector.broadcast %masked_cummax3A_650 : i32 to vector<16xi32>
      %masked_cummax3A_652 = arith.xori %select_n3A_647, %masked_cummax3A_651 : vector<16xi32>
      %masked_cummax3A_653 = tpu.scan <max>, %masked_cummax3A_652 masked %broadcast_in_dim3A_649 : vector<16xi32>, vector<16xi1> -> vector<16xi32>
      %masked_cummax3A_654 = arith.xori %masked_cummax3A_653, %masked_cummax3A_651 : vector<16xi32>
      %sub3A_655 = arith.subi %iota3A, %masked_cummax3A_654 : vector<16xi32>
      %add3A_656 = arith.constant 1 : i32
      %add3A_657 = vector.broadcast %add3A_656 : i32 to vector<16xi32>
      %add3A_658 = arith.addi %sub3A_655, %add3A_657 : vector<16xi32>
      %convert_element_type3A_659 = arith.sitofp %add3A_658 : vector<16xi32> to vector<16xf32>
      %ne3A_660 = arith.cmpi ne, %masked_sort3A_637, %get3A_643 : vector<16xi32>
      tpu.vector_store_idx %arg15[%masked_sort3A_637], %convert_element_type3A_659 masked %ne3A_660 {add = true} : memref<10240xf32, #tpu.memory_space<vmem>>[vector<16xi32>], vector<16xf32>, vector<16xi1>
      %add3A_661 = arith.constant 2 : i32
      %add3A_662 = arith.addi %add3A_379, %add3A_661 : i32
      %add3A_663 = arith.addi %add3A_6, %add3A_662 : i32
      %mul3A_664 = arith.constant 128 : i32
      %mul3A_665 = arith.muli %add3A_663, %mul3A_664 : i32
      %dma_start3A_666 = tpu.memref_slice %arg3[%mul3A_665] : memref<327936xi32, #tpu.memory_space<hbm>> -> memref<128xi32, #tpu.memory_space<hbm>>
      %dma_start3A_667 = tpu.memref_slice %arg3[%mul3A_665] : memref<327936xi32, #tpu.memory_space<hbm>> -> memref<128xi32, #tpu.memory_space<hbm>>
      tpu.enqueue_dma source(%dma_start3A_667 : memref<128xi32, #tpu.memory_space<hbm>>) target(%arg10 : memref<128xi32, #tpu.memory_space<vmem>>) target_semaphore(%arg18 : memref<!tpu.dma_semaphore, #tpu.memory_space<semaphore_mem>>)
      %add3A_668 = arith.addi %add3A_6, %add3A_662 : i32
      %mul3A_669 = arith.constant 128 : i32
      %mul3A_670 = arith.muli %add3A_668, %mul3A_669 : i32
      %dma_start3A_671 = tpu.memref_slice %arg4[%mul3A_670] : memref<327936xi32, #tpu.memory_space<hbm>> -> memref<128xi32, #tpu.memory_space<hbm>>
      %dma_start3A_672 = tpu.memref_slice %arg4[%mul3A_670] : memref<327936xi32, #tpu.memory_space<hbm>> -> memref<128xi32, #tpu.memory_space<hbm>>
      tpu.enqueue_dma source(%dma_start3A_672 : memref<128xi32, #tpu.memory_space<hbm>>) target(%arg12 : memref<128xi32, #tpu.memory_space<vmem>>) target_semaphore(%arg18 : memref<!tpu.dma_semaphore, #tpu.memory_space<semaphore_mem>>)
    }
    %while3A_63 = arith.constant 1 : i32
    scf.for %while3A_85 = %while3A_61 to %while3A_57 step %while3A_63  : i32 {
      %mul3A_86 = arith.muli %while3A_85, %while3A : i32
      %add3A_87 = arith.addi %while3A_54, %mul3A_86 : i32
      %add3A_88 = arith.constant 0 : i32
      %add3A_89 = arith.addi %add3A_87, %add3A_88 : i32
      %dma_wait3A_90 = arith.constant 0 : i32
      %dma_wait3A_91 = arith.constant 0 : i32
      %dma_wait3A_92 = tpu.memref_slice %arg2[%dma_wait3A_90, %dma_wait3A_91] : memref<10000x128xf32, #tpu.memory_space<hbm>> -> memref<128x128xf32, #tpu.memory_space<hbm>>
      %dma_wait3A_93 = arith.constant 0 : i32
      %dma_wait3A_94 = arith.constant 0 : i32
      %dma_wait3A_95 = tpu.memref_slice %arg2[%dma_wait3A_93, %dma_wait3A_94] : memref<10000x128xf32, #tpu.memory_space<hbm>> -> memref<128x128xf32, #tpu.memory_space<hbm>>
      tpu.wait_dma2 semaphore(%arg19 : memref<!tpu.dma_semaphore, #tpu.memory_space<semaphore_mem>>) src(%dma_wait3A_95 : memref<128x128xf32, #tpu.memory_space<hbm>>) dst(%arg13 : memref<128x128xf32, #tpu.memory_space<vmem>>)
      %dma_wait3A_96 = arith.constant 0 : i32
      %dma_wait3A_97 = tpu.memref_slice %arg3[%dma_wait3A_96] : memref<327936xi32, #tpu.memory_space<hbm>> -> memref<128xi32, #tpu.memory_space<hbm>>
      %dma_wait3A_98 = arith.constant 0 : i32
      %dma_wait3A_99 = tpu.memref_slice %arg3[%dma_wait3A_98] : memref<327936xi32, #tpu.memory_space<hbm>> -> memref<128xi32, #tpu.memory_space<hbm>>
      tpu.wait_dma2 semaphore(%arg18 : memref<!tpu.dma_semaphore, #tpu.memory_space<semaphore_mem>>) src(%dma_wait3A_99 : memref<128xi32, #tpu.memory_space<hbm>>) dst(%arg9 : memref<128xi32, #tpu.memory_space<vmem>>)
      %dma_wait3A_100 = arith.constant 0 : i32
      %dma_wait3A_101 = tpu.memref_slice %arg3[%dma_wait3A_100] : memref<327936xi32, #tpu.memory_space<hbm>> -> memref<128xi32, #tpu.memory_space<hbm>>
      %dma_wait3A_102 = arith.constant 0 : i32
      %dma_wait3A_103 = tpu.memref_slice %arg3[%dma_wait3A_102] : memref<327936xi32, #tpu.memory_space<hbm>> -> memref<128xi32, #tpu.memory_space<hbm>>
      tpu.wait_dma2 semaphore(%arg18 : memref<!tpu.dma_semaphore, #tpu.memory_space<semaphore_mem>>) src(%dma_wait3A_103 : memref<128xi32, #tpu.memory_space<hbm>>) dst(%arg11 : memref<128xi32, #tpu.memory_space<vmem>>)
      %dma_start3A_104 = arith.constant 0 : i32
      %dma_start3A_105 = arith.constant 0 : i32
      %dma_start3A_106 = tpu.memref_slice %arg2[%dma_start3A_104, %dma_start3A_105] : memref<10000x128xf32, #tpu.memory_space<hbm>> -> memref<10000x128xf32, #tpu.memory_space<hbm>>
      tpu.enqueue_indirect_dma source(%dma_start3A_106 : memref<10000x128xf32, #tpu.memory_space<hbm>>) target(%arg14 : memref<128x128xf32, #tpu.memory_space<vmem>>) offsets(%arg10 : memref<128xi32, #tpu.memory_space<vmem>>) semaphore(%arg19 : memref<!tpu.dma_semaphore, #tpu.memory_space<semaphore_mem>>)
      "tpu.region"() ({
        %run_scoped3A = tpu.sem_alloc : memref<!tpu.dma_semaphore, #tpu.memory_space<semaphore_mem>>
        %dma_start3A_673 = arith.constant 0 : i32
        %dma_start3A_674 = arith.constant 0 : i32
        %dma_start3A_675 = tpu.memref_slice %arg17[%dma_start3A_673, %dma_start3A_674] : memref<10240x128xf32, #tpu.memory_space<vmem_shared>> -> memref<10240x128xf32, #tpu.memory_space<vmem_shared>>
        tpu.enqueue_indirect_dma source(%arg13 : memref<128x128xf32, #tpu.memory_space<vmem>>) target(%dma_start3A_675 : memref<10240x128xf32, #tpu.memory_space<vmem_shared>>) offsets(%arg11 : memref<128xi32, #tpu.memory_space<vmem>>) semaphore(%run_scoped3A : memref<!tpu.dma_semaphore, #tpu.memory_space<semaphore_mem>>) {add = true}
        %dma_wait3A_676 = arith.constant 0 : i32
        %dma_wait3A_677 = arith.constant 0 : i32
        %dma_wait3A_678 = tpu.memref_slice %arg17[%dma_wait3A_676, %dma_wait3A_677] : memref<10240x128xf32, #tpu.memory_space<vmem_shared>> -> memref<10240x128xf32, #tpu.memory_space<vmem_shared>>
        tpu.wait_indirect_dma semaphore(%run_scoped3A : memref<!tpu.dma_semaphore, #tpu.memory_space<semaphore_mem>>) src(%arg13 : memref<128x128xf32, #tpu.memory_space<vmem>>) dst(%dma_wait3A_678 : memref<10240x128xf32, #tpu.memory_space<vmem_shared>>)
        tpu.yield
      }) : () -> ()
      %get3A = arith.constant 0 : index
      %get3A_107 = tpu.vector_load %arg11[%get3A] {strides = array<i32>} : memref<128xi32, #tpu.memory_space<vmem>>, vector<16xi32>,
      %masked_sort3A = arith.constant dense<true> : vector<16xi1>
      %masked_sort3A_108 = arith.constant -2147483648 : i32
      %masked_sort3A_109 = vector.broadcast %masked_sort3A_108 : i32 to vector<16xi32>
      %masked_sort3A_110 = arith.xori %get3A_107, %masked_sort3A_109 : vector<16xi32>
      %masked_sort3A_111, %masked_sort3A_112, %masked_sort3A_113 = tpu.sort %masked_sort3A_110, %get3A_107 masked %masked_sort3A : (vector<16xi32>, vector<16xi32>, vector<16xi1>) -> (vector<16xi1>, vector<16xi32>, vector<16xi32>)
      %masked_sort3A_114 = arith.xori %masked_sort3A_112, %masked_sort3A_109 : vector<16xi32>
      %swap3A_115 = arith.constant 1 : index
      %swap3A_116 = tpu.vector_load %arg16[%swap3A_115] {strides = array<i32>} : memref<32xi32, #tpu.memory_space<vmem>>, vector<16xi32>,
      tpu.vector_store %arg16[%swap3A_115], %masked_sort3A_114 {strides = array<i32>} : memref<32xi32, #tpu.memory_space<vmem>>, vector<16xi32>,
      %get3A_117 = arith.constant 0 : index
      %get3A_118 = tpu.vector_load %arg16[%get3A_117] {strides = array<i32>} : memref<32xi32, #tpu.memory_space<vmem>>, vector<16xi32>,
      %get3A_119 = arith.constant 2 : index
      %get3A_120 = tpu.vector_load %arg16[%get3A_119] {strides = array<i32>} : memref<32xi32, #tpu.memory_space<vmem>>, vector<16xi32>,
      %ne3A = arith.cmpi ne, %masked_sort3A_114, %get3A_118 : vector<16xi32>
      %jit3A_121 = arith.constant -1 : i32
      %broadcast_in_dim3A_122 = vector.broadcast %jit3A_121 : i32 to vector<16xi32>
      %select_n3A_123 = arith.select %ne3A, %iota3A, %broadcast_in_dim3A_122 : vector<16xi1>, vector<16xi32>
      %broadcast_in_dim3A_124 = arith.constant true
      %broadcast_in_dim3A_125 = vector.broadcast %broadcast_in_dim3A_124 : i1 to vector<16xi1>
      %masked_cummax3A = arith.constant -2147483648 : i32
      %masked_cummax3A_126 = vector.broadcast %masked_cummax3A : i32 to vector<16xi32>
      %masked_cummax3A_127 = arith.xori %select_n3A_123, %masked_cummax3A_126 : vector<16xi32>
      %masked_cummax3A_128 = tpu.scan <max>, %masked_cummax3A_127 masked %broadcast_in_dim3A_125 : vector<16xi32>, vector<16xi1> -> vector<16xi32>
      %masked_cummax3A_129 = arith.xori %masked_cummax3A_128, %masked_cummax3A_126 : vector<16xi32>
      %sub3A_130 = arith.subi %iota3A, %masked_cummax3A_129 : vector<16xi32>
      %add3A_131 = arith.constant 1 : i32
      %add3A_132 = vector.broadcast %add3A_131 : i32 to vector<16xi32>
      %add3A_133 = arith.addi %sub3A_130, %add3A_132 : vector<16xi32>
      %convert_element_type3A = arith.sitofp %add3A_133 : vector<16xi32> to vector<16xf32>
      %ne3A_134 = arith.cmpi ne, %masked_sort3A_114, %get3A_120 : vector<16xi32>
      tpu.vector_store_idx %arg15[%masked_sort3A_114], %convert_element_type3A masked %ne3A_134 {add = true} : memref<10240xf32, #tpu.memory_space<vmem>>[vector<16xi32>], vector<16xf32>, vector<16xi1>
      %get3A_135 = arith.constant 16 : index
      %get3A_136 = tpu.vector_load %arg11[%get3A_135] {strides = array<i32>} : memref<128xi32, #tpu.memory_space<vmem>>, vector<16xi32>,
      %masked_sort3A_137 = arith.constant dense<true> : vector<16xi1>
      %masked_sort3A_138 = arith.constant -2147483648 : i32
      %masked_sort3A_139 = vector.broadcast %masked_sort3A_138 : i32 to vector<16xi32>
      %masked_sort3A_140 = arith.xori %get3A_136, %masked_sort3A_139 : vector<16xi32>
      %masked_sort3A_141, %masked_sort3A_142, %masked_sort3A_143 = tpu.sort %masked_sort3A_140, %get3A_136 masked %masked_sort3A_137 : (vector<16xi32>, vector<16xi32>, vector<16xi1>) -> (vector<16xi1>, vector<16xi32>, vector<16xi32>)
      %masked_sort3A_144 = arith.xori %masked_sort3A_142, %masked_sort3A_139 : vector<16xi32>
      %swap3A_145 = arith.constant 1 : index
      %swap3A_146 = tpu.vector_load %arg16[%swap3A_145] {strides = array<i32>} : memref<32xi32, #tpu.memory_space<vmem>>, vector<16xi32>,
      tpu.vector_store %arg16[%swap3A_145], %masked_sort3A_144 {strides = array<i32>} : memref<32xi32, #tpu.memory_space<vmem>>, vector<16xi32>,
      %get3A_147 = arith.constant 0 : index
      %get3A_148 = tpu.vector_load %arg16[%get3A_147] {strides = array<i32>} : memref<32xi32, #tpu.memory_space<vmem>>, vector<16xi32>,
      %get3A_149 = arith.constant 2 : index
      %get3A_150 = tpu.vector_load %arg16[%get3A_149] {strides = array<i32>} : memref<32xi32, #tpu.memory_space<vmem>>, vector<16xi32>,
      %ne3A_151 = arith.cmpi ne, %masked_sort3A_144, %get3A_148 : vector<16xi32>
      %jit3A_152 = arith.constant -1 : i32
      %broadcast_in_dim3A_153 = vector.broadcast %jit3A_152 : i32 to vector<16xi32>
      %select_n3A_154 = arith.select %ne3A_151, %iota3A, %broadcast_in_dim3A_153 : vector<16xi1>, vector<16xi32>
      %broadcast_in_dim3A_155 = arith.constant true
      %broadcast_in_dim3A_156 = vector.broadcast %broadcast_in_dim3A_155 : i1 to vector<16xi1>
      %masked_cummax3A_157 = arith.constant -2147483648 : i32
      %masked_cummax3A_158 = vector.broadcast %masked_cummax3A_157 : i32 to vector<16xi32>
      %masked_cummax3A_159 = arith.xori %select_n3A_154, %masked_cummax3A_158 : vector<16xi32>
      %masked_cummax3A_160 = tpu.scan <max>, %masked_cummax3A_159 masked %broadcast_in_dim3A_156 : vector<16xi32>, vector<16xi1> -> vector<16xi32>
      %masked_cummax3A_161 = arith.xori %masked_cummax3A_160, %masked_cummax3A_158 : vector<16xi32>
      %sub3A_162 = arith.subi %iota3A, %masked_cummax3A_161 : vector<16xi32>
      %add3A_163 = arith.constant 1 : i32
      %add3A_164 = vector.broadcast %add3A_163 : i32 to vector<16xi32>
      %add3A_165 = arith.addi %sub3A_162, %add3A_164 : vector<16xi32>
      %convert_element_type3A_166 = arith.sitofp %add3A_165 : vector<16xi32> to vector<16xf32>
      %ne3A_167 = arith.cmpi ne, %masked_sort3A_144, %get3A_150 : vector<16xi32>
      tpu.vector_store_idx %arg15[%masked_sort3A_144], %convert_element_type3A_166 masked %ne3A_167 {add = true} : memref<10240xf32, #tpu.memory_space<vmem>>[vector<16xi32>], vector<16xf32>, vector<16xi1>
      %get3A_168 = arith.constant 32 : index
      %get3A_169 = tpu.vector_load %arg11[%get3A_168] {strides = array<i32>} : memref<128xi32, #tpu.memory_space<vmem>>, vector<16xi32>,
      %masked_sort3A_170 = arith.constant dense<true> : vector<16xi1>
      %masked_sort3A_171 = arith.constant -2147483648 : i32
      %masked_sort3A_172 = vector.broadcast %masked_sort3A_171 : i32 to vector<16xi32>
      %masked_sort3A_173 = arith.xori %get3A_169, %masked_sort3A_172 : vector<16xi32>
      %masked_sort3A_174, %masked_sort3A_175, %masked_sort3A_176 = tpu.sort %masked_sort3A_173, %get3A_169 masked %masked_sort3A_170 : (vector<16xi32>, vector<16xi32>, vector<16xi1>) -> (vector<16xi1>, vector<16xi32>, vector<16xi32>)
      %masked_sort3A_177 = arith.xori %masked_sort3A_175, %masked_sort3A_172 : vector<16xi32>
      %swap3A_178 = arith.constant 1 : index
      %swap3A_179 = tpu.vector_load %arg16[%swap3A_178] {strides = array<i32>} : memref<32xi32, #tpu.memory_space<vmem>>, vector<16xi32>,
      tpu.vector_store %arg16[%swap3A_178], %masked_sort3A_177 {strides = array<i32>} : memref<32xi32, #tpu.memory_space<vmem>>, vector<16xi32>,
      %get3A_180 = arith.constant 0 : index
      %get3A_181 = tpu.vector_load %arg16[%get3A_180] {strides = array<i32>} : memref<32xi32, #tpu.memory_space<vmem>>, vector<16xi32>,
      %get3A_182 = arith.constant 2 : index
      %get3A_183 = tpu.vector_load %arg16[%get3A_182] {strides = array<i32>} : memref<32xi32, #tpu.memory_space<vmem>>, vector<16xi32>,
      %ne3A_184 = arith.cmpi ne, %masked_sort3A_177, %get3A_181 : vector<16xi32>
      %jit3A_185 = arith.constant -1 : i32
      %broadcast_in_dim3A_186 = vector.broadcast %jit3A_185 : i32 to vector<16xi32>
      %select_n3A_187 = arith.select %ne3A_184, %iota3A, %broadcast_in_dim3A_186 : vector<16xi1>, vector<16xi32>
      %broadcast_in_dim3A_188 = arith.constant true
      %broadcast_in_dim3A_189 = vector.broadcast %broadcast_in_dim3A_188 : i1 to vector<16xi1>
      %masked_cummax3A_190 = arith.constant -2147483648 : i32
      %masked_cummax3A_191 = vector.broadcast %masked_cummax3A_190 : i32 to vector<16xi32>
      %masked_cummax3A_192 = arith.xori %select_n3A_187, %masked_cummax3A_191 : vector<16xi32>
      %masked_cummax3A_193 = tpu.scan <max>, %masked_cummax3A_192 masked %broadcast_in_dim3A_189 : vector<16xi32>, vector<16xi1> -> vector<16xi32>
      %masked_cummax3A_194 = arith.xori %masked_cummax3A_193, %masked_cummax3A_191 : vector<16xi32>
      %sub3A_195 = arith.subi %iota3A, %masked_cummax3A_194 : vector<16xi32>
      %add3A_196 = arith.constant 1 : i32
      %add3A_197 = vector.broadcast %add3A_196 : i32 to vector<16xi32>
      %add3A_198 = arith.addi %sub3A_195, %add3A_197 : vector<16xi32>
      %convert_element_type3A_199 = arith.sitofp %add3A_198 : vector<16xi32> to vector<16xf32>
      %ne3A_200 = arith.cmpi ne, %masked_sort3A_177, %get3A_183 : vector<16xi32>
      tpu.vector_store_idx %arg15[%masked_sort3A_177], %convert_element_type3A_199 masked %ne3A_200 {add = true} : memref<10240xf32, #tpu.memory_space<vmem>>[vector<16xi32>], vector<16xf32>, vector<16xi1>
      %get3A_201 = arith.constant 48 : index
      %get3A_202 = tpu.vector_load %arg11[%get3A_201] {strides = array<i32>} : memref<128xi32, #tpu.memory_space<vmem>>, vector<16xi32>,
      %masked_sort3A_203 = arith.constant dense<true> : vector<16xi1>
      %masked_sort3A_204 = arith.constant -2147483648 : i32
      %masked_sort3A_205 = vector.broadcast %masked_sort3A_204 : i32 to vector<16xi32>
      %masked_sort3A_206 = arith.xori %get3A_202, %masked_sort3A_205 : vector<16xi32>
      %masked_sort3A_207, %masked_sort3A_208, %masked_sort3A_209 = tpu.sort %masked_sort3A_206, %get3A_202 masked %masked_sort3A_203 : (vector<16xi32>, vector<16xi32>, vector<16xi1>) -> (vector<16xi1>, vector<16xi32>, vector<16xi32>)
      %masked_sort3A_210 = arith.xori %masked_sort3A_208, %masked_sort3A_205 : vector<16xi32>
      %swap3A_211 = arith.constant 1 : index
      %swap3A_212 = tpu.vector_load %arg16[%swap3A_211] {strides = array<i32>} : memref<32xi32, #tpu.memory_space<vmem>>, vector<16xi32>,
      tpu.vector_store %arg16[%swap3A_211], %masked_sort3A_210 {strides = array<i32>} : memref<32xi32, #tpu.memory_space<vmem>>, vector<16xi32>,
      %get3A_213 = arith.constant 0 : index
      %get3A_214 = tpu.vector_load %arg16[%get3A_213] {strides = array<i32>} : memref<32xi32, #tpu.memory_space<vmem>>, vector<16xi32>,
      %get3A_215 = arith.constant 2 : index
      %get3A_216 = tpu.vector_load %arg16[%get3A_215] {strides = array<i32>} : memref<32xi32, #tpu.memory_space<vmem>>, vector<16xi32>,
      %ne3A_217 = arith.cmpi ne, %masked_sort3A_210, %get3A_214 : vector<16xi32>
      %jit3A_218 = arith.constant -1 : i32
      %broadcast_in_dim3A_219 = vector.broadcast %jit3A_218 : i32 to vector<16xi32>
      %select_n3A_220 = arith.select %ne3A_217, %iota3A, %broadcast_in_dim3A_219 : vector<16xi1>, vector<16xi32>
      %broadcast_in_dim3A_221 = arith.constant true
      %broadcast_in_dim3A_222 = vector.broadcast %broadcast_in_dim3A_221 : i1 to vector<16xi1>
      %masked_cummax3A_223 = arith.constant -2147483648 : i32
      %masked_cummax3A_224 = vector.broadcast %masked_cummax3A_223 : i32 to vector<16xi32>
      %masked_cummax3A_225 = arith.xori %select_n3A_220, %masked_cummax3A_224 : vector<16xi32>
      %masked_cummax3A_226 = tpu.scan <max>, %masked_cummax3A_225 masked %broadcast_in_dim3A_222 : vector<16xi32>, vector<16xi1> -> vector<16xi32>
      %masked_cummax3A_227 = arith.xori %masked_cummax3A_226, %masked_cummax3A_224 : vector<16xi32>
      %sub3A_228 = arith.subi %iota3A, %masked_cummax3A_227 : vector<16xi32>
      %add3A_229 = arith.constant 1 : i32
      %add3A_230 = vector.broadcast %add3A_229 : i32 to vector<16xi32>
      %add3A_231 = arith.addi %sub3A_228, %add3A_230 : vector<16xi32>
      %convert_element_type3A_232 = arith.sitofp %add3A_231 : vector<16xi32> to vector<16xf32>
      %ne3A_233 = arith.cmpi ne, %masked_sort3A_210, %get3A_216 : vector<16xi32>
      tpu.vector_store_idx %arg15[%masked_sort3A_210], %convert_element_type3A_232 masked %ne3A_233 {add = true} : memref<10240xf32, #tpu.memory_space<vmem>>[vector<16xi32>], vector<16xf32>, vector<16xi1>
      %get3A_234 = arith.constant 64 : index
      %get3A_235 = tpu.vector_load %arg11[%get3A_234] {strides = array<i32>} : memref<128xi32, #tpu.memory_space<vmem>>, vector<16xi32>,
      %masked_sort3A_236 = arith.constant dense<true> : vector<16xi1>
      %masked_sort3A_237 = arith.constant -2147483648 : i32
      %masked_sort3A_238 = vector.broadcast %masked_sort3A_237 : i32 to vector<16xi32>
      %masked_sort3A_239 = arith.xori %get3A_235, %masked_sort3A_238 : vector<16xi32>
      %masked_sort3A_240, %masked_sort3A_241, %masked_sort3A_242 = tpu.sort %masked_sort3A_239, %get3A_235 masked %masked_sort3A_236 : (vector<16xi32>, vector<16xi32>, vector<16xi1>) -> (vector<16xi1>, vector<16xi32>, vector<16xi32>)
      %masked_sort3A_243 = arith.xori %masked_sort3A_241, %masked_sort3A_238 : vector<16xi32>
      %swap3A_244 = arith.constant 1 : index
      %swap3A_245 = tpu.vector_load %arg16[%swap3A_244] {strides = array<i32>} : memref<32xi32, #tpu.memory_space<vmem>>, vector<16xi32>,
      tpu.vector_store %arg16[%swap3A_244], %masked_sort3A_243 {strides = array<i32>} : memref<32xi32, #tpu.memory_space<vmem>>, vector<16xi32>,
      %get3A_246 = arith.constant 0 : index
      %get3A_247 = tpu.vector_load %arg16[%get3A_246] {strides = array<i32>} : memref<32xi32, #tpu.memory_space<vmem>>, vector<16xi32>,
      %get3A_248 = arith.constant 2 : index
      %get3A_249 = tpu.vector_load %arg16[%get3A_248] {strides = array<i32>} : memref<32xi32, #tpu.memory_space<vmem>>, vector<16xi32>,
      %ne3A_250 = arith.cmpi ne, %masked_sort3A_243, %get3A_247 : vector<16xi32>
      %jit3A_251 = arith.constant -1 : i32
      %broadcast_in_dim3A_252 = vector.broadcast %jit3A_251 : i32 to vector<16xi32>
      %select_n3A_253 = arith.select %ne3A_250, %iota3A, %broadcast_in_dim3A_252 : vector<16xi1>, vector<16xi32>
      %broadcast_in_dim3A_254 = arith.constant true
      %broadcast_in_dim3A_255 = vector.broadcast %broadcast_in_dim3A_254 : i1 to vector<16xi1>
      %masked_cummax3A_256 = arith.constant -2147483648 : i32
      %masked_cummax3A_257 = vector.broadcast %masked_cummax3A_256 : i32 to vector<16xi32>
      %masked_cummax3A_258 = arith.xori %select_n3A_253, %masked_cummax3A_257 : vector<16xi32>
      %masked_cummax3A_259 = tpu.scan <max>, %masked_cummax3A_258 masked %broadcast_in_dim3A_255 : vector<16xi32>, vector<16xi1> -> vector<16xi32>
      %masked_cummax3A_260 = arith.xori %masked_cummax3A_259, %masked_cummax3A_257 : vector<16xi32>
      %sub3A_261 = arith.subi %iota3A, %masked_cummax3A_260 : vector<16xi32>
      %add3A_262 = arith.constant 1 : i32
      %add3A_263 = vector.broadcast %add3A_262 : i32 to vector<16xi32>
      %add3A_264 = arith.addi %sub3A_261, %add3A_263 : vector<16xi32>
      %convert_element_type3A_265 = arith.sitofp %add3A_264 : vector<16xi32> to vector<16xf32>
      %ne3A_266 = arith.cmpi ne, %masked_sort3A_243, %get3A_249 : vector<16xi32>
      tpu.vector_store_idx %arg15[%masked_sort3A_243], %convert_element_type3A_265 masked %ne3A_266 {add = true} : memref<10240xf32, #tpu.memory_space<vmem>>[vector<16xi32>], vector<16xf32>, vector<16xi1>
      %get3A_267 = arith.constant 80 : index
      %get3A_268 = tpu.vector_load %arg11[%get3A_267] {strides = array<i32>} : memref<128xi32, #tpu.memory_space<vmem>>, vector<16xi32>,
      %masked_sort3A_269 = arith.constant dense<true> : vector<16xi1>
      %masked_sort3A_270 = arith.constant -2147483648 : i32
      %masked_sort3A_271 = vector.broadcast %masked_sort3A_270 : i32 to vector<16xi32>
      %masked_sort3A_272 = arith.xori %get3A_268, %masked_sort3A_271 : vector<16xi32>
      %masked_sort3A_273, %masked_sort3A_274, %masked_sort3A_275 = tpu.sort %masked_sort3A_272, %get3A_268 masked %masked_sort3A_269 : (vector<16xi32>, vector<16xi32>, vector<16xi1>) -> (vector<16xi1>, vector<16xi32>, vector<16xi32>)
      %masked_sort3A_276 = arith.xori %masked_sort3A_274, %masked_sort3A_271 : vector<16xi32>
      %swap3A_277 = arith.constant 1 : index
      %swap3A_278 = tpu.vector_load %arg16[%swap3A_277] {strides = array<i32>} : memref<32xi32, #tpu.memory_space<vmem>>, vector<16xi32>,
      tpu.vector_store %arg16[%swap3A_277], %masked_sort3A_276 {strides = array<i32>} : memref<32xi32, #tpu.memory_space<vmem>>, vector<16xi32>,
      %get3A_279 = arith.constant 0 : index
      %get3A_280 = tpu.vector_load %arg16[%get3A_279] {strides = array<i32>} : memref<32xi32, #tpu.memory_space<vmem>>, vector<16xi32>,
      %get3A_281 = arith.constant 2 : index
      %get3A_282 = tpu.vector_load %arg16[%get3A_281] {strides = array<i32>} : memref<32xi32, #tpu.memory_space<vmem>>, vector<16xi32>,
      %ne3A_283 = arith.cmpi ne, %masked_sort3A_276, %get3A_280 : vector<16xi32>
      %jit3A_284 = arith.constant -1 : i32
      %broadcast_in_dim3A_285 = vector.broadcast %jit3A_284 : i32 to vector<16xi32>
      %select_n3A_286 = arith.select %ne3A_283, %iota3A, %broadcast_in_dim3A_285 : vector<16xi1>, vector<16xi32>
      %broadcast_in_dim3A_287 = arith.constant true
      %broadcast_in_dim3A_288 = vector.broadcast %broadcast_in_dim3A_287 : i1 to vector<16xi1>
      %masked_cummax3A_289 = arith.constant -2147483648 : i32
      %masked_cummax3A_290 = vector.broadcast %masked_cummax3A_289 : i32 to vector<16xi32>
      %masked_cummax3A_291 = arith.xori %select_n3A_286, %masked_cummax3A_290 : vector<16xi32>
      %masked_cummax3A_292 = tpu.scan <max>, %masked_cummax3A_291 masked %broadcast_in_dim3A_288 : vector<16xi32>, vector<16xi1> -> vector<16xi32>
      %masked_cummax3A_293 = arith.xori %masked_cummax3A_292, %masked_cummax3A_290 : vector<16xi32>
      %sub3A_294 = arith.subi %iota3A, %masked_cummax3A_293 : vector<16xi32>
      %add3A_295 = arith.constant 1 : i32
      %add3A_296 = vector.broadcast %add3A_295 : i32 to vector<16xi32>
      %add3A_297 = arith.addi %sub3A_294, %add3A_296 : vector<16xi32>
      %convert_element_type3A_298 = arith.sitofp %add3A_297 : vector<16xi32> to vector<16xf32>
      %ne3A_299 = arith.cmpi ne, %masked_sort3A_276, %get3A_282 : vector<16xi32>
      tpu.vector_store_idx %arg15[%masked_sort3A_276], %convert_element_type3A_298 masked %ne3A_299 {add = true} : memref<10240xf32, #tpu.memory_space<vmem>>[vector<16xi32>], vector<16xf32>, vector<16xi1>
      %get3A_300 = arith.constant 96 : index
      %get3A_301 = tpu.vector_load %arg11[%get3A_300] {strides = array<i32>} : memref<128xi32, #tpu.memory_space<vmem>>, vector<16xi32>,
      %masked_sort3A_302 = arith.constant dense<true> : vector<16xi1>
      %masked_sort3A_303 = arith.constant -2147483648 : i32
      %masked_sort3A_304 = vector.broadcast %masked_sort3A_303 : i32 to vector<16xi32>
      %masked_sort3A_305 = arith.xori %get3A_301, %masked_sort3A_304 : vector<16xi32>
      %masked_sort3A_306, %masked_sort3A_307, %masked_sort3A_308 = tpu.sort %masked_sort3A_305, %get3A_301 masked %masked_sort3A_302 : (vector<16xi32>, vector<16xi32>, vector<16xi1>) -> (vector<16xi1>, vector<16xi32>, vector<16xi32>)
      %masked_sort3A_309 = arith.xori %masked_sort3A_307, %masked_sort3A_304 : vector<16xi32>
      %swap3A_310 = arith.constant 1 : index
      %swap3A_311 = tpu.vector_load %arg16[%swap3A_310] {strides = array<i32>} : memref<32xi32, #tpu.memory_space<vmem>>, vector<16xi32>,
      tpu.vector_store %arg16[%swap3A_310], %masked_sort3A_309 {strides = array<i32>} : memref<32xi32, #tpu.memory_space<vmem>>, vector<16xi32>,
      %get3A_312 = arith.constant 0 : index
      %get3A_313 = tpu.vector_load %arg16[%get3A_312] {strides = array<i32>} : memref<32xi32, #tpu.memory_space<vmem>>, vector<16xi32>,
      %get3A_314 = arith.constant 2 : index
      %get3A_315 = tpu.vector_load %arg16[%get3A_314] {strides = array<i32>} : memref<32xi32, #tpu.memory_space<vmem>>, vector<16xi32>,
      %ne3A_316 = arith.cmpi ne, %masked_sort3A_309, %get3A_313 : vector<16xi32>
      %jit3A_317 = arith.constant -1 : i32
      %broadcast_in_dim3A_318 = vector.broadcast %jit3A_317 : i32 to vector<16xi32>
      %select_n3A_319 = arith.select %ne3A_316, %iota3A, %broadcast_in_dim3A_318 : vector<16xi1>, vector<16xi32>
      %broadcast_in_dim3A_320 = arith.constant true
      %broadcast_in_dim3A_321 = vector.broadcast %broadcast_in_dim3A_320 : i1 to vector<16xi1>
      %masked_cummax3A_322 = arith.constant -2147483648 : i32
      %masked_cummax3A_323 = vector.broadcast %masked_cummax3A_322 : i32 to vector<16xi32>
      %masked_cummax3A_324 = arith.xori %select_n3A_319, %masked_cummax3A_323 : vector<16xi32>
      %masked_cummax3A_325 = tpu.scan <max>, %masked_cummax3A_324 masked %broadcast_in_dim3A_321 : vector<16xi32>, vector<16xi1> -> vector<16xi32>
      %masked_cummax3A_326 = arith.xori %masked_cummax3A_325, %masked_cummax3A_323 : vector<16xi32>
      %sub3A_327 = arith.subi %iota3A, %masked_cummax3A_326 : vector<16xi32>
      %add3A_328 = arith.constant 1 : i32
      %add3A_329 = vector.broadcast %add3A_328 : i32 to vector<16xi32>
      %add3A_330 = arith.addi %sub3A_327, %add3A_329 : vector<16xi32>
      %convert_element_type3A_331 = arith.sitofp %add3A_330 : vector<16xi32> to vector<16xf32>
      %ne3A_332 = arith.cmpi ne, %masked_sort3A_309, %get3A_315 : vector<16xi32>
      tpu.vector_store_idx %arg15[%masked_sort3A_309], %convert_element_type3A_331 masked %ne3A_332 {add = true} : memref<10240xf32, #tpu.memory_space<vmem>>[vector<16xi32>], vector<16xf32>, vector<16xi1>
      %get3A_333 = arith.constant 112 : index
      %get3A_334 = tpu.vector_load %arg11[%get3A_333] {strides = array<i32>} : memref<128xi32, #tpu.memory_space<vmem>>, vector<16xi32>,
      %masked_sort3A_335 = arith.constant dense<true> : vector<16xi1>
      %masked_sort3A_336 = arith.constant -2147483648 : i32
      %masked_sort3A_337 = vector.broadcast %masked_sort3A_336 : i32 to vector<16xi32>
      %masked_sort3A_338 = arith.xori %get3A_334, %masked_sort3A_337 : vector<16xi32>
      %masked_sort3A_339, %masked_sort3A_340, %masked_sort3A_341 = tpu.sort %masked_sort3A_338, %get3A_334 masked %masked_sort3A_335 : (vector<16xi32>, vector<16xi32>, vector<16xi1>) -> (vector<16xi1>, vector<16xi32>, vector<16xi32>)
      %masked_sort3A_342 = arith.xori %masked_sort3A_340, %masked_sort3A_337 : vector<16xi32>
      %swap3A_343 = arith.constant 1 : index
      %swap3A_344 = tpu.vector_load %arg16[%swap3A_343] {strides = array<i32>} : memref<32xi32, #tpu.memory_space<vmem>>, vector<16xi32>,
      tpu.vector_store %arg16[%swap3A_343], %masked_sort3A_342 {strides = array<i32>} : memref<32xi32, #tpu.memory_space<vmem>>, vector<16xi32>,
      %get3A_345 = arith.constant 0 : index
      %get3A_346 = tpu.vector_load %arg16[%get3A_345] {strides = array<i32>} : memref<32xi32, #tpu.memory_space<vmem>>, vector<16xi32>,
      %get3A_347 = arith.constant 2 : index
      %get3A_348 = tpu.vector_load %arg16[%get3A_347] {strides = array<i32>} : memref<32xi32, #tpu.memory_space<vmem>>, vector<16xi32>,
      %ne3A_349 = arith.cmpi ne, %masked_sort3A_342, %get3A_346 : vector<16xi32>
      %jit3A_350 = arith.constant -1 : i32
      %broadcast_in_dim3A_351 = vector.broadcast %jit3A_350 : i32 to vector<16xi32>
      %select_n3A_352 = arith.select %ne3A_349, %iota3A, %broadcast_in_dim3A_351 : vector<16xi1>, vector<16xi32>
      %broadcast_in_dim3A_353 = arith.constant true
      %broadcast_in_dim3A_354 = vector.broadcast %broadcast_in_dim3A_353 : i1 to vector<16xi1>
      %masked_cummax3A_355 = arith.constant -2147483648 : i32
      %masked_cummax3A_356 = vector.broadcast %masked_cummax3A_355 : i32 to vector<16xi32>
      %masked_cummax3A_357 = arith.xori %select_n3A_352, %masked_cummax3A_356 : vector<16xi32>
      %masked_cummax3A_358 = tpu.scan <max>, %masked_cummax3A_357 masked %broadcast_in_dim3A_354 : vector<16xi32>, vector<16xi1> -> vector<16xi32>
      %masked_cummax3A_359 = arith.xori %masked_cummax3A_358, %masked_cummax3A_356 : vector<16xi32>
      %sub3A_360 = arith.subi %iota3A, %masked_cummax3A_359 : vector<16xi32>
      %add3A_361 = arith.constant 1 : i32
      %add3A_362 = vector.broadcast %add3A_361 : i32 to vector<16xi32>
      %add3A_363 = arith.addi %sub3A_360, %add3A_362 : vector<16xi32>
      %convert_element_type3A_364 = arith.sitofp %add3A_363 : vector<16xi32> to vector<16xf32>
      %ne3A_365 = arith.cmpi ne, %masked_sort3A_342, %get3A_348 : vector<16xi32>
      tpu.vector_store_idx %arg15[%masked_sort3A_342], %convert_element_type3A_364 masked %ne3A_365 {add = true} : memref<10240xf32, #tpu.memory_space<vmem>>[vector<16xi32>], vector<16xf32>, vector<16xi1>
      %add3A_366 = arith.constant 2 : i32
      %add3A_367 = arith.addi %add3A_89, %add3A_366 : i32
      %add3A_368 = arith.addi %add3A_6, %add3A_367 : i32
      %mul3A_369 = arith.constant 128 : i32
      %mul3A_370 = arith.muli %add3A_368, %mul3A_369 : i32
      %dma_start3A_371 = tpu.memref_slice %arg3[%mul3A_370] : memref<327936xi32, #tpu.memory_space<hbm>> -> memref<128xi32, #tpu.memory_space<hbm>>
      %dma_start3A_372 = tpu.memref_slice %arg3[%mul3A_370] : memref<327936xi32, #tpu.memory_space<hbm>> -> memref<128xi32, #tpu.memory_space<hbm>>
      tpu.enqueue_dma source(%dma_start3A_372 : memref<128xi32, #tpu.memory_space<hbm>>) target(%arg9 : memref<128xi32, #tpu.memory_space<vmem>>) target_semaphore(%arg18 : memref<!tpu.dma_semaphore, #tpu.memory_space<semaphore_mem>>)
      %add3A_373 = arith.addi %add3A_6, %add3A_367 : i32
      %mul3A_374 = arith.constant 128 : i32
      %mul3A_375 = arith.muli %add3A_373, %mul3A_374 : i32
      %dma_start3A_376 = tpu.memref_slice %arg4[%mul3A_375] : memref<327936xi32, #tpu.memory_space<hbm>> -> memref<128xi32, #tpu.memory_space<hbm>>
      %dma_start3A_377 = tpu.memref_slice %arg4[%mul3A_375] : memref<327936xi32, #tpu.memory_space<hbm>> -> memref<128xi32, #tpu.memory_space<hbm>>
      tpu.enqueue_dma source(%dma_start3A_377 : memref<128xi32, #tpu.memory_space<hbm>>) target(%arg11 : memref<128xi32, #tpu.memory_space<vmem>>) target_semaphore(%arg18 : memref<!tpu.dma_semaphore, #tpu.memory_space<semaphore_mem>>)
      %add3A_378 = arith.constant 1 : i32
      %add3A_379 = arith.addi %add3A_87, %add3A_378 : i32
      %dma_wait3A_380 = arith.constant 0 : i32
      %dma_wait3A_381 = arith.constant 0 : i32
      %dma_wait3A_382 = tpu.memref_slice %arg2[%dma_wait3A_380, %dma_wait3A_381] : memref<10000x128xf32, #tpu.memory_space<hbm>> -> memref<128x128xf32, #tpu.memory_space<hbm>>
      %dma_wait3A_383 = arith.constant 0 : i32
      %dma_wait3A_384 = arith.constant 0 : i32
      %dma_wait3A_385 = tpu.memref_slice %arg2[%dma_wait3A_383, %dma_wait3A_384] : memref<10000x128xf32, #tpu.memory_space<hbm>> -> memref<128x128xf32, #tpu.memory_space<hbm>>
      tpu.wait_dma2 semaphore(%arg19 : memref<!tpu.dma_semaphore, #tpu.memory_space<semaphore_mem>>) src(%dma_wait3A_385 : memref<128x128xf32, #tpu.memory_space<hbm>>) dst(%arg14 : memref<128x128xf32, #tpu.memory_space<vmem>>)
      %dma_wait3A_386 = arith.constant 0 : i32
      %dma_wait3A_387 = tpu.memref_slice %arg3[%dma_wait3A_386] : memref<327936xi32, #tpu.memory_space<hbm>> -> memref<128xi32, #tpu.memory_space<hbm>>
      %dma_wait3A_388 = arith.constant 0 : i32
      %dma_wait3A_389 = tpu.memref_slice %arg3[%dma_wait3A_388] : memref<327936xi32, #tpu.memory_space<hbm>> -> memref<128xi32, #tpu.memory_space<hbm>>
      tpu.wait_dma2 semaphore(%arg18 : memref<!tpu.dma_semaphore, #tpu.memory_space<semaphore_mem>>) src(%dma_wait3A_389 : memref<128xi32, #tpu.memory_space<hbm>>) dst(%arg9 : memref<128xi32, #tpu.memory_space<vmem>>)
      %dma_wait3A_390 = arith.constant 0 : i32
      %dma_wait3A_391 = tpu.memref_slice %arg3[%dma_wait3A_390] : memref<327936xi32, #tpu.memory_space<hbm>> -> memref<128xi32, #tpu.memory_space<hbm>>
      %dma_wait3A_392 = arith.constant 0 : i32
      %dma_wait3A_393 = tpu.memref_slice %arg3[%dma_wait3A_392] : memref<327936xi32, #tpu.memory_space<hbm>> -> memref<128xi32, #tpu.memory_space<hbm>>
      tpu.wait_dma2 semaphore(%arg18 : memref<!tpu.dma_semaphore, #tpu.memory_space<semaphore_mem>>) src(%dma_wait3A_393 : memref<128xi32, #tpu.memory_space<hbm>>) dst(%arg11 : memref<128xi32, #tpu.memory_space<vmem>>)
      %dma_start3A_394 = arith.constant 0 : i32
      %dma_start3A_395 = arith.constant 0 : i32
      %dma_start3A_396 = tpu.memref_slice %arg2[%dma_start3A_394, %dma_start3A_395] : memref<10000x128xf32, #tpu.memory_space<hbm>> -> memref<10000x128xf32, #tpu.memory_space<hbm>>
      tpu.enqueue_indirect_dma source(%dma_start3A_396 : memref<10000x128xf32, #tpu.memory_space<hbm>>) target(%arg13 : memref<128x128xf32, #tpu.memory_space<vmem>>) offsets(%arg9 : memref<128xi32, #tpu.memory_space<vmem>>) semaphore(%arg19 : memref<!tpu.dma_semaphore, #tpu.memory_space<semaphore_mem>>)
      "tpu.region"() ({
        %run_scoped3A = tpu.sem_alloc : memref<!tpu.dma_semaphore, #tpu.memory_space<semaphore_mem>>
        %dma_start3A_673 = arith.constant 0 : i32
        %dma_start3A_674 = arith.constant 0 : i32
        %dma_start3A_675 = tpu.memref_slice %arg17[%dma_start3A_673, %dma_start3A_674] : memref<10240x128xf32, #tpu.memory_space<vmem_shared>> -> memref<10240x128xf32, #tpu.memory_space<vmem_shared>>
        tpu.enqueue_indirect_dma source(%arg14 : memref<128x128xf32, #tpu.memory_space<vmem>>) target(%dma_start3A_675 : memref<10240x128xf32, #tpu.memory_space<vmem_shared>>) offsets(%arg12 : memref<128xi32, #tpu.memory_space<vmem>>) semaphore(%run_scoped3A : memref<!tpu.dma_semaphore, #tpu.memory_space<semaphore_mem>>) {add = true}
        %dma_wait3A_676 = arith.constant 0 : i32
        %dma_wait3A_677 = arith.constant 0 : i32
        %dma_wait3A_678 = tpu.memref_slice %arg17[%dma_wait3A_676, %dma_wait3A_677] : memref<10240x128xf32, #tpu.memory_space<vmem_shared>> -> memref<10240x128xf32, #tpu.memory_space<vmem_shared>>
        tpu.wait_indirect_dma semaphore(%run_scoped3A : memref<!tpu.dma_semaphore, #tpu.memory_space<semaphore_mem>>) src(%arg14 : memref<128x128xf32, #tpu.memory_space<vmem>>) dst(%dma_wait3A_678 : memref<10240x128xf32, #tpu.memory_space<vmem_shared>>)
        tpu.yield
      }) : () -> ()
      %get3A_397 = arith.constant 0 : index
      %get3A_398 = tpu.vector_load %arg12[%get3A_397] {strides = array<i32>} : memref<128xi32, #tpu.memory_space<vmem>>, vector<16xi32>,
      %masked_sort3A_399 = arith.constant dense<true> : vector<16xi1>
      %masked_sort3A_400 = arith.constant -2147483648 : i32
      %masked_sort3A_401 = vector.broadcast %masked_sort3A_400 : i32 to vector<16xi32>
      %masked_sort3A_402 = arith.xori %get3A_398, %masked_sort3A_401 : vector<16xi32>
      %masked_sort3A_403, %masked_sort3A_404, %masked_sort3A_405 = tpu.sort %masked_sort3A_402, %get3A_398 masked %masked_sort3A_399 : (vector<16xi32>, vector<16xi32>, vector<16xi1>) -> (vector<16xi1>, vector<16xi32>, vector<16xi32>)
      %masked_sort3A_406 = arith.xori %masked_sort3A_404, %masked_sort3A_401 : vector<16xi32>
      %swap3A_407 = arith.constant 1 : index
      %swap3A_408 = tpu.vector_load %arg16[%swap3A_407] {strides = array<i32>} : memref<32xi32, #tpu.memory_space<vmem>>, vector<16xi32>,
      tpu.vector_store %arg16[%swap3A_407], %masked_sort3A_406 {strides = array<i32>} : memref<32xi32, #tpu.memory_space<vmem>>, vector<16xi32>,
      %get3A_409 = arith.constant 0 : index
      %get3A_410 = tpu.vector_load %arg16[%get3A_409] {strides = array<i32>} : memref<32xi32, #tpu.memory_space<vmem>>, vector<16xi32>,
      %get3A_411 = arith.constant 2 : index
      %get3A_412 = tpu.vector_load %arg16[%get3A_411] {strides = array<i32>} : memref<32xi32, #tpu.memory_space<vmem>>, vector<16xi32>,
      %ne3A_413 = arith.cmpi ne, %masked_sort3A_406, %get3A_410 : vector<16xi32>
      %jit3A_414 = arith.constant -1 : i32
      %broadcast_in_dim3A_415 = vector.broadcast %jit3A_414 : i32 to vector<16xi32>
      %select_n3A_416 = arith.select %ne3A_413, %iota3A, %broadcast_in_dim3A_415 : vector<16xi1>, vector<16xi32>
      %broadcast_in_dim3A_417 = arith.constant true
      %broadcast_in_dim3A_418 = vector.broadcast %broadcast_in_dim3A_417 : i1 to vector<16xi1>
      %masked_cummax3A_419 = arith.constant -2147483648 : i32
      %masked_cummax3A_420 = vector.broadcast %masked_cummax3A_419 : i32 to vector<16xi32>
      %masked_cummax3A_421 = arith.xori %select_n3A_416, %masked_cummax3A_420 : vector<16xi32>
      %masked_cummax3A_422 = tpu.scan <max>, %masked_cummax3A_421 masked %broadcast_in_dim3A_418 : vector<16xi32>, vector<16xi1> -> vector<16xi32>
      %masked_cummax3A_423 = arith.xori %masked_cummax3A_422, %masked_cummax3A_420 : vector<16xi32>
      %sub3A_424 = arith.subi %iota3A, %masked_cummax3A_423 : vector<16xi32>
      %add3A_425 = arith.constant 1 : i32
      %add3A_426 = vector.broadcast %add3A_425 : i32 to vector<16xi32>
      %add3A_427 = arith.addi %sub3A_424, %add3A_426 : vector<16xi32>
      %convert_element_type3A_428 = arith.sitofp %add3A_427 : vector<16xi32> to vector<16xf32>
      %ne3A_429 = arith.cmpi ne, %masked_sort3A_406, %get3A_412 : vector<16xi32>
      tpu.vector_store_idx %arg15[%masked_sort3A_406], %convert_element_type3A_428 masked %ne3A_429 {add = true} : memref<10240xf32, #tpu.memory_space<vmem>>[vector<16xi32>], vector<16xf32>, vector<16xi1>
      %get3A_430 = arith.constant 16 : index
      %get3A_431 = tpu.vector_load %arg12[%get3A_430] {strides = array<i32>} : memref<128xi32, #tpu.memory_space<vmem>>, vector<16xi32>,
      %masked_sort3A_432 = arith.constant dense<true> : vector<16xi1>
      %masked_sort3A_433 = arith.constant -2147483648 : i32
      %masked_sort3A_434 = vector.broadcast %masked_sort3A_433 : i32 to vector<16xi32>
      %masked_sort3A_435 = arith.xori %get3A_431, %masked_sort3A_434 : vector<16xi32>
      %masked_sort3A_436, %masked_sort3A_437, %masked_sort3A_438 = tpu.sort %masked_sort3A_435, %get3A_431 masked %masked_sort3A_432 : (vector<16xi32>, vector<16xi32>, vector<16xi1>) -> (vector<16xi1>, vector<16xi32>, vector<16xi32>)
      %masked_sort3A_439 = arith.xori %masked_sort3A_437, %masked_sort3A_434 : vector<16xi32>
      %swap3A_440 = arith.constant 1 : index
      %swap3A_441 = tpu.vector_load %arg16[%swap3A_440] {strides = array<i32>} : memref<32xi32, #tpu.memory_space<vmem>>, vector<16xi32>,
      tpu.vector_store %arg16[%swap3A_440], %masked_sort3A_439 {strides = array<i32>} : memref<32xi32, #tpu.memory_space<vmem>>, vector<16xi32>,
      %get3A_442 = arith.constant 0 : index
      %get3A_443 = tpu.vector_load %arg16[%get3A_442] {strides = array<i32>} : memref<32xi32, #tpu.memory_space<vmem>>, vector<16xi32>,
      %get3A_444 = arith.constant 2 : index
      %get3A_445 = tpu.vector_load %arg16[%get3A_444] {strides = array<i32>} : memref<32xi32, #tpu.memory_space<vmem>>, vector<16xi32>,
      %ne3A_446 = arith.cmpi ne, %masked_sort3A_439, %get3A_443 : vector<16xi32>
      %jit3A_447 = arith.constant -1 : i32
      %broadcast_in_dim3A_448 = vector.broadcast %jit3A_447 : i32 to vector<16xi32>
      %select_n3A_449 = arith.select %ne3A_446, %iota3A, %broadcast_in_dim3A_448 : vector<16xi1>, vector<16xi32>
      %broadcast_in_dim3A_450 = arith.constant true
      %broadcast_in_dim3A_451 = vector.broadcast %broadcast_in_dim3A_450 : i1 to vector<16xi1>
      %masked_cummax3A_452 = arith.constant -2147483648 : i32
      %masked_cummax3A_453 = vector.broadcast %masked_cummax3A_452 : i32 to vector<16xi32>
      %masked_cummax3A_454 = arith.xori %select_n3A_449, %masked_cummax3A_453 : vector<16xi32>
      %masked_cummax3A_455 = tpu.scan <max>, %masked_cummax3A_454 masked %broadcast_in_dim3A_451 : vector<16xi32>, vector<16xi1> -> vector<16xi32>
      %masked_cummax3A_456 = arith.xori %masked_cummax3A_455, %masked_cummax3A_453 : vector<16xi32>
      %sub3A_457 = arith.subi %iota3A, %masked_cummax3A_456 : vector<16xi32>
      %add3A_458 = arith.constant 1 : i32
      %add3A_459 = vector.broadcast %add3A_458 : i32 to vector<16xi32>
      %add3A_460 = arith.addi %sub3A_457, %add3A_459 : vector<16xi32>
      %convert_element_type3A_461 = arith.sitofp %add3A_460 : vector<16xi32> to vector<16xf32>
      %ne3A_462 = arith.cmpi ne, %masked_sort3A_439, %get3A_445 : vector<16xi32>
      tpu.vector_store_idx %arg15[%masked_sort3A_439], %convert_element_type3A_461 masked %ne3A_462 {add = true} : memref<10240xf32, #tpu.memory_space<vmem>>[vector<16xi32>], vector<16xf32>, vector<16xi1>
      %get3A_463 = arith.constant 32 : index
      %get3A_464 = tpu.vector_load %arg12[%get3A_463] {strides = array<i32>} : memref<128xi32, #tpu.memory_space<vmem>>, vector<16xi32>,
      %masked_sort3A_465 = arith.constant dense<true> : vector<16xi1>
      %masked_sort3A_466 = arith.constant -2147483648 : i32
      %masked_sort3A_467 = vector.broadcast %masked_sort3A_466 : i32 to vector<16xi32>
      %masked_sort3A_468 = arith.xori %get3A_464, %masked_sort3A_467 : vector<16xi32>
      %masked_sort3A_469, %masked_sort3A_470, %masked_sort3A_471 = tpu.sort %masked_sort3A_468, %get3A_464 masked %masked_sort3A_465 : (vector<16xi32>, vector<16xi32>, vector<16xi1>) -> (vector<16xi1>, vector<16xi32>, vector<16xi32>)
      %masked_sort3A_472 = arith.xori %masked_sort3A_470, %masked_sort3A_467 : vector<16xi32>
      %swap3A_473 = arith.constant 1 : index
      %swap3A_474 = tpu.vector_load %arg16[%swap3A_473] {strides = array<i32>} : memref<32xi32, #tpu.memory_space<vmem>>, vector<16xi32>,
      tpu.vector_store %arg16[%swap3A_473], %masked_sort3A_472 {strides = array<i32>} : memref<32xi32, #tpu.memory_space<vmem>>, vector<16xi32>,
      %get3A_475 = arith.constant 0 : index
      %get3A_476 = tpu.vector_load %arg16[%get3A_475] {strides = array<i32>} : memref<32xi32, #tpu.memory_space<vmem>>, vector<16xi32>,
      %get3A_477 = arith.constant 2 : index
      %get3A_478 = tpu.vector_load %arg16[%get3A_477] {strides = array<i32>} : memref<32xi32, #tpu.memory_space<vmem>>, vector<16xi32>,
      %ne3A_479 = arith.cmpi ne, %masked_sort3A_472, %get3A_476 : vector<16xi32>
      %jit3A_480 = arith.constant -1 : i32
      %broadcast_in_dim3A_481 = vector.broadcast %jit3A_480 : i32 to vector<16xi32>
      %select_n3A_482 = arith.select %ne3A_479, %iota3A, %broadcast_in_dim3A_481 : vector<16xi1>, vector<16xi32>
      %broadcast_in_dim3A_483 = arith.constant true
      %broadcast_in_dim3A_484 = vector.broadcast %broadcast_in_dim3A_483 : i1 to vector<16xi1>
      %masked_cummax3A_485 = arith.constant -2147483648 : i32
      %masked_cummax3A_486 = vector.broadcast %masked_cummax3A_485 : i32 to vector<16xi32>
      %masked_cummax3A_487 = arith.xori %select_n3A_482, %masked_cummax3A_486 : vector<16xi32>
      %masked_cummax3A_488 = tpu.scan <max>, %masked_cummax3A_487 masked %broadcast_in_dim3A_484 : vector<16xi32>, vector<16xi1> -> vector<16xi32>
      %masked_cummax3A_489 = arith.xori %masked_cummax3A_488, %masked_cummax3A_486 : vector<16xi32>
      %sub3A_490 = arith.subi %iota3A, %masked_cummax3A_489 : vector<16xi32>
      %add3A_491 = arith.constant 1 : i32
      %add3A_492 = vector.broadcast %add3A_491 : i32 to vector<16xi32>
      %add3A_493 = arith.addi %sub3A_490, %add3A_492 : vector<16xi32>
      %convert_element_type3A_494 = arith.sitofp %add3A_493 : vector<16xi32> to vector<16xf32>
      %ne3A_495 = arith.cmpi ne, %masked_sort3A_472, %get3A_478 : vector<16xi32>
      tpu.vector_store_idx %arg15[%masked_sort3A_472], %convert_element_type3A_494 masked %ne3A_495 {add = true} : memref<10240xf32, #tpu.memory_space<vmem>>[vector<16xi32>], vector<16xf32>, vector<16xi1>
      %get3A_496 = arith.constant 48 : index
      %get3A_497 = tpu.vector_load %arg12[%get3A_496] {strides = array<i32>} : memref<128xi32, #tpu.memory_space<vmem>>, vector<16xi32>,
      %masked_sort3A_498 = arith.constant dense<true> : vector<16xi1>
      %masked_sort3A_499 = arith.constant -2147483648 : i32
      %masked_sort3A_500 = vector.broadcast %masked_sort3A_499 : i32 to vector<16xi32>
      %masked_sort3A_501 = arith.xori %get3A_497, %masked_sort3A_500 : vector<16xi32>
      %masked_sort3A_502, %masked_sort3A_503, %masked_sort3A_504 = tpu.sort %masked_sort3A_501, %get3A_497 masked %masked_sort3A_498 : (vector<16xi32>, vector<16xi32>, vector<16xi1>) -> (vector<16xi1>, vector<16xi32>, vector<16xi32>)
      %masked_sort3A_505 = arith.xori %masked_sort3A_503, %masked_sort3A_500 : vector<16xi32>
      %swap3A_506 = arith.constant 1 : index
      %swap3A_507 = tpu.vector_load %arg16[%swap3A_506] {strides = array<i32>} : memref<32xi32, #tpu.memory_space<vmem>>, vector<16xi32>,
      tpu.vector_store %arg16[%swap3A_506], %masked_sort3A_505 {strides = array<i32>} : memref<32xi32, #tpu.memory_space<vmem>>, vector<16xi32>,
      %get3A_508 = arith.constant 0 : index
      %get3A_509 = tpu.vector_load %arg16[%get3A_508] {strides = array<i32>} : memref<32xi32, #tpu.memory_space<vmem>>, vector<16xi32>,
      %get3A_510 = arith.constant 2 : index
      %get3A_511 = tpu.vector_load %arg16[%get3A_510] {strides = array<i32>} : memref<32xi32, #tpu.memory_space<vmem>>, vector<16xi32>,
      %ne3A_512 = arith.cmpi ne, %masked_sort3A_505, %get3A_509 : vector<16xi32>
      %jit3A_513 = arith.constant -1 : i32
      %broadcast_in_dim3A_514 = vector.broadcast %jit3A_513 : i32 to vector<16xi32>
      %select_n3A_515 = arith.select %ne3A_512, %iota3A, %broadcast_in_dim3A_514 : vector<16xi1>, vector<16xi32>
      %broadcast_in_dim3A_516 = arith.constant true
      %broadcast_in_dim3A_517 = vector.broadcast %broadcast_in_dim3A_516 : i1 to vector<16xi1>
      %masked_cummax3A_518 = arith.constant -2147483648 : i32
      %masked_cummax3A_519 = vector.broadcast %masked_cummax3A_518 : i32 to vector<16xi32>
      %masked_cummax3A_520 = arith.xori %select_n3A_515, %masked_cummax3A_519 : vector<16xi32>
      %masked_cummax3A_521 = tpu.scan <max>, %masked_cummax3A_520 masked %broadcast_in_dim3A_517 : vector<16xi32>, vector<16xi1> -> vector<16xi32>
      %masked_cummax3A_522 = arith.xori %masked_cummax3A_521, %masked_cummax3A_519 : vector<16xi32>
      %sub3A_523 = arith.subi %iota3A, %masked_cummax3A_522 : vector<16xi32>
      %add3A_524 = arith.constant 1 : i32
      %add3A_525 = vector.broadcast %add3A_524 : i32 to vector<16xi32>
      %add3A_526 = arith.addi %sub3A_523, %add3A_525 : vector<16xi32>
      %convert_element_type3A_527 = arith.sitofp %add3A_526 : vector<16xi32> to vector<16xf32>
      %ne3A_528 = arith.cmpi ne, %masked_sort3A_505, %get3A_511 : vector<16xi32>
      tpu.vector_store_idx %arg15[%masked_sort3A_505], %convert_element_type3A_527 masked %ne3A_528 {add = true} : memref<10240xf32, #tpu.memory_space<vmem>>[vector<16xi32>], vector<16xf32>, vector<16xi1>
      %get3A_529 = arith.constant 64 : index
      %get3A_530 = tpu.vector_load %arg12[%get3A_529] {strides = array<i32>} : memref<128xi32, #tpu.memory_space<vmem>>, vector<16xi32>,
      %masked_sort3A_531 = arith.constant dense<true> : vector<16xi1>
      %masked_sort3A_532 = arith.constant -2147483648 : i32
      %masked_sort3A_533 = vector.broadcast %masked_sort3A_532 : i32 to vector<16xi32>
      %masked_sort3A_534 = arith.xori %get3A_530, %masked_sort3A_533 : vector<16xi32>
      %masked_sort3A_535, %masked_sort3A_536, %masked_sort3A_537 = tpu.sort %masked_sort3A_534, %get3A_530 masked %masked_sort3A_531 : (vector<16xi32>, vector<16xi32>, vector<16xi1>) -> (vector<16xi1>, vector<16xi32>, vector<16xi32>)
      %masked_sort3A_538 = arith.xori %masked_sort3A_536, %masked_sort3A_533 : vector<16xi32>
      %swap3A_539 = arith.constant 1 : index
      %swap3A_540 = tpu.vector_load %arg16[%swap3A_539] {strides = array<i32>} : memref<32xi32, #tpu.memory_space<vmem>>, vector<16xi32>,
      tpu.vector_store %arg16[%swap3A_539], %masked_sort3A_538 {strides = array<i32>} : memref<32xi32, #tpu.memory_space<vmem>>, vector<16xi32>,
      %get3A_541 = arith.constant 0 : index
      %get3A_542 = tpu.vector_load %arg16[%get3A_541] {strides = array<i32>} : memref<32xi32, #tpu.memory_space<vmem>>, vector<16xi32>,
      %get3A_543 = arith.constant 2 : index
      %get3A_544 = tpu.vector_load %arg16[%get3A_543] {strides = array<i32>} : memref<32xi32, #tpu.memory_space<vmem>>, vector<16xi32>,
      %ne3A_545 = arith.cmpi ne, %masked_sort3A_538, %get3A_542 : vector<16xi32>
      %jit3A_546 = arith.constant -1 : i32
      %broadcast_in_dim3A_547 = vector.broadcast %jit3A_546 : i32 to vector<16xi32>
      %select_n3A_548 = arith.select %ne3A_545, %iota3A, %broadcast_in_dim3A_547 : vector<16xi1>, vector<16xi32>
      %broadcast_in_dim3A_549 = arith.constant true
      %broadcast_in_dim3A_550 = vector.broadcast %broadcast_in_dim3A_549 : i1 to vector<16xi1>
      %masked_cummax3A_551 = arith.constant -2147483648 : i32
      %masked_cummax3A_552 = vector.broadcast %masked_cummax3A_551 : i32 to vector<16xi32>
      %masked_cummax3A_553 = arith.xori %select_n3A_548, %masked_cummax3A_552 : vector<16xi32>
      %masked_cummax3A_554 = tpu.scan <max>, %masked_cummax3A_553 masked %broadcast_in_dim3A_550 : vector<16xi32>, vector<16xi1> -> vector<16xi32>
      %masked_cummax3A_555 = arith.xori %masked_cummax3A_554, %masked_cummax3A_552 : vector<16xi32>
      %sub3A_556 = arith.subi %iota3A, %masked_cummax3A_555 : vector<16xi32>
      %add3A_557 = arith.constant 1 : i32
      %add3A_558 = vector.broadcast %add3A_557 : i32 to vector<16xi32>
      %add3A_559 = arith.addi %sub3A_556, %add3A_558 : vector<16xi32>
      %convert_element_type3A_560 = arith.sitofp %add3A_559 : vector<16xi32> to vector<16xf32>
      %ne3A_561 = arith.cmpi ne, %masked_sort3A_538, %get3A_544 : vector<16xi32>
      tpu.vector_store_idx %arg15[%masked_sort3A_538], %convert_element_type3A_560 masked %ne3A_561 {add = true} : memref<10240xf32, #tpu.memory_space<vmem>>[vector<16xi32>], vector<16xf32>, vector<16xi1>
      %get3A_562 = arith.constant 80 : index
      %get3A_563 = tpu.vector_load %arg12[%get3A_562] {strides = array<i32>} : memref<128xi32, #tpu.memory_space<vmem>>, vector<16xi32>,
      %masked_sort3A_564 = arith.constant dense<true> : vector<16xi1>
      %masked_sort3A_565 = arith.constant -2147483648 : i32
      %masked_sort3A_566 = vector.broadcast %masked_sort3A_565 : i32 to vector<16xi32>
      %masked_sort3A_567 = arith.xori %get3A_563, %masked_sort3A_566 : vector<16xi32>
      %masked_sort3A_568, %masked_sort3A_569, %masked_sort3A_570 = tpu.sort %masked_sort3A_567, %get3A_563 masked %masked_sort3A_564 : (vector<16xi32>, vector<16xi32>, vector<16xi1>) -> (vector<16xi1>, vector<16xi32>, vector<16xi32>)
      %masked_sort3A_571 = arith.xori %masked_sort3A_569, %masked_sort3A_566 : vector<16xi32>
      %swap3A_572 = arith.constant 1 : index
      %swap3A_573 = tpu.vector_load %arg16[%swap3A_572] {strides = array<i32>} : memref<32xi32, #tpu.memory_space<vmem>>, vector<16xi32>,
      tpu.vector_store %arg16[%swap3A_572], %masked_sort3A_571 {strides = array<i32>} : memref<32xi32, #tpu.memory_space<vmem>>, vector<16xi32>,
      %get3A_574 = arith.constant 0 : index
      %get3A_575 = tpu.vector_load %arg16[%get3A_574] {strides = array<i32>} : memref<32xi32, #tpu.memory_space<vmem>>, vector<16xi32>,
      %get3A_576 = arith.constant 2 : index
      %get3A_577 = tpu.vector_load %arg16[%get3A_576] {strides = array<i32>} : memref<32xi32, #tpu.memory_space<vmem>>, vector<16xi32>,
      %ne3A_578 = arith.cmpi ne, %masked_sort3A_571, %get3A_575 : vector<16xi32>
      %jit3A_579 = arith.constant -1 : i32
      %broadcast_in_dim3A_580 = vector.broadcast %jit3A_579 : i32 to vector<16xi32>
      %select_n3A_581 = arith.select %ne3A_578, %iota3A, %broadcast_in_dim3A_580 : vector<16xi1>, vector<16xi32>
      %broadcast_in_dim3A_582 = arith.constant true
      %broadcast_in_dim3A_583 = vector.broadcast %broadcast_in_dim3A_582 : i1 to vector<16xi1>
      %masked_cummax3A_584 = arith.constant -2147483648 : i32
      %masked_cummax3A_585 = vector.broadcast %masked_cummax3A_584 : i32 to vector<16xi32>
      %masked_cummax3A_586 = arith.xori %select_n3A_581, %masked_cummax3A_585 : vector<16xi32>
      %masked_cummax3A_587 = tpu.scan <max>, %masked_cummax3A_586 masked %broadcast_in_dim3A_583 : vector<16xi32>, vector<16xi1> -> vector<16xi32>
      %masked_cummax3A_588 = arith.xori %masked_cummax3A_587, %masked_cummax3A_585 : vector<16xi32>
      %sub3A_589 = arith.subi %iota3A, %masked_cummax3A_588 : vector<16xi32>
      %add3A_590 = arith.constant 1 : i32
      %add3A_591 = vector.broadcast %add3A_590 : i32 to vector<16xi32>
      %add3A_592 = arith.addi %sub3A_589, %add3A_591 : vector<16xi32>
      %convert_element_type3A_593 = arith.sitofp %add3A_592 : vector<16xi32> to vector<16xf32>
      %ne3A_594 = arith.cmpi ne, %masked_sort3A_571, %get3A_577 : vector<16xi32>
      tpu.vector_store_idx %arg15[%masked_sort3A_571], %convert_element_type3A_593 masked %ne3A_594 {add = true} : memref<10240xf32, #tpu.memory_space<vmem>>[vector<16xi32>], vector<16xf32>, vector<16xi1>
      %get3A_595 = arith.constant 96 : index
      %get3A_596 = tpu.vector_load %arg12[%get3A_595] {strides = array<i32>} : memref<128xi32, #tpu.memory_space<vmem>>, vector<16xi32>,
      %masked_sort3A_597 = arith.constant dense<true> : vector<16xi1>
      %masked_sort3A_598 = arith.constant -2147483648 : i32
      %masked_sort3A_599 = vector.broadcast %masked_sort3A_598 : i32 to vector<16xi32>
      %masked_sort3A_600 = arith.xori %get3A_596, %masked_sort3A_599 : vector<16xi32>
      %masked_sort3A_601, %masked_sort3A_602, %masked_sort3A_603 = tpu.sort %masked_sort3A_600, %get3A_596 masked %masked_sort3A_597 : (vector<16xi32>, vector<16xi32>, vector<16xi1>) -> (vector<16xi1>, vector<16xi32>, vector<16xi32>)
      %masked_sort3A_604 = arith.xori %masked_sort3A_602, %masked_sort3A_599 : vector<16xi32>
      %swap3A_605 = arith.constant 1 : index
      %swap3A_606 = tpu.vector_load %arg16[%swap3A_605] {strides = array<i32>} : memref<32xi32, #tpu.memory_space<vmem>>, vector<16xi32>,
      tpu.vector_store %arg16[%swap3A_605], %masked_sort3A_604 {strides = array<i32>} : memref<32xi32, #tpu.memory_space<vmem>>, vector<16xi32>,
      %get3A_607 = arith.constant 0 : index
      %get3A_608 = tpu.vector_load %arg16[%get3A_607] {strides = array<i32>} : memref<32xi32, #tpu.memory_space<vmem>>, vector<16xi32>,
      %get3A_609 = arith.constant 2 : index
      %get3A_610 = tpu.vector_load %arg16[%get3A_609] {strides = array<i32>} : memref<32xi32, #tpu.memory_space<vmem>>, vector<16xi32>,
      %ne3A_611 = arith.cmpi ne, %masked_sort3A_604, %get3A_608 : vector<16xi32>
      %jit3A_612 = arith.constant -1 : i32
      %broadcast_in_dim3A_613 = vector.broadcast %jit3A_612 : i32 to vector<16xi32>
      %select_n3A_614 = arith.select %ne3A_611, %iota3A, %broadcast_in_dim3A_613 : vector<16xi1>, vector<16xi32>
      %broadcast_in_dim3A_615 = arith.constant true
      %broadcast_in_dim3A_616 = vector.broadcast %broadcast_in_dim3A_615 : i1 to vector<16xi1>
      %masked_cummax3A_617 = arith.constant -2147483648 : i32
      %masked_cummax3A_618 = vector.broadcast %masked_cummax3A_617 : i32 to vector<16xi32>
      %masked_cummax3A_619 = arith.xori %select_n3A_614, %masked_cummax3A_618 : vector<16xi32>
      %masked_cummax3A_620 = tpu.scan <max>, %masked_cummax3A_619 masked %broadcast_in_dim3A_616 : vector<16xi32>, vector<16xi1> -> vector<16xi32>
      %masked_cummax3A_621 = arith.xori %masked_cummax3A_620, %masked_cummax3A_618 : vector<16xi32>
      %sub3A_622 = arith.subi %iota3A, %masked_cummax3A_621 : vector<16xi32>
      %add3A_623 = arith.constant 1 : i32
      %add3A_624 = vector.broadcast %add3A_623 : i32 to vector<16xi32>
      %add3A_625 = arith.addi %sub3A_622, %add3A_624 : vector<16xi32>
      %convert_element_type3A_626 = arith.sitofp %add3A_625 : vector<16xi32> to vector<16xf32>
      %ne3A_627 = arith.cmpi ne, %masked_sort3A_604, %get3A_610 : vector<16xi32>
      tpu.vector_store_idx %arg15[%masked_sort3A_604], %convert_element_type3A_626 masked %ne3A_627 {add = true} : memref<10240xf32, #tpu.memory_space<vmem>>[vector<16xi32>], vector<16xf32>, vector<16xi1>
      %get3A_628 = arith.constant 112 : index
      %get3A_629 = tpu.vector_load %arg12[%get3A_628] {strides = array<i32>} : memref<128xi32, #tpu.memory_space<vmem>>, vector<16xi32>,
      %masked_sort3A_630 = arith.constant dense<true> : vector<16xi1>
      %masked_sort3A_631 = arith.constant -2147483648 : i32
      %masked_sort3A_632 = vector.broadcast %masked_sort3A_631 : i32 to vector<16xi32>
      %masked_sort3A_633 = arith.xori %get3A_629, %masked_sort3A_632 : vector<16xi32>
      %masked_sort3A_634, %masked_sort3A_635, %masked_sort3A_636 = tpu.sort %masked_sort3A_633, %get3A_629 masked %masked_sort3A_630 : (vector<16xi32>, vector<16xi32>, vector<16xi1>) -> (vector<16xi1>, vector<16xi32>, vector<16xi32>)
      %masked_sort3A_637 = arith.xori %masked_sort3A_635, %masked_sort3A_632 : vector<16xi32>
      %swap3A_638 = arith.constant 1 : index
      %swap3A_639 = tpu.vector_load %arg16[%swap3A_638] {strides = array<i32>} : memref<32xi32, #tpu.memory_space<vmem>>, vector<16xi32>,
      tpu.vector_store %arg16[%swap3A_638], %masked_sort3A_637 {strides = array<i32>} : memref<32xi32, #tpu.memory_space<vmem>>, vector<16xi32>,
      %get3A_640 = arith.constant 0 : index
      %get3A_641 = tpu.vector_load %arg16[%get3A_640] {strides = array<i32>} : memref<32xi32, #tpu.memory_space<vmem>>, vector<16xi32>,
      %get3A_642 = arith.constant 2 : index
      %get3A_643 = tpu.vector_load %arg16[%get3A_642] {strides = array<i32>} : memref<32xi32, #tpu.memory_space<vmem>>, vector<16xi32>,
      %ne3A_644 = arith.cmpi ne, %masked_sort3A_637, %get3A_641 : vector<16xi32>
      %jit3A_645 = arith.constant -1 : i32
      %broadcast_in_dim3A_646 = vector.broadcast %jit3A_645 : i32 to vector<16xi32>
      %select_n3A_647 = arith.select %ne3A_644, %iota3A, %broadcast_in_dim3A_646 : vector<16xi1>, vector<16xi32>
      %broadcast_in_dim3A_648 = arith.constant true
      %broadcast_in_dim3A_649 = vector.broadcast %broadcast_in_dim3A_648 : i1 to vector<16xi1>
      %masked_cummax3A_650 = arith.constant -2147483648 : i32
      %masked_cummax3A_651 = vector.broadcast %masked_cummax3A_650 : i32 to vector<16xi32>
      %masked_cummax3A_652 = arith.xori %select_n3A_647, %masked_cummax3A_651 : vector<16xi32>
      %masked_cummax3A_653 = tpu.scan <max>, %masked_cummax3A_652 masked %broadcast_in_dim3A_649 : vector<16xi32>, vector<16xi1> -> vector<16xi32>
      %masked_cummax3A_654 = arith.xori %masked_cummax3A_653, %masked_cummax3A_651 : vector<16xi32>
      %sub3A_655 = arith.subi %iota3A, %masked_cummax3A_654 : vector<16xi32>
      %add3A_656 = arith.constant 1 : i32
      %add3A_657 = vector.broadcast %add3A_656 : i32 to vector<16xi32>
      %add3A_658 = arith.addi %sub3A_655, %add3A_657 : vector<16xi32>
      %convert_element_type3A_659 = arith.sitofp %add3A_658 : vector<16xi32> to vector<16xf32>
      %ne3A_660 = arith.cmpi ne, %masked_sort3A_637, %get3A_643 : vector<16xi32>
      tpu.vector_store_idx %arg15[%masked_sort3A_637], %convert_element_type3A_659 masked %ne3A_660 {add = true} : memref<10240xf32, #tpu.memory_space<vmem>>[vector<16xi32>], vector<16xf32>, vector<16xi1>
      %add3A_661 = arith.constant 2 : i32
      %add3A_662 = arith.addi %add3A_379, %add3A_661 : i32
      %add3A_663 = arith.addi %add3A_6, %add3A_662 : i32
      %mul3A_664 = arith.constant 128 : i32
      %mul3A_665 = arith.muli %add3A_663, %mul3A_664 : i32
      %dma_start3A_666 = tpu.memref_slice %arg3[%mul3A_665] : memref<327936xi32, #tpu.memory_space<hbm>> -> memref<128xi32, #tpu.memory_space<hbm>>
      %dma_start3A_667 = tpu.memref_slice %arg3[%mul3A_665] : memref<327936xi32, #tpu.memory_space<hbm>> -> memref<128xi32, #tpu.memory_space<hbm>>
      tpu.enqueue_dma source(%dma_start3A_667 : memref<128xi32, #tpu.memory_space<hbm>>) target(%arg10 : memref<128xi32, #tpu.memory_space<vmem>>) target_semaphore(%arg18 : memref<!tpu.dma_semaphore, #tpu.memory_space<semaphore_mem>>)
      %add3A_668 = arith.addi %add3A_6, %add3A_662 : i32
      %mul3A_669 = arith.constant 128 : i32
      %mul3A_670 = arith.muli %add3A_668, %mul3A_669 : i32
      %dma_start3A_671 = tpu.memref_slice %arg4[%mul3A_670] : memref<327936xi32, #tpu.memory_space<hbm>> -> memref<128xi32, #tpu.memory_space<hbm>>
      %dma_start3A_672 = tpu.memref_slice %arg4[%mul3A_670] : memref<327936xi32, #tpu.memory_space<hbm>> -> memref<128xi32, #tpu.memory_space<hbm>>
      tpu.enqueue_dma source(%dma_start3A_672 : memref<128xi32, #tpu.memory_space<hbm>>) target(%arg12 : memref<128xi32, #tpu.memory_space<vmem>>) target_semaphore(%arg18 : memref<!tpu.dma_semaphore, #tpu.memory_space<semaphore_mem>>)
    }
    %dma_wait3A_64 = arith.constant 0 : i32
    %dma_wait3A_65 = arith.constant 0 : i32
    %dma_wait3A_66 = tpu.memref_slice %arg2[%dma_wait3A_64, %dma_wait3A_65] : memref<10000x128xf32, #tpu.memory_space<hbm>> -> memref<128x128xf32, #tpu.memory_space<hbm>>
    %dma_wait3A_67 = arith.constant 0 : i32
    %dma_wait3A_68 = arith.constant 0 : i32
    %dma_wait3A_69 = tpu.memref_slice %arg2[%dma_wait3A_67, %dma_wait3A_68] : memref<10000x128xf32, #tpu.memory_space<hbm>> -> memref<128x128xf32, #tpu.memory_space<hbm>>
    tpu.wait_dma2 semaphore(%arg19 : memref<!tpu.dma_semaphore, #tpu.memory_space<semaphore_mem>>) src(%dma_wait3A_69 : memref<128x128xf32, #tpu.memory_space<hbm>>) dst(%arg13 : memref<128x128xf32, #tpu.memory_space<vmem>>)
    %dma_wait3A_70 = arith.constant 0 : i32
    %dma_wait3A_71 = tpu.memref_slice %arg3[%dma_wait3A_70] : memref<327936xi32, #tpu.memory_space<hbm>> -> memref<128xi32, #tpu.memory_space<hbm>>
    %dma_wait3A_72 = arith.constant 0 : i32
    %dma_wait3A_73 = tpu.memref_slice %arg3[%dma_wait3A_72] : memref<327936xi32, #tpu.memory_space<hbm>> -> memref<128xi32, #tpu.memory_space<hbm>>
    tpu.wait_dma2 semaphore(%arg18 : memref<!tpu.dma_semaphore, #tpu.memory_space<semaphore_mem>>) src(%dma_wait3A_73 : memref<128xi32, #tpu.memory_space<hbm>>) dst(%arg9 : memref<128xi32, #tpu.memory_space<vmem>>)
    %dma_wait3A_74 = arith.constant 0 : i32
    %dma_wait3A_75 = tpu.memref_slice %arg3[%dma_wait3A_74] : memref<327936xi32, #tpu.memory_space<hbm>> -> memref<128xi32, #tpu.memory_space<hbm>>
    %dma_wait3A_76 = arith.constant 0 : i32
    %dma_wait3A_77 = tpu.memref_slice %arg3[%dma_wait3A_76] : memref<327936xi32, #tpu.memory_space<hbm>> -> memref<128xi32, #tpu.memory_space<hbm>>
    tpu.wait_dma2 semaphore(%arg18 : memref<!tpu.dma_semaphore, #tpu.memory_space<semaphore_mem>>) src(%dma_wait3A_77 : memref<128xi32, #tpu.memory_space<hbm>>) dst(%arg11 : memref<128xi32, #tpu.memory_space<vmem>>)
    %barrier3A_78 = arith.constant 0 : index
    tpu.barrier barrier_id(%barrier3A_78)
    %mul3A_79 = arith.constant 640 : i32
    %mul3A_80 = arith.muli %arg1, %mul3A_79 : i32
    %mul3A_81 = arith.constant 640 : i32
    %mul3A_82 = arith.muli %arg1, %mul3A_81 : i32
    "tpu.region"() ({
      %run_scoped3A = tpu.sem_alloc : memref<!tpu.dma_semaphore, #tpu.memory_space<semaphore_mem>>
      %dma_start3A_85 = arith.constant 0 : i32
      %dma_start3A_86 = tpu.memref_slice %arg7[%arg0, %mul3A_82, %dma_start3A_85] : memref<2x10240x128xf32, #tpu.memory_space<hbm>> -> memref<1x640x128xf32, #tpu.memory_space<hbm>>
      %dma_start3A_87 = tpu.memref_squeeze %dma_start3A_86 : memref<1x640x128xf32, #tpu.memory_space<hbm>> -> memref<640x128xf32, #tpu.memory_space<hbm>>
      %dma_start3A_88 = arith.constant 0 : i32
      %dma_start3A_89 = tpu.memref_slice %arg17[%mul3A_80, %dma_start3A_88] : memref<10240x128xf32, #tpu.memory_space<vmem_shared>> -> memref<640x128xf32, #tpu.memory_space<vmem_shared>>
      tpu.enqueue_dma source(%dma_start3A_89 : memref<640x128xf32, #tpu.memory_space<vmem_shared>>) target(%dma_start3A_87 : memref<640x128xf32, #tpu.memory_space<hbm>>) target_semaphore(%run_scoped3A : memref<!tpu.dma_semaphore, #tpu.memory_space<semaphore_mem>>)
      %dma_wait3A_90 = arith.constant 0 : i32
      %dma_wait3A_91 = tpu.memref_slice %arg7[%arg0, %mul3A_82, %dma_wait3A_90] : memref<2x10240x128xf32, #tpu.memory_space<hbm>> -> memref<1x640x128xf32, #tpu.memory_space<hbm>>
      %dma_wait3A_92 = tpu.memref_squeeze %dma_wait3A_91 : memref<1x640x128xf32, #tpu.memory_space<hbm>> -> memref<640x128xf32, #tpu.memory_space<hbm>>
      %dma_wait3A_93 = arith.constant 0 : i32
      %dma_wait3A_94 = tpu.memref_slice %arg17[%mul3A_80, %dma_wait3A_93] : memref<10240x128xf32, #tpu.memory_space<vmem_shared>> -> memref<640x128xf32, #tpu.memory_space<vmem_shared>>
      tpu.wait_dma2 semaphore(%run_scoped3A : memref<!tpu.dma_semaphore, #tpu.memory_space<semaphore_mem>>) src(%dma_wait3A_94 : memref<640x128xf32, #tpu.memory_space<vmem_shared>>) dst(%dma_wait3A_92 : memref<640x128xf32, #tpu.memory_space<hbm>>)
      tpu.yield
    }) : () -> ()
    %mul3A_83 = arith.constant 10240 : i32
    %mul3A_84 = arith.muli %add3A, %mul3A_83 : i32
    "tpu.region"() ({
      %run_scoped3A = tpu.sem_alloc : memref<!tpu.dma_semaphore, #tpu.memory_space<semaphore_mem>>
      %dma_start3A_85 = tpu.memref_slice %arg8[%mul3A_84] : memref<327680xf32, #tpu.memory_space<hbm>> -> memref<10240xf32, #tpu.memory_space<hbm>>
      %dma_start3A_86 = tpu.memref_slice %arg8[%mul3A_84] : memref<327680xf32, #tpu.memory_space<hbm>> -> memref<10240xf32, #tpu.memory_space<hbm>>
      tpu.enqueue_dma source(%arg15 : memref<10240xf32, #tpu.memory_space<vmem>>) target(%dma_start3A_86 : memref<10240xf32, #tpu.memory_space<hbm>>) target_semaphore(%run_scoped3A : memref<!tpu.dma_semaphore, #tpu.memory_space<semaphore_mem>>)
      %dma_wait3A_87 = tpu.memref_slice %arg8[%mul3A_84] : memref<327680xf32, #tpu.memory_space<hbm>> -> memref<10240xf32, #tpu.memory_space<hbm>>
      %dma_wait3A_88 = tpu.memref_slice %arg8[%mul3A_84] : memref<327680xf32, #tpu.memory_space<hbm>> -> memref<10240xf32, #tpu.memory_space<hbm>>
      tpu.wait_dma2 semaphore(%run_scoped3A : memref<!tpu.dma_semaphore, #tpu.memory_space<semaphore_mem>>) src(%arg15 : memref<10240xf32, #tpu.memory_space<vmem>>) dst(%dma_wait3A_88 : memref<10240xf32, #tpu.memory_space<hbm>>)
      tpu.yield
    }) : () -> ()
    return
  }
}

module attributes {stable_mosaic.version = 14 : i64} {
  func.func @_encode_body(%arg0: i32, %arg1: memref<2x256x128xf32, #tpu.memory_space<vmem>>, %arg2: memref<32x256xf32, #tpu.memory_space<vmem>>, %arg3: memref<128x128xf32, #tpu.memory_space<vmem>>, %arg4: memref<256x128xf32, #tpu.memory_space<vmem>>) attributes {dimension_semantics = [#tpu.dimension_semantics<arbitrary>], iteration_bounds = array<i64: 40>, scalar_prefetch = 0 : i64, scratch_operands = 0 : i64, tpu.core_type = #tpu.core_type<tc>, window_params = [{transform_indices = @transform_0, window_bounds = array<i64: 2, 256, 128>}, {transform_indices = @transform_1, window_bounds = array<i64: 32, 256>}, {pipeline_mode = #tpu.pipeline_mode<synchronous>, transform_indices = @transform_2, window_bounds = array<i64: 128, 128>}, {transform_indices = @transform_3, window_bounds = array<i64: 256, 128>}]} {
    %get3A = arith.constant 0 : index
    %get3A_0 = arith.constant 0 : index
    %get3A_1 = arith.constant 0 : index
    %get3A_2 = vector.load %arg1[%get3A, %get3A_0, %get3A_1] : memref<2x256x128xf32, #tpu.memory_space<vmem>>, vector<1x256x128xf32>
    %get3A_3 = vector.shape_cast %get3A_2 : vector<1x256x128xf32> to vector<256x128xf32>
    %get3A_4 = arith.constant 1 : index
    %get3A_5 = arith.constant 0 : index
    %get3A_6 = arith.constant 0 : index
    %get3A_7 = vector.load %arg1[%get3A_4, %get3A_5, %get3A_6] : memref<2x256x128xf32, #tpu.memory_space<vmem>>, vector<1x256x128xf32>
    %get3A_8 = vector.shape_cast %get3A_7 : vector<1x256x128xf32> to vector<256x128xf32>
    %add3A = arith.addf %get3A_3, %get3A_8 : vector<256x128xf32>
    %get3A_9 = arith.constant 0 : index
    %get3A_10 = arith.constant 0 : index
    %get3A_11 = vector.load %arg2[%get3A_9, %get3A_10] : memref<32x256xf32, #tpu.memory_space<vmem>>, vector<32x256xf32>
    %reduce_sum3A = arith.constant dense<0.000000e+00> : vector<256xf32>
    %reduce_sum3A_12 = vector.multi_reduction <add>, %get3A_11, %reduce_sum3A [0] : vector<32x256xf32> to vector<256xf32>
    %max3A = arith.constant 1.000000e+00 : f32
    %max3A_13 = vector.broadcast %max3A : f32 to vector<256xf32>
    %max3A_14 = arith.maximumf %reduce_sum3A_12, %max3A_13 : vector<256xf32>
    %broadcast_in_dim3A = vector.shape_cast %max3A_14 : vector<256xf32> to vector<256x1xf32>
    %div3A = vector.broadcast %broadcast_in_dim3A : vector<256x1xf32> to vector<256x128xf32>
    %div3A_15 = arith.divf %add3A, %div3A : vector<256x128xf32>
    %get3A_16 = arith.constant 0 : index
    %get3A_17 = arith.constant 0 : index
    %get3A_18 = vector.load %arg3[%get3A_16, %get3A_17] : memref<128x128xf32, #tpu.memory_space<vmem>>, vector<128x128xf32>
    %dot_general3A = arith.constant dense<0.000000e+00> : vector<256x128xf32>
    %dot_general3A_19 = tpu.matmul %div3A_15, %get3A_18, %dot_general3A {dimension_numbers = #tpu.dot_dimension_numbers<[1], [0], [0], [1], [0, 0, 1, 1], [], []>, transpose_lhs_hint = false} : vector<256x128xf32>, vector<128x128xf32>, vector<256x128xf32> -> vector<256x128xf32>
    %max3A_20 = arith.constant 0.000000e+00 : f32
    %max3A_21 = vector.broadcast %max3A_20 : f32 to vector<256x128xf32>
    %max3A_22 = arith.maximumf %dot_general3A_19, %max3A_21 : vector<256x128xf32>
    %swap3A = arith.constant 0 : index
    %swap3A_23 = arith.constant 0 : index
    %swap3A_24 = vector.load %arg4[%swap3A, %swap3A_23] : memref<256x128xf32, #tpu.memory_space<vmem>>, vector<256x128xf32>
    tpu.vector_store %arg4[%swap3A, %swap3A_23], %max3A_22 {strides = array<i32>} : memref<256x128xf32, #tpu.memory_space<vmem>>, vector<256x128xf32>,
    return
  }
  func.func @transform_0(%arg0: i32) -> (i32, i32, i32) {
    %c0_i32 = arith.constant 0 : i32
    %c0_i32_0 = arith.constant 0 : i32
    %c0_i32_1 = arith.constant 0 : i32
    return %c0_i32, %arg0, %c0_i32_0 : i32, i32, i32
  }
  func.func @transform_1(%arg0: i32) -> (i32, i32) {
    %c0_i32 = arith.constant 0 : i32
    %c0_i32_0 = arith.constant 0 : i32
    return %c0_i32, %arg0 : i32, i32
  }
  func.func @transform_2(%arg0: i32) -> (i32, i32) {
    %c0_i32 = arith.constant 0 : i32
    %c0_i32_0 = arith.constant 0 : i32
    %c0_i32_1 = arith.constant 0 : i32
    return %c0_i32, %c0_i32_0 : i32, i32
  }
  func.func @transform_3(%arg0: i32) -> (i32, i32) {
    %c0_i32 = arith.constant 0 : i32
    %c0_i32_0 = arith.constant 0 : i32
    return %arg0, %c0_i32 : i32, i32
  }
}

</mosaic_0001>

<sc_bundles>
// kernel: kernel.5.cloned.1.call-start
scs
__scs_entry_jumppad:
0x0: {  	(pc) =	sbr.rel $0x88, $3  }
0x1: {  	(tag) =	ssettag $0x0;
	lr =	simm.s32 $0x1  }
0x2: {  	[smem:$0x3F9D] =	sst lr;
	_ =	strace $0xD0000000  }
0x3: {  	_ = 	snop  }
0x4: {  	_ = 	snop  }
0x5: {  	_ = 	snop  }
0x6: {  	_ = 	snop  }
0x7: {  	_ = 	snop  }
__scs_overlays_trampoline_lowered:
0x8: {  	[smem:$0x3FAC] =	sst s0  }
0x9: {  	[smem:$0x3FAD] =	sst s1  }
0xa: {  	[smem:$0x3FAE] =	sst s2  }
0xb: {  	[smem:$0x3FAF] =	sst s3  }
0xc: {  	[smem:$0x3FB0] =	sst s4  }
0xd: {  	[smem:$0x3FB1] =	sst s5  }
0xe: {  	[smem:$0x3FB2] =	sst s6  }
0xf: {  	[smem:$0x3FB3] =	sst s7  }
0x10: {  	[smem:$0x3FB4] =	sst s8  }
0x11: {  	[smem:$0x3FB5] =	sst s9;
	s0 =	simm.s32 @!p0 $0x0  }
0x12: {  	s1 =	sld [smem:$0x3F9B];
	s0 =	simm.s32 @p0 $0x1  }
0x13: {  	[smem:$0x3FB6] =	sst s0;
	s0 =	simm.s32 @!p1 $0x0  }
0x14: {  	s2 =	sld [smem:$0x3F9A];
	s0 =	simm.s32 @p1 $0x1  }
0x15: {  	[smem:$0x3FB7] =	sst s0;
	s0 =	simm.s32 @!p2 $0x0  }
0x16: {  	s3 =	sld [smem:$0x3FDB];
	s0 =	simm.s32 @p2 $0x1  }
0x17: {  	s4 =	simm.s32 $0x1BF5;
	[smem:$0x3FB9] =	sst s0  }
0x18: {  	s0 =	sld [smem:$0x3F9C];
	_ =	swait.ge [sflag:s4], $0x0  }
0x19: {  	s7 =	sld [smem:$0x3F9D]  }
0x1a: {  	s8 =	sadd.s32 $0xFFFFE003, lr  }
0x1b: {  	s9 =	sadd.s32 $0xFFFFFEF7, lr;
	s5 =	simm.s32 $0xFFFFFFFF;
	p2 =	slt.u32 s8, $0xFFFFF086  }
0x1c: {  	p1 =	slt.u32 s9, $0xF7A;
	s5 =	simm.s32 @!p2 $0x0  }
0x1d: {  	s5 =	simm.s32 @p1 $0x1;
	p0 =	seq.s32 s7, s2  }
0x1e: {  	s7 =	smul.u32 @!p0 $0xF7A, s2;
	p2 =	seq.s32 @!p0 s5, $0x0  }
0x1f: {  	s9 =	smul.u32 $0xF7A, s1;
	s8 =	simm.s32 @!p0 $0x1BF5;
	p2 =	por !p2, p0  }
0x20: {  	[sflag:s8] =	ssyncset.s32 @!p0 $0xFFFFF086;
	s6 =	sadd.s32 @!p0 s3, s7;
	s7 =	simm.s32 @!p0 $0x108  }
0x21: {  	s3 =	sadd.s32 s3, s9;
	s6 =	sadd.s32 @!p0 $0x88, s6;
	s7 =	simm.s32 @p2 $0x1082  }
0x22: {  	[simem:s7], [sflag:s8] =	dma.local @!p0 [hbm:s6], $0xF7A  }
0x23: {  	s9 =	sor.u32 $0xD0000000, s2;
	s6 =	simm.s32 $0x108;
	_ =	swait.ge @!p0 [sflag:s8], $0x0  }
0x24: {  	s3 =	sadd.s32 $0x88, s3;
	s6 =	simm.s32 @!p1 $0x1082;
	[sflag:s4] =	ssyncset.s32 $0xFFFFF086  }
0x25: {  	[simem:s6], [sflag:s4] =	dma.local [hbm:s3], $0xF7A  }
0x26: {  	[smem:$0x3F9D] =	sst s1;
	(tag) =	ssettag s2;
	_ =	strace s9  }
0x27: {  	s1 =	sld [smem:$0x3FAD]  }
0x28: {  	s2 =	sld [smem:$0x3FAE]  }
0x29: {  	s4 =	sld [smem:$0x3FB0]  }
0x2a: {  	p0 =	seq.s32 s5, $0x0;
	s5 =	sld [smem:$0x3FB1]  }
0x2b: {  	s6 =	sld [smem:$0x3FB2]  }
0x2c: {  	s7 =	sld [smem:$0x3FB3]  }
0x2d: {  	s3 =	simm.s32 $0x108;
	s8 =	sld [smem:$0x3FB4]  }
0x2e: {  	s3 =	simm.s32 @!p0 $0x1082;
	s9 =	sld [smem:$0x3FB5]  }
0x2f: {  	lr =	sadd.s32 s0, s3;
	s0 =	sld [smem:$0x3FAC]  }
0x30: {  	s3 =	sld [smem:$0x3FAF]  }
0x31: {  	[smem:$0x3FB8] =	sst s10  }
0x32: {  	s10 =	sld [smem:$0x3FB6];
	_ =	sdelay $0x3  }
0x33: {  	p0 =	seq.s32 s10, $0x1;
	s10 =	sld [smem:$0x3FB8];
	_ =	sdelay $0x3  }
0x34: {  	[smem:$0x3FB8] =	sst s10  }
0x35: {  	s10 =	sld [smem:$0x3FB7];
	_ =	sdelay $0x3  }
0x36: {  	p1 =	seq.s32 s10, $0x1;
	s10 =	sld [smem:$0x3FB8];
	_ =	sdelay $0x3  }
0x37: {  	[smem:$0x3FB8] =	sst s10  }
0x38: {  	s10 =	sld [smem:$0x3FB9]  }
0x39: {  	_ = 	snop;
	(pc) =	sbr.ind lr, $3  }
0x3a: {  	_ = 	snop  }
0x3b: {  	_ = 	snop  }
0x3c: {  	p2 =	seq.s32 s10, $0x1;
	s10 =	sld [smem:$0x3FB8]  }
0x3d: {  	_ =	shalt  }
0x3e: {  	_ =	shalt  }
0x3f: {  	_ =	shalt  }
0x40: {  	_ =	shalt  }
0x41: {  	_ =	shalt  }
0x42: {  	_ =	shalt  }
0x43: {  	_ =	shalt  }
0x44: {  	_ =	shalt  }
0x45: {  	_ =	shalt  }
0x46: {  	_ =	shalt  }
0x47: {  	_ =	shalt  }
0x48: {  	_ =	shalt  }
0x49: {  	_ =	shalt  }
0x4a: {  	_ =	shalt  }
0x4b: {  	_ =	shalt  }
0x4c: {  	_ =	shalt  }
0x4d: {  	_ =	shalt  }
0x4e: {  	_ =	shalt  }
0x4f: {  	_ =	shalt  }
0x50: {  	_ =	shalt  }
0x51: {  	_ =	shalt  }
0x52: {  	_ =	shalt  }
0x53: {  	_ =	shalt  }
0x54: {  	_ =	shalt  }
0x55: {  	_ =	shalt  }
0x56: {  	_ =	shalt  }
0x57: {  	_ =	shalt  }
0x58: {  	_ =	shalt  }
0x59: {  	_ =	shalt  }
0x5a: {  	_ =	shalt  }
0x5b: {  	_ =	shalt  }
0x5c: {  	_ =	shalt  }
0x5d: {  	_ =	shalt  }
0x5e: {  	_ =	shalt  }
0x5f: {  	_ =	shalt  }
0x60: {  	_ =	shalt  }
0x61: {  	_ =	shalt  }
0x62: {  	_ =	shalt  }
0x63: {  	_ =	shalt  }
0x64: {  	_ =	shalt  }
0x65: {  	_ =	shalt  }
0x66: {  	_ =	shalt  }
0x67: {  	_ =	shalt  }
0x68: {  	_ =	shalt  }
0x69: {  	_ =	shalt  }
0x6a: {  	_ =	shalt  }
0x6b: {  	_ =	shalt  }
0x6c: {  	_ =	shalt  }
0x6d: {  	_ =	shalt  }
0x6e: {  	_ =	shalt  }
0x6f: {  	_ =	shalt  }
0x70: {  	_ =	shalt  }
0x71: {  	_ =	shalt  }
0x72: {  	_ =	shalt  }
0x73: {  	_ =	shalt  }
0x74: {  	_ =	shalt  }
0x75: {  	_ =	shalt  }
0x76: {  	_ =	shalt  }
0x77: {  	_ =	shalt  }
0x78: {  	_ =	shalt  }
0x79: {  	_ =	shalt  }
0x7a: {  	_ =	shalt  }
0x7b: {  	_ =	shalt  }
0x7c: {  	_ =	shalt  }
0x7d: {  	_ =	shalt  }
0x7e: {  	_ =	shalt  }
0x7f: {  	_ =	shalt  }
0x80: {  	_ =	shalt  }
0x81: {  	_ =	shalt  }
0x82: {  	_ =	shalt  }
0x83: {  	_ =	shalt  }
0x84: {  	_ =	shalt  }
0x85: {  	_ =	shalt  }
0x86: {  	_ =	shalt  }
0x87: {  	_ =	shalt  }
.Lfunc_end0:
.L_simem_size_0:
called_computation_lowered:
.L_overlay_start_0:
0x88: {  	s2 =	sld [smem:$0x3FD9]  }
0x89: {  	s3 =	sld [smem:$0x3FFE];
	_ =	sdelay $0x1  }
0x8a: {  	s1 =	srdreg.scid  }
0x8b: {  	s0 =	sand.u32 $0x1, s1  }
0x8c: {  	s17 =	sshll.u32 s0, $0xA;
	s2 =	sadd.s32 s3, s2  }
0x8d: {  	s2 =	sadd.s32 s2, s17  }
0x8e: {  	[smem:$0x3FC4] =	sst s2  }
0x8f: {  	_ = 	snop  }
0x90: {  	s2 =	sld [smem:$0x3FC9]  }
0x91: {  	s18 =	sld [smem:$0x3FD0];
	(tm) =	ssettm $0x1  }
0x92: {  	s4 =	sld [smem:$0x3FFB];
	_ =	sdelay $0x3  }
0x93: {  	_ =	strace s4  }
0x94: {  	s4 =	sld [smem:$0x3FFC];
	_ =	sdelay $0x3  }
0x95: {  	_ =	strace s4  }
0x96: {  	s4 =	sld [smem:$0x3FFD];
	_ =	sdelay $0x3  }
0x97: {  	_ =	strace s4  }
0x98: {  	_ =	strace $0x8FFFFFFF  }
0x99: {  	s19 =	sld [smem:$0x3FDB];
	_ =	sdelay $0x1  }
0x9a: {  	s5 =	simm.s32 $_scs_section_size  }
0x9b: {  	s6 =	simm.s32 $_size__tile_overlayer_lowered;
	s7 =	simm.s32 $_tile_overlayer_lowered  }
0x9c: {  	s22 =	simm.s32 $0x1BFF;
	s21 =	sshll.u32 s7, $0x1;
	s4 =	sadd.s32 s5, s19  }
0x9d: {  	s8 =	simm.s32 $0x0;
	s20 =	sshll.u32 s6, $0x1;
	s6 =	sadd.s32 s21, s4  }
0x9e: {  	[timem:s8], [sflag:s22] =	dma.local [hbm:s6], s20  }
0x9f: {  	_ =	swait.ge [sflag:s22], s20  }
0xa0: {  	s5 =	ssub.s32 $0x0, s20;
	[sflag:s22] =	ssyncset.done $0x0  }
0xa1: {  	[sflag:s22] =	ssyncadd.s32 s5;
	_ =	sdelay $0x1  }
0xa2: {  	s23 =	simm.s32 $0x1B8B  }
0xa3: {  	_ =	swait.ge [sflag:s23], $0x1  }
0xa4: {  	[sflag:s23] =	ssyncset.done $0x0  }
0xa5: {  	s25 =	simm.s32 $0x1B8E;
	s24 =	sld [smem:$0x3FFE];
	[sflag:s23] =	ssyncadd.s32 $0xFFFFFFFF  }
0xa6: {  	s26 =	simm.s32 $execute0_lowered;
	[smem:$0x3FD2] =	sst s25  }
0xa7: {  	s6 =	sshll.u32 s26, $0x1;
	_ =	strace $0x80000046;
	[dreg:$0x1] =	wrdreg $0xFFFFFFFF  }
0xa8: {  	s28 =	simm.s32 $_size_execute0_lowered;
	s4 =	sadd.s32 s4, s6;
	[dreg:$0x0] =	wrdreg $0x0  }
0xa9: {  	s6 =	sshll.u32 s28, $0x1;
	[dreg:$0x2] =	wrdreg s4  }
0xaa: {  	[dreg:$0x3] =	wrdreg s6  }
0xab: {  	[dreg:$0x4] =	wrdreg $0xC0  }
0xac: {  	_ =	task [dreg:s8], $0x5FFFF  }
0xad: {  	[dreg:$0x1] =	wrdreg $0xFFFFFFFF  }
0xae: {  	[dreg:$0x0] =	wrdreg $0x60  }
0xaf: {  	[dreg:$0x2] =	wrdreg s2  }
0xb0: {  	[dreg:$0x3] =	wrdreg s24  }
0xb1: {  	[dreg:$0x4] =	wrdreg s18  }
0xb2: {  	[dreg:$0x5] =	wrdreg $0xAA800  }
0xb3: {  	[dreg:$0x6] =	wrdreg $0x9  }
0xb4: {  	_ =	task.clear_ibuf [dreg:s8], $0x7FFFF;
	_ =	strace $0x90000046  }
0xb5: {  	s29 =	simm.s32 $0x9;
	_ =	strace $0x80000048  }
0xb6: {  	_ =	swait.ge [sflag:s29], $0x1  }
0xb7: {  	[sflag:s29] =	ssyncadd.s32 $0xFFFFFFFF  }
0xb8: {  	_ =	strace $0x90000048  }
0xb9: {  	_ =	sfence  }
0xba: {  	s30 =	sld [smem:$0x0];
	_ =	sdelay $0x2  }
0xbb: {  	s31 =	sshll.u32 s1, $0xD;
	s1 =	sshrl.u32 s1, $0x2  }
0xbc: {  	s3 =	sand.u32 $0x4000, s31;
	s1 =	sadd.s32 s1, s30  }
0xbd: {  	s0 =	sor.u32 s3, s0;
	s1 =	sshll.u32 s1, $0x11  }
0xbe: {  	s0 =	sor.u32 s1, s0  }
0xbf: {  	s0 =	sadd.s32 $0x8F2B, s0  }
0xc0: {  	[sflag:s0] =	ssyncadd.remote.s32 $0x1  }
0xc1: {  	_ =	sfence.sel $0xFFFF  }
0xc2: {  	[dreg:$0x0] =	wrdreg $0xFFFFFFFF;
	(pc) =	sbr.abs _section_cstart, $3  }
0xc3: {  	[dreg:$0x1] =	wrdreg $0xFFFFFFFF  }
0xc4: {  	_ =	task.clear_ibuf [dreg:s8], $0x2FFFF;
	_ =	strace $0x9FFFFFFF  }
0xc5: {  	(tm) =	ssettm $0x7FFFFFFF  }
tec
execute0_lowered:
.L_overlay_start_1:
0x0: {  	(tag) =	ssettag $0x1  }
0x1: {  	s1 =	rddreg [dreg:$0x0]  }
0x2: {  	s0 =	rddreg [dreg:$0x1]  }
0x3: {  	s3 =	rddreg [dreg:$0x3];
	s4 =	simm.s32 $0x0;
	s2 =	srdreg.scid  }
0x4: {  	s8 =	stileid.u32;
	s14 =	simm.s32 $0x98;
	s21 =	simm.s32 $0x3  }
0x5: {  	s28 =	simm.s32 $0x200;
	s29 =	simm.s32 $0x2;
	s30 =	simm.s32 $0x4200  }
0x6: {  	s31 =	simm.s32 $0x0;
	[smem:$0x7FF] =	sst s4;
	s6 =	sadd.s32 $0xE00, s0  }
0x7: {  	s7 =	sadd.s32 $0xB000, s0;
	s2 =	sand.u32 $0x1, s2;
	s22 =	smul.u32 $0x14000, s8  }
0x8: {  	s10 =	sadd.s32 $0x15200, s0;
	s13 =	smul.u32 $0x50000, s8;
	s26 =	sshll.u32 s8, $0x6  }
0x9: {  	_ =	strace $0x80000047;
	s5 =	smul.u32 $0x140000, s2;
	s9 =	sshll.u32 s2, $0x4  }
0xa: {  	[dreg:$0x5] =	wrdreg s10;
	p0 =	seq.s32 s2, $0x0;
	s23 =	smul.u32 $0x980, s2  }
0xb: {  	s2 =	ssub.s32 $0x2, s2;
	s9 =	sor.u32 s8, s9;
	s14 =	simm.s32 @!p0 $0x8  }
0xc: {  	s12 =	sshrl.u32 s2, $0x1;
	s25 =	sshrl.u32 s13, $0x2;
	s9 =	smul.u32 $0x500, s9  }
0xd: {  	s5 =	sadd.s32 s22, s5;
	s11 =	smul.u32 s8, s14;
	s17 =	ssub.s32 s2, s12  }
0xe: {  	s19 =	sadd.s32 s25, s3;
	s22 =	simm.s32 $0x8200;
	s25 =	simm.s32 $0x180  }
0xf: {  	s5 =	sshrl.u32 s5, $0x3;
	s17 =	smax.u32 s17, $0x1;
	s20 =	sshrl.u32 s19, $0x3  }
0x10: {  	s5 =	sadd.s32 s5, s0;
	s0 =	sadd.s32 s9, s0;
	s24 =	sadd.s32 s23, s11  }
0x11: {  	s9 =	sor.u32 $0x1C03, s26;
	s23 =	simm.s32 $0x100;
	s26 =	simm.s32 $0x1  }
0x12: {  	s18 =	sshll.u32 s24, $0x4;
	s15 =	sadd.s32 $0x21A00, s5;
	s16 =	sadd.s32 $0x17A00, s0  }
0x13: {  	s24 =	simm.s32 $0x80;
	s2 =	sor.u32 $0x10, s18;
	s10 =	sadd.s32 s6, s18  }
0x14: {  	v0 =	vimm.s32 $0xFFFFFFFF;
	v3 =	vlaneseq.u32;
	s11 =	sadd.s32 s7, s18;
	s5 =	sor.u32 $0x30, s18;
	s0 =	sor.u32 $0x20, s18  }
0x15: {  	v1 =	vimm.s32 $0xFFFFFFFE;
	v2 =	vor.u32 $0x80000000, v3;
	v3 =	vadd.s32 $0x1, v3;
	s12 =	sadd.s32 s6, s2;
	s13 =	sadd.s32 s7, s2;
	s2 =	sshrl.u32 s14, $0x1  }
.LBB2_1:
0x16: {  	s8 =	rddreg [dreg:$0x5]  }
0x17: {  	[spmem:s20], [sflag:s9] =	dma.local [hbm:s8], $0x2800  }
0x18: {  	_ =	swait.ge [sflag:s21], $0x2800  }
0x19: {  	[sflag:s21] =	ssyncset.done $0x0  }
0x1a: {  	[sflag:s21] =	ssyncadd.s32 $0xFFFFD800  }
0x1b: {  	s19 =	rddreg [dreg:$0x2]  }
0x1c: {  	[tilespmem:s22], [sflag:$0x3] =	stream.linear.gather [hbm4b:s19+s4], $0x2800, $0x38;
	[tilespmem:$0x1EA80] =	vst v63  }
0x1d: {  	_ =	swait.ge [sflag:s21], $0x2800  }
0x1e: {  	[sflag:s21] =	ssyncset.done $0x0  }
0x1f: {  	[sflag:s21] =	ssyncadd.s32 $0xFFFFD800  }
0x20: {  	[tilespmem:$0xAA00] =	vst v0  }
0x21: {  	[tilespmem:$0xAA10] =	vst v1  }
0x22: {  	[bflag:$0x0] =	sbarrier.arrive $0xFFFF  }
0x23: {  	[tilespmem:s4], [sflag:$0x1] =	stream.linear.gather [hbm4b:s10+s4], $0x80, $0x38;
	[tilespmem:$0x1EA80] =	vst v63  }
0x24: {  	_ = 	snop  }
0x25: {  	[tilespmem:s23], [sflag:$0x1] =	stream.linear.gather [hbm4b:s11+s4], $0x80, $0x38;
	[tilespmem:$0x1EA80] =	vst v63  }
0x26: {  	_ = 	snop  }
0x27: {  	[tilespmem:s24], [sflag:$0x1] =	stream.linear.gather [hbm4b:s12+s4], $0x80, $0x38;
	[tilespmem:$0x1EA80] =	vst v63  }
0x28: {  	_ = 	snop  }
0x29: {  	[tilespmem:s25], [sflag:$0x1] =	stream.linear.gather [hbm4b:s13+s4], $0x80, $0x38;
	[tilespmem:$0x1EA80] =	vst v63  }
0x2a: {  	_ =	swait.ge [sflag:s26], $0x80  }
0x2b: {  	[sflag:s26] =	ssyncset.done $0x0  }
0x2c: {  	[sflag:s26] =	ssyncadd.s32 $0xFFFFFF80  }
0x2d: {  	_ =	swait.ge [sflag:s26], $0x80  }
0x2e: {  	s18 =	smov.u32 s5;
	[sflag:s26] =	ssyncset.done $0x0  }
0x2f: {  	s14 =	smov.u32 s2;
	s19 =	smov.u32 s0;
	[sflag:s26] =	ssyncadd.s32 $0xFFFFFF80  }
0x30: {  	[tilespmem:s28], [sflag:$0x2] =	stream.indirect.gather [hbm4b:s1+s24], $0x80, s4, s24, $0xb8;
	[tilespmem:$0x1EA80] =	vst v63  }
.LBB2_2:
0x31: {  	_ =	swait.ge [sflag:s29], $0x4000  }
0x32: {  	[sflag:s29] =	ssyncset.done $0x0  }
0x33: {  	[sflag:s29] =	ssyncadd.s32 $0xFFFFC000  }
0x34: {  	_ =	swait.ge [sflag:s26], $0x80  }
0x35: {  	[sflag:s26] =	ssyncset.done $0x0  }
0x36: {  	[sflag:s26] =	ssyncadd.s32 $0xFFFFFF80  }
0x37: {  	_ =	swait.ge [sflag:s26], $0x80  }
0x38: {  	[sflag:s26] =	ssyncset.done $0x0  }
0x39: {  	[sflag:s26] =	ssyncadd.s32 $0xFFFFFF80  }
0x3a: {  	[tilespmem:s30], [sflag:$0x2] =	stream.indirect.gather [hbm4b:s1+s24], $0x80, s24, s24, $0xb8;
	[tilespmem:$0x1EA80] =	vst v63  }
0x3b: {  	_ = 	snop  }
0x3c: {  	[spmem:s3] =	stream.indirect.scatter.add.f32 [tilespmem:s28], [sflag:$0x3], $0x80, s23, s24, $0xb8;
	[tilespmem:$0x1EA80] =	vst v63  }
0x3d: {  	_ =	swait.ge [sflag:s21], $0x4000  }
0x3e: {  	[sflag:s21] =	ssyncset.done $0x0  }
0x3f: {  	[sflag:s21] =	ssyncadd.s32 $0xFFFFC000  }
0x40: {  	v4 =	vld [tilespmem:$0x100];
	_ =	sdelay $0x4  }
0x41: {  	v5 =	vxor.u32 $0x80000000, v4  }
0x42: {  	(xrf1) =	vsort.ascd.msk.u32 $0xffff, v5, v4;
	_ =	sdelay $0xd  }
0x43: {  	v4, _, _ =	vpop (xrf1)  }
0x44: {  	v4 =	vxor.u32 $0x80000000, v4  }
0x45: {  	[tilespmem:$0xAA01] =	vst v4  }
0x46: {  	v5 =	vld [tilespmem:$0xAA00];
	_ =	sdelay $0x4  }
0x47: {  	vm0 =	veq.s32 v4, v5  }
0x48: {  	v5 =	vsel vm0, $0x7FFFFFFF, v2  }
0x49: {  	v6 =	vld [tilespmem:$0xAA02];
	(xrf0) =	vmax.scan.msk.u32 $0xffff, v5;
	_ =	sdelay $0x4  }
0x4a: {  	vm9 =	vne.s32 v4, v6  }
0x4b: {  	v5, _, _ =	vpop (xrf0)  }
0x4c: {  	v5 =	vxor.u32 $0x80000000, v5  }
0x4d: {  	v5 =	vsub.s32 v3, v5  }
0x4e: {  	v5 =	vcvt.s32.f32 v5;
	_ =	sdelay $0x1  }
0x4f: {  	[tilespmem:v4+s22+$0x0] =	vst.idx.add.f32.msk vm9, v5  }
0x50: {  	v4 =	vld [tilespmem:$0x110];
	_ =	sdelay $0x4  }
0x51: {  	v5 =	vxor.u32 $0x80000000, v4  }
0x52: {  	(xrf1) =	vsort.ascd.msk.u32 $0xffff, v5, v4;
	_ =	sdelay $0xd  }
0x53: {  	v4, _, _ =	vpop (xrf1)  }
0x54: {  	v4 =	vxor.u32 $0x80000000, v4  }
0x55: {  	[tilespmem:$0xAA01] =	vst v4  }
0x56: {  	v5 =	vld [tilespmem:$0xAA00];
	_ =	sdelay $0x4  }
0x57: {  	vm10 =	veq.s32 v4, v5  }
0x58: {  	v5 =	vsel vm10, $0x7FFFFFFF, v2  }
0x59: {  	v49 =	vld [tilespmem:$0xAA02];
	(xrf0) =	vmax.scan.msk.u32 $0xffff, v5;
	_ =	sdelay $0x4  }
0x5a: {  	vm11 =	vne.s32 v4, v49  }
0x5b: {  	v5, _, _ =	vpop (xrf0)  }
0x5c: {  	v5 =	vxor.u32 $0x80000000, v5  }
0x5d: {  	v5 =	vsub.s32 v3, v5  }
0x5e: {  	v5 =	vcvt.s32.f32 v5;
	_ =	sdelay $0x1  }
0x5f: {  	[tilespmem:v4+s22+$0x0] =	vst.idx.add.f32.msk vm11, v5  }
0x60: {  	v4 =	vld [tilespmem:$0x120];
	_ =	sdelay $0x4  }
0x61: {  	v5 =	vxor.u32 $0x80000000, v4  }
0x62: {  	(xrf1) =	vsort.ascd.msk.u32 $0xffff, v5, v4;
	_ =	sdelay $0xd  }
0x63: {  	v4, _, _ =	vpop (xrf1)  }
0x64: {  	v4 =	vxor.u32 $0x80000000, v4  }
0x65: {  	[tilespmem:$0xAA01] =	vst v4  }
0x66: {  	v5 =	vld [tilespmem:$0xAA00];
	_ =	sdelay $0x4  }
0x67: {  	vm12 =	veq.s32 v4, v5  }
0x68: {  	v5 =	vsel vm12, $0x7FFFFFFF, v2  }
0x69: {  	v50 =	vld [tilespmem:$0xAA02];
	(xrf0) =	vmax.scan.msk.u32 $0xffff, v5;
	_ =	sdelay $0x4  }
0x6a: {  	vm13 =	vne.s32 v4, v50  }
0x6b: {  	v5, _, _ =	vpop (xrf0)  }
0x6c: {  	v5 =	vxor.u32 $0x80000000, v5  }
0x6d: {  	v5 =	vsub.s32 v3, v5  }
0x6e: {  	v5 =	vcvt.s32.f32 v5;
	_ =	sdelay $0x1  }
0x6f: {  	[tilespmem:v4+s22+$0x0] =	vst.idx.add.f32.msk vm13, v5  }
0x70: {  	v4 =	vld [tilespmem:$0x130];
	_ =	sdelay $0x4  }
0x71: {  	v5 =	vxor.u32 $0x80000000, v4  }
0x72: {  	(xrf1) =	vsort.ascd.msk.u32 $0xffff, v5, v4;
	_ =	sdelay $0xd  }
0x73: {  	v4, _, _ =	vpop (xrf1)  }
0x74: {  	v4 =	vxor.u32 $0x80000000, v4  }
0x75: {  	[tilespmem:$0xAA01] =	vst v4  }
0x76: {  	v5 =	vld [tilespmem:$0xAA00];
	_ =	sdelay $0x4  }
0x77: {  	vm14 =	veq.s32 v4, v5  }
0x78: {  	v5 =	vsel vm14, $0x7FFFFFFF, v2  }
0x79: {  	v51 =	vld [tilespmem:$0xAA02];
	(xrf0) =	vmax.scan.msk.u32 $0xffff, v5;
	_ =	sdelay $0x4  }
0x7a: {  	vm15 =	vne.s32 v4, v51  }
0x7b: {  	v5, _, _ =	vpop (xrf0)  }
0x7c: {  	v5 =	vxor.u32 $0x80000000, v5  }
0x7d: {  	v5 =	vsub.s32 v3, v5  }
0x7e: {  	v5 =	vcvt.s32.f32 v5;
	_ =	sdelay $0x1  }
0x7f: {  	[tilespmem:v4+s22+$0x0] =	vst.idx.add.f32.msk vm15, v5  }
0x80: {  	v4 =	vld [tilespmem:$0x140];
	_ =	sdelay $0x4  }
0x81: {  	v5 =	vxor.u32 $0x80000000, v4  }
0x82: {  	(xrf1) =	vsort.ascd.msk.u32 $0xffff, v5, v4;
	_ =	sdelay $0xd  }
0x83: {  	v4, _, _ =	vpop (xrf1)  }
0x84: {  	v4 =	vxor.u32 $0x80000000, v4  }
0x85: {  	[tilespmem:$0xAA01] =	vst v4  }
0x86: {  	v5 =	vld [tilespmem:$0xAA00];
	_ =	sdelay $0x4  }
0x87: {  	vm4 =	veq.s32 v4, v5  }
0x88: {  	v5 =	vsel vm4, $0x7FFFFFFF, v2  }
0x89: {  	v52 =	vld [tilespmem:$0xAA02];
	(xrf0) =	vmax.scan.msk.u32 $0xffff, v5;
	_ =	sdelay $0x4  }
0x8a: {  	vm5 =	vne.s32 v4, v52  }
0x8b: {  	v5, _, _ =	vpop (xrf0)  }
0x8c: {  	v5 =	vxor.u32 $0x80000000, v5  }
0x8d: {  	v5 =	vsub.s32 v3, v5  }
0x8e: {  	v5 =	vcvt.s32.f32 v5;
	_ =	sdelay $0x1  }
0x8f: {  	[tilespmem:v4+s22+$0x0] =	vst.idx.add.f32.msk vm5, v5  }
0x90: {  	v4 =	vld [tilespmem:$0x150];
	_ =	sdelay $0x4  }
0x91: {  	v5 =	vxor.u32 $0x80000000, v4  }
0x92: {  	(xrf1) =	vsort.ascd.msk.u32 $0xffff, v5, v4;
	_ =	sdelay $0xd  }
0x93: {  	v4, _, _ =	vpop (xrf1)  }
0x94: {  	v4 =	vxor.u32 $0x80000000, v4  }
0x95: {  	[tilespmem:$0xAA01] =	vst v4  }
0x96: {  	v5 =	vld [tilespmem:$0xAA00];
	_ =	sdelay $0x4  }
0x97: {  	vm6 =	veq.s32 v4, v5  }
0x98: {  	v5 =	vsel vm6, $0x7FFFFFFF, v2  }
0x99: {  	v53 =	vld [tilespmem:$0xAA02];
	(xrf0) =	vmax.scan.msk.u32 $0xffff, v5;
	_ =	sdelay $0x4  }
0x9a: {  	vm7 =	vne.s32 v4, v53  }
0x9b: {  	v5, _, _ =	vpop (xrf0)  }
0x9c: {  	v5 =	vxor.u32 $0x80000000, v5  }
0x9d: {  	v5 =	vsub.s32 v3, v5  }
0x9e: {  	v5 =	vcvt.s32.f32 v5;
	_ =	sdelay $0x1  }
0x9f: {  	[tilespmem:v4+s22+$0x0] =	vst.idx.add.f32.msk vm7, v5  }
0xa0: {  	v4 =	vld [tilespmem:$0x160];
	_ =	sdelay $0x4  }
0xa1: {  	v5 =	vxor.u32 $0x80000000, v4  }
0xa2: {  	(xrf1) =	vsort.ascd.msk.u32 $0xffff, v5, v4;
	_ =	sdelay $0xd  }
0xa3: {  	v4, _, _ =	vpop (xrf1)  }
0xa4: {  	v4 =	vxor.u32 $0x80000000, v4  }
0xa5: {  	[tilespmem:$0xAA01] =	vst v4  }
0xa6: {  	v5 =	vld [tilespmem:$0xAA00];
	_ =	sdelay $0x4  }
0xa7: {  	vm8 =	veq.s32 v4, v5  }
0xa8: {  	v5 =	vsel vm8, $0x7FFFFFFF, v2  }
0xa9: {  	v54 =	vld [tilespmem:$0xAA02];
	(xrf0) =	vmax.scan.msk.u32 $0xffff, v5;
	_ =	sdelay $0x4  }
0xaa: {  	vm9 =	vne.s32 v4, v54  }
0xab: {  	v5, _, _ =	vpop (xrf0)  }
0xac: {  	v5 =	vxor.u32 $0x80000000, v5  }
0xad: {  	v5 =	vsub.s32 v3, v5  }
0xae: {  	v5 =	vcvt.s32.f32 v5;
	_ =	sdelay $0x1  }
0xaf: {  	[tilespmem:v4+s22+$0x0] =	vst.idx.add.f32.msk vm9, v5  }
0xb0: {  	v4 =	vld [tilespmem:$0x170];
	_ =	sdelay $0x4  }
0xb1: {  	v5 =	vxor.u32 $0x80000000, v4  }
0xb2: {  	(xrf1) =	vsort.ascd.msk.u32 $0xffff, v5, v4;
	_ =	sdelay $0xd  }
0xb3: {  	v4, _, _ =	vpop (xrf1)  }
0xb4: {  	v4 =	vxor.u32 $0x80000000, v4  }
0xb5: {  	[tilespmem:$0xAA01] =	vst v4  }
0xb6: {  	v5 =	vld [tilespmem:$0xAA00];
	_ =	sdelay $0x4  }
0xb7: {  	vm10 =	veq.s32 v4, v5  }
0xb8: {  	v5 =	vsel vm10, $0x7FFFFFFF, v2  }
0xb9: {  	v55 =	vld [tilespmem:$0xAA02];
	(xrf0) =	vmax.scan.msk.u32 $0xffff, v5;
	_ =	sdelay $0x4  }
0xba: {  	vm11 =	vne.s32 v4, v55  }
0xbb: {  	v5, _, _ =	vpop (xrf0)  }
0xbc: {  	v5 =	vxor.u32 $0x80000000, v5  }
0xbd: {  	v5 =	vsub.s32 v3, v5  }
0xbe: {  	v5 =	vcvt.s32.f32 v5;
	_ =	sdelay $0x1  }
0xbf: {  	s8 =	sadd.s32 s19, s6;
	[tilespmem:v4+s22+$0x0] =	vst.idx.add.f32.msk vm11, v5  }
0xc0: {  	[tilespmem:s4], [sflag:$0x1] =	stream.linear.gather [hbm4b:s8+s4], $0x80, $0x38;
	[tilespmem:$0x1EA80] =	vst v63  }
0xc1: {  	s8 =	sadd.s32 s19, s7  }
0xc2: {  	[tilespmem:s23], [sflag:$0x1] =	stream.linear.gather [hbm4b:s8+s4], $0x80, $0x38;
	[tilespmem:$0x1EA80] =	vst v63  }
0xc3: {  	_ =	swait.ge [sflag:s29], $0x4000  }
0xc4: {  	[sflag:s29] =	ssyncset.done $0x0  }
0xc5: {  	[sflag:s29] =	ssyncadd.s32 $0xFFFFC000  }
0xc6: {  	_ =	swait.ge [sflag:s26], $0x80  }
0xc7: {  	[sflag:s26] =	ssyncset.done $0x0  }
0xc8: {  	[sflag:s26] =	ssyncadd.s32 $0xFFFFFF80  }
0xc9: {  	_ =	swait.ge [sflag:s26], $0x80  }
0xca: {  	[sflag:s26] =	ssyncset.done $0x0  }
0xcb: {  	[sflag:s26] =	ssyncadd.s32 $0xFFFFFF80  }
0xcc: {  	[tilespmem:s28], [sflag:$0x2] =	stream.indirect.gather [hbm4b:s1+s24], $0x80, s4, s24, $0xb8;
	[tilespmem:$0x1EA80] =	vst v63  }
0xcd: {  	_ = 	snop  }
0xce: {  	[spmem:s3] =	stream.indirect.scatter.add.f32 [tilespmem:s30], [sflag:$0x3], $0x80, s25, s24, $0xb8;
	[tilespmem:$0x1EA80] =	vst v63  }
0xcf: {  	_ =	swait.ge [sflag:s21], $0x4000  }
0xd0: {  	[sflag:s21] =	ssyncset.done $0x0  }
0xd1: {  	[sflag:s21] =	ssyncadd.s32 $0xFFFFC000  }
0xd2: {  	v4 =	vld [tilespmem:$0x180];
	_ =	sdelay $0x4  }
0xd3: {  	v5 =	vxor.u32 $0x80000000, v4  }
0xd4: {  	(xrf1) =	vsort.ascd.msk.u32 $0xffff, v5, v4;
	_ =	sdelay $0xd  }
0xd5: {  	v4, _, _ =	vpop (xrf1)  }
0xd6: {  	v4 =	vxor.u32 $0x80000000, v4  }
0xd7: {  	[tilespmem:$0xAA01] =	vst v4  }
0xd8: {  	v5 =	vld [tilespmem:$0xAA00];
	_ =	sdelay $0x4  }
0xd9: {  	vm12 =	veq.s32 v4, v5  }
0xda: {  	v5 =	vsel vm12, $0x7FFFFFFF, v2  }
0xdb: {  	v56 =	vld [tilespmem:$0xAA02];
	(xrf0) =	vmax.scan.msk.u32 $0xffff, v5;
	_ =	sdelay $0x4  }
0xdc: {  	vm13 =	vne.s32 v4, v56  }
0xdd: {  	v5, _, _ =	vpop (xrf0)  }
0xde: {  	v5 =	vxor.u32 $0x80000000, v5  }
0xdf: {  	v5 =	vsub.s32 v3, v5  }
0xe0: {  	v5 =	vcvt.s32.f32 v5;
	_ =	sdelay $0x1  }
0xe1: {  	[tilespmem:v4+s22+$0x0] =	vst.idx.add.f32.msk vm13, v5  }
0xe2: {  	v4 =	vld [tilespmem:$0x190];
	_ =	sdelay $0x4  }
0xe3: {  	v5 =	vxor.u32 $0x80000000, v4  }
0xe4: {  	(xrf1) =	vsort.ascd.msk.u32 $0xffff, v5, v4;
	_ =	sdelay $0xd  }
0xe5: {  	v4, _, _ =	vpop (xrf1)  }
0xe6: {  	v4 =	vxor.u32 $0x80000000, v4  }
0xe7: {  	[tilespmem:$0xAA01] =	vst v4  }
0xe8: {  	v5 =	vld [tilespmem:$0xAA00];
	_ =	sdelay $0x4  }
0xe9: {  	vm14 =	veq.s32 v4, v5  }
0xea: {  	v5 =	vsel vm14, $0x7FFFFFFF, v2  }
0xeb: {  	v57 =	vld [tilespmem:$0xAA02];
	(xrf0) =	vmax.scan.msk.u32 $0xffff, v5;
	_ =	sdelay $0x4  }
0xec: {  	vm15 =	vne.s32 v4, v57  }
0xed: {  	v5, _, _ =	vpop (xrf0)  }
0xee: {  	v5 =	vxor.u32 $0x80000000, v5  }
0xef: {  	v5 =	vsub.s32 v3, v5  }
0xf0: {  	v5 =	vcvt.s32.f32 v5;
	_ =	sdelay $0x1  }
0xf1: {  	[tilespmem:v4+s22+$0x0] =	vst.idx.add.f32.msk vm15, v5  }
0xf2: {  	v4 =	vld [tilespmem:$0x1A0];
	_ =	sdelay $0x4  }
0xf3: {  	v5 =	vxor.u32 $0x80000000, v4  }
0xf4: {  	(xrf1) =	vsort.ascd.msk.u32 $0xffff, v5, v4;
	_ =	sdelay $0xd  }
0xf5: {  	v4, _, _ =	vpop (xrf1)  }
0xf6: {  	v4 =	vxor.u32 $0x80000000, v4  }
0xf7: {  	[tilespmem:$0xAA01] =	vst v4  }
0xf8: {  	v5 =	vld [tilespmem:$0xAA00];
	_ =	sdelay $0x4  }
0xf9: {  	vm4 =	veq.s32 v4, v5  }
0xfa: {  	v5 =	vsel vm4, $0x7FFFFFFF, v2  }
0xfb: {  	v58 =	vld [tilespmem:$0xAA02];
	(xrf0) =	vmax.scan.msk.u32 $0xffff, v5;
	_ =	sdelay $0x4  }
0xfc: {  	vm5 =	vne.s32 v4, v58  }
0xfd: {  	v5, _, _ =	vpop (xrf0)  }
0xfe: {  	v5 =	vxor.u32 $0x80000000, v5  }
0xff: {  	v5 =	vsub.s32 v3, v5  }
0x100: {  	v5 =	vcvt.s32.f32 v5;
	_ =	sdelay $0x1  }
0x101: {  	[tilespmem:v4+s22+$0x0] =	vst.idx.add.f32.msk vm5, v5  }
0x102: {  	v4 =	vld [tilespmem:$0x1B0];
	_ =	sdelay $0x4  }
0x103: {  	v5 =	vxor.u32 $0x80000000, v4  }
0x104: {  	(xrf1) =	vsort.ascd.msk.u32 $0xffff, v5, v4;
	_ =	sdelay $0xd  }
0x105: {  	v4, _, _ =	vpop (xrf1)  }
0x106: {  	v4 =	vxor.u32 $0x80000000, v4  }
0x107: {  	[tilespmem:$0xAA01] =	vst v4  }
0x108: {  	v5 =	vld [tilespmem:$0xAA00];
	_ =	sdelay $0x4  }
0x109: {  	vm6 =	veq.s32 v4, v5  }
0x10a: {  	v5 =	vsel vm6, $0x7FFFFFFF, v2  }
0x10b: {  	v59 =	vld [tilespmem:$0xAA02];
	(xrf0) =	vmax.scan.msk.u32 $0xffff, v5;
	_ =	sdelay $0x4  }
0x10c: {  	vm7 =	vne.s32 v4, v59  }
0x10d: {  	v5, _, _ =	vpop (xrf0)  }
0x10e: {  	v5 =	vxor.u32 $0x80000000, v5  }
0x10f: {  	v5 =	vsub.s32 v3, v5  }
0x110: {  	v5 =	vcvt.s32.f32 v5;
	_ =	sdelay $0x1  }
0x111: {  	[tilespmem:v4+s22+$0x0] =	vst.idx.add.f32.msk vm7, v5  }
0x112: {  	v4 =	vld [tilespmem:$0x1C0];
	_ =	sdelay $0x4  }
0x113: {  	v5 =	vxor.u32 $0x80000000, v4  }
0x114: {  	(xrf1) =	vsort.ascd.msk.u32 $0xffff, v5, v4;
	_ =	sdelay $0xd  }
0x115: {  	v4, _, _ =	vpop (xrf1)  }
0x116: {  	v4 =	vxor.u32 $0x80000000, v4  }
0x117: {  	[tilespmem:$0xAA01] =	vst v4  }
0x118: {  	v5 =	vld [tilespmem:$0xAA00];
	_ =	sdelay $0x4  }
0x119: {  	vm8 =	veq.s32 v4, v5  }
0x11a: {  	v5 =	vsel vm8, $0x7FFFFFFF, v2  }
0x11b: {  	v60 =	vld [tilespmem:$0xAA02];
	(xrf0) =	vmax.scan.msk.u32 $0xffff, v5;
	_ =	sdelay $0x4  }
0x11c: {  	vm9 =	vne.s32 v4, v60  }
0x11d: {  	v5, _, _ =	vpop (xrf0)  }
0x11e: {  	v5 =	vxor.u32 $0x80000000, v5  }
0x11f: {  	v5 =	vsub.s32 v3, v5  }
0x120: {  	v5 =	vcvt.s32.f32 v5;
	_ =	sdelay $0x1  }
0x121: {  	[tilespmem:v4+s22+$0x0] =	vst.idx.add.f32.msk vm9, v5  }
0x122: {  	v4 =	vld [tilespmem:$0x1D0];
	_ =	sdelay $0x4  }
0x123: {  	v5 =	vxor.u32 $0x80000000, v4  }
0x124: {  	(xrf1) =	vsort.ascd.msk.u32 $0xffff, v5, v4;
	_ =	sdelay $0xd  }
0x125: {  	v4, _, _ =	vpop (xrf1)  }
0x126: {  	v4 =	vxor.u32 $0x80000000, v4  }
0x127: {  	[tilespmem:$0xAA01] =	vst v4  }
0x128: {  	v5 =	vld [tilespmem:$0xAA00];
	_ =	sdelay $0x4  }
0x129: {  	vm10 =	veq.s32 v4, v5  }
0x12a: {  	v5 =	vsel vm10, $0x7FFFFFFF, v2  }
0x12b: {  	v61 =	vld [tilespmem:$0xAA02];
	(xrf0) =	vmax.scan.msk.u32 $0xffff, v5;
	_ =	sdelay $0x4  }
0x12c: {  	vm11 =	vne.s32 v4, v61  }
0x12d: {  	v5, _, _ =	vpop (xrf0)  }
0x12e: {  	v5 =	vxor.u32 $0x80000000, v5  }
0x12f: {  	v5 =	vsub.s32 v3, v5  }
0x130: {  	v5 =	vcvt.s32.f32 v5;
	_ =	sdelay $0x1  }
0x131: {  	[tilespmem:v4+s22+$0x0] =	vst.idx.add.f32.msk vm11, v5  }
0x132: {  	v4 =	vld [tilespmem:$0x1E0];
	_ =	sdelay $0x4  }
0x133: {  	v5 =	vxor.u32 $0x80000000, v4  }
0x134: {  	(xrf1) =	vsort.ascd.msk.u32 $0xffff, v5, v4;
	_ =	sdelay $0xd  }
0x135: {  	v4, _, _ =	vpop (xrf1)  }
0x136: {  	v4 =	vxor.u32 $0x80000000, v4  }
0x137: {  	[tilespmem:$0xAA01] =	vst v4  }
0x138: {  	v5 =	vld [tilespmem:$0xAA00];
	_ =	sdelay $0x4  }
0x139: {  	vm12 =	veq.s32 v4, v5  }
0x13a: {  	v5 =	vsel vm12, $0x7FFFFFFF, v2  }
0x13b: {  	v62 =	vld [tilespmem:$0xAA02];
	(xrf0) =	vmax.scan.msk.u32 $0xffff, v5;
	_ =	sdelay $0x4  }
0x13c: {  	vm13 =	vne.s32 v4, v62  }
0x13d: {  	v5, _, _ =	vpop (xrf0)  }
0x13e: {  	v5 =	vxor.u32 $0x80000000, v5  }
0x13f: {  	v5 =	vsub.s32 v3, v5  }
0x140: {  	v5 =	vcvt.s32.f32 v5;
	_ =	sdelay $0x1  }
0x141: {  	[tilespmem:v4+s22+$0x0] =	vst.idx.add.f32.msk vm13, v5  }
0x142: {  	v4 =	vld [tilespmem:$0x1F0];
	_ =	sdelay $0x4  }
0x143: {  	v5 =	vxor.u32 $0x80000000, v4  }
0x144: {  	(xrf1) =	vsort.ascd.msk.u32 $0xffff, v5, v4;
	_ =	sdelay $0xd  }
0x145: {  	v4, _, _ =	vpop (xrf1)  }
0x146: {  	v4 =	vxor.u32 $0x80000000, v4  }
0x147: {  	[tilespmem:$0xAA01] =	vst v4  }
0x148: {  	v5 =	vld [tilespmem:$0xAA00];
	_ =	sdelay $0x4  }
0x149: {  	vm14 =	veq.s32 v4, v5  }
0x14a: {  	v5 =	vsel vm14, $0x7FFFFFFF, v2  }
0x14b: {  	v63 =	vld [tilespmem:$0xAA02];
	(xrf0) =	vmax.scan.msk.u32 $0xffff, v5;
	_ =	sdelay $0x4  }
0x14c: {  	vm15 =	vne.s32 v4, v63  }
0x14d: {  	v5, _, _ =	vpop (xrf0)  }
0x14e: {  	v5 =	vxor.u32 $0x80000000, v5  }
0x14f: {  	v5 =	vsub.s32 v3, v5  }
0x150: {  	p0 =	sne.s32 s14, $0x1;
	v5 =	vcvt.s32.f32 v5  }
.Ltmp0:
0x151: {  	_ = 	snop;
	(pc) =	sbr.rel @p0 .LBB2_2-.Ltmp0, $4  }
0x152: {  	s14 =	sadd.s32 $0xFFFFFFFF, s14;
	s8 =	sadd.s32 s18, s6;
	[tilespmem:v4+s22+$0x0] =	vst.idx.add.f32.msk vm15, v5  }
0x153: {  	[tilespmem:s24], [sflag:$0x1] =	stream.linear.gather [hbm4b:s8+s4], $0x80, $0x38;
	[tilespmem:$0x1EA80] =	vst v63  }
0x154: {  	s19 =	sadd.s32 $0x20, s19;
	s8 =	sadd.s32 s18, s7;
	s18 =	sadd.s32 $0x20, s18  }
0x155: {  	[tilespmem:s25], [sflag:$0x1] =	stream.linear.gather [hbm4b:s8+s4], $0x80, $0x38;
	[tilespmem:$0x1EA80] =	vst v63  }
0x156: {  	_ =	swait.ge [sflag:s29], $0x4000  }
0x157: {  	[sflag:s29] =	ssyncset.done $0x0  }
0x158: {  	[sflag:s29] =	ssyncadd.s32 $0xFFFFC000  }
0x159: {  	_ =	swait.ge [sflag:s26], $0x80  }
0x15a: {  	[sflag:s26] =	ssyncset.done $0x0  }
0x15b: {  	[sflag:s26] =	ssyncadd.s32 $0xFFFFFF80  }
0x15c: {  	_ =	swait.ge [sflag:s26], $0x80  }
0x15d: {  	[sflag:s26] =	ssyncset.done $0x0  }
0x15e: {  	[sflag:s26] =	ssyncadd.s32 $0xFFFFFF80  }
0x15f: {  	[bflag:$0x0] =	sbarrier.arrive $0xFFFF  }
0x160: {  	[hbm:s15], [sflag:s9] =	dma.local [spmem:s20], $0x2800  }
0x161: {  	s31 =	sadd.s32 $0x1, s31;
	_ =	swait.ge [sflag:s21], $0x2800  }
0x162: {  	p0 =	sne.s32 s31, s17;
	[sflag:s21] =	ssyncset.done $0x0  }
.Ltmp1:
0x163: {  	[sflag:s21] =	ssyncadd.s32 $0xFFFFD800;
	(pc) =	sbr.rel @p0 .LBB2_1-.Ltmp1, $4  }
0x164: {  	[hbm4b:s16+s4] =	stream.linear.scatter [tilespmem:s22], [sflag:$0x3], $0x2800, $0x38;
	[tilespmem:$0x1EA80] =	vst v63  }
0x165: {  	_ =	swait.ge [sflag:s21], $0x2800  }
0x166: {  	[sflag:s21] =	ssyncset.done $0x0  }
0x167: {  	[sflag:s21] =	ssyncadd.s32 $0xFFFFD800  }
0x168: {  	_ =	sfence.sel $0x180000  }
0x169: {  	[bflag:$0x0] =	sbarrier.arrive $0xFFFF  }
0x16a: {  	_ =	strace $0x90000047  }
0x16b: {  	s0 =	stileid.u32;
	[bflag:$0x2] =	sbarrier.arrive $0xFFFF  }
0x16c: {  	p0 =	sne.s32 s0, $0x0;
	s0 =	rddreg [dreg:$0x4]  }
0x16d: {  	s0 =	sadd.s32 @!p0 $0x100000, s0  }
0x16e: {  	[sflag:s0] =	ssyncadd.tile.s32 @!p0 $0x1;
	_ =	shalt  }
.Lfunc_end2:
_tile_overlayer_lowered:
.L_overlay_start_2:
0x16f: {  	(tag) =	ssettag $0x2  }
0x170: {  	s0 =	rddreg [dreg:$0x0];
	s2 =	stileid.u32  }
0x171: {  	s1 =	rddreg [dreg:$0x1];
	p0 =	sne.s32 s2, $0x0  }
0x172: {  	s3 =	rddreg [dreg:$0x2];
	[bflag:$0x3] =	sbarrier.arrive $0xFFFF;
	s2 =	simm.s32 @!p0 $0x1C03  }
0x173: {  	[timem:s3], [sflag:s2] =	dma.local @!p0 [hbm:s0], s1  }
0x174: {  	s0 =	simm.s32 @!p0 $0x3  }
0x175: {  	_ =	swait.ge @!p0 [sflag:s0], s1  }
0x176: {  	s1 =	ssub.s32 @!p0 $0x0, s1;
	[sflag:s0] =	ssyncset.done @!p0 $0x0  }
0x177: {  	[sflag:s0] =	ssyncadd.s32 @!p0 s1  }
0x178: {  	[bflag:$0x3] =	sbarrier.arrive $0xFFFF  }
0x179: {  	_ =	shalt  }

// kernel: kernel.8.cloned.1.call-start
scs
__scs_entry_jumppad:
0x0: {  	(pc) =	sbr.rel $0x88, $3  }
0x1: {  	(tag) =	ssettag $0x0;
	lr =	simm.s32 $0x1  }
0x2: {  	[smem:$0x3F9D] =	sst lr;
	_ =	strace $0xD0000000  }
0x3: {  	_ = 	snop  }
0x4: {  	_ = 	snop  }
0x5: {  	_ = 	snop  }
0x6: {  	_ = 	snop  }
0x7: {  	_ = 	snop  }
__scs_overlays_trampoline_lowered:
0x8: {  	[smem:$0x3FAC] =	sst s0  }
0x9: {  	[smem:$0x3FAD] =	sst s1  }
0xa: {  	[smem:$0x3FAE] =	sst s2  }
0xb: {  	[smem:$0x3FAF] =	sst s3  }
0xc: {  	[smem:$0x3FB0] =	sst s4  }
0xd: {  	[smem:$0x3FB1] =	sst s5  }
0xe: {  	[smem:$0x3FB2] =	sst s6  }
0xf: {  	[smem:$0x3FB3] =	sst s7  }
0x10: {  	[smem:$0x3FB4] =	sst s8  }
0x11: {  	[smem:$0x3FB5] =	sst s9;
	s0 =	simm.s32 @!p0 $0x0  }
0x12: {  	s1 =	sld [smem:$0x3F9B];
	s0 =	simm.s32 @p0 $0x1  }
0x13: {  	[smem:$0x3FB6] =	sst s0;
	s0 =	simm.s32 @!p1 $0x0  }
0x14: {  	s2 =	sld [smem:$0x3F9A];
	s0 =	simm.s32 @p1 $0x1  }
0x15: {  	[smem:$0x3FB7] =	sst s0;
	s0 =	simm.s32 @!p2 $0x0  }
0x16: {  	s3 =	sld [smem:$0x3FDB];
	s0 =	simm.s32 @p2 $0x1  }
0x17: {  	s4 =	simm.s32 $0x1BF5;
	[smem:$0x3FB9] =	sst s0  }
0x18: {  	s0 =	sld [smem:$0x3F9C];
	_ =	swait.ge [sflag:s4], $0x0  }
0x19: {  	s7 =	sld [smem:$0x3F9D]  }
0x1a: {  	s8 =	sadd.s32 $0xFFFFE003, lr  }
0x1b: {  	s9 =	sadd.s32 $0xFFFFFEF7, lr;
	s5 =	simm.s32 $0xFFFFFFFF;
	p2 =	slt.u32 s8, $0xFFFFF086  }
0x1c: {  	p1 =	slt.u32 s9, $0xF7A;
	s5 =	simm.s32 @!p2 $0x0  }
0x1d: {  	s5 =	simm.s32 @p1 $0x1;
	p0 =	seq.s32 s7, s2  }
0x1e: {  	s7 =	smul.u32 @!p0 $0xF7A, s2;
	p2 =	seq.s32 @!p0 s5, $0x0  }
0x1f: {  	s9 =	smul.u32 $0xF7A, s1;
	s8 =	simm.s32 @!p0 $0x1BF5;
	p2 =	por !p2, p0  }
0x20: {  	[sflag:s8] =	ssyncset.s32 @!p0 $0xFFFFF086;
	s6 =	sadd.s32 @!p0 s3, s7;
	s7 =	simm.s32 @!p0 $0x108  }
0x21: {  	s3 =	sadd.s32 s3, s9;
	s6 =	sadd.s32 @!p0 $0x88, s6;
	s7 =	simm.s32 @p2 $0x1082  }
0x22: {  	[simem:s7], [sflag:s8] =	dma.local @!p0 [hbm:s6], $0xF7A  }
0x23: {  	s9 =	sor.u32 $0xD0000000, s2;
	s6 =	simm.s32 $0x108;
	_ =	swait.ge @!p0 [sflag:s8], $0x0  }
0x24: {  	s3 =	sadd.s32 $0x88, s3;
	s6 =	simm.s32 @!p1 $0x1082;
	[sflag:s4] =	ssyncset.s32 $0xFFFFF086  }
0x25: {  	[simem:s6], [sflag:s4] =	dma.local [hbm:s3], $0xF7A  }
0x26: {  	[smem:$0x3F9D] =	sst s1;
	(tag) =	ssettag s2;
	_ =	strace s9  }
0x27: {  	s1 =	sld [smem:$0x3FAD]  }
0x28: {  	s2 =	sld [smem:$0x3FAE]  }
0x29: {  	s4 =	sld [smem:$0x3FB0]  }
0x2a: {  	p0 =	seq.s32 s5, $0x0;
	s5 =	sld [smem:$0x3FB1]  }
0x2b: {  	s6 =	sld [smem:$0x3FB2]  }
0x2c: {  	s7 =	sld [smem:$0x3FB3]  }
0x2d: {  	s3 =	simm.s32 $0x108;
	s8 =	sld [smem:$0x3FB4]  }
0x2e: {  	s3 =	simm.s32 @!p0 $0x1082;
	s9 =	sld [smem:$0x3FB5]  }
0x2f: {  	lr =	sadd.s32 s0, s3;
	s0 =	sld [smem:$0x3FAC]  }
0x30: {  	s3 =	sld [smem:$0x3FAF]  }
0x31: {  	[smem:$0x3FB8] =	sst s10  }
0x32: {  	s10 =	sld [smem:$0x3FB6];
	_ =	sdelay $0x3  }
0x33: {  	p0 =	seq.s32 s10, $0x1;
	s10 =	sld [smem:$0x3FB8];
	_ =	sdelay $0x3  }
0x34: {  	[smem:$0x3FB8] =	sst s10  }
0x35: {  	s10 =	sld [smem:$0x3FB7];
	_ =	sdelay $0x3  }
0x36: {  	p1 =	seq.s32 s10, $0x1;
	s10 =	sld [smem:$0x3FB8];
	_ =	sdelay $0x3  }
0x37: {  	[smem:$0x3FB8] =	sst s10  }
0x38: {  	s10 =	sld [smem:$0x3FB9]  }
0x39: {  	_ = 	snop;
	(pc) =	sbr.ind lr, $3  }
0x3a: {  	_ = 	snop  }
0x3b: {  	_ = 	snop  }
0x3c: {  	p2 =	seq.s32 s10, $0x1;
	s10 =	sld [smem:$0x3FB8]  }
0x3d: {  	_ =	shalt  }
0x3e: {  	_ =	shalt  }
0x3f: {  	_ =	shalt  }
0x40: {  	_ =	shalt  }
0x41: {  	_ =	shalt  }
0x42: {  	_ =	shalt  }
0x43: {  	_ =	shalt  }
0x44: {  	_ =	shalt  }
0x45: {  	_ =	shalt  }
0x46: {  	_ =	shalt  }
0x47: {  	_ =	shalt  }
0x48: {  	_ =	shalt  }
0x49: {  	_ =	shalt  }
0x4a: {  	_ =	shalt  }
0x4b: {  	_ =	shalt  }
0x4c: {  	_ =	shalt  }
0x4d: {  	_ =	shalt  }
0x4e: {  	_ =	shalt  }
0x4f: {  	_ =	shalt  }
0x50: {  	_ =	shalt  }
0x51: {  	_ =	shalt  }
0x52: {  	_ =	shalt  }
0x53: {  	_ =	shalt  }
0x54: {  	_ =	shalt  }
0x55: {  	_ =	shalt  }
0x56: {  	_ =	shalt  }
0x57: {  	_ =	shalt  }
0x58: {  	_ =	shalt  }
0x59: {  	_ =	shalt  }
0x5a: {  	_ =	shalt  }
0x5b: {  	_ =	shalt  }
0x5c: {  	_ =	shalt  }
0x5d: {  	_ =	shalt  }
0x5e: {  	_ =	shalt  }
0x5f: {  	_ =	shalt  }
0x60: {  	_ =	shalt  }
0x61: {  	_ =	shalt  }
0x62: {  	_ =	shalt  }
0x63: {  	_ =	shalt  }
0x64: {  	_ =	shalt  }
0x65: {  	_ =	shalt  }
0x66: {  	_ =	shalt  }
0x67: {  	_ =	shalt  }
0x68: {  	_ =	shalt  }
0x69: {  	_ =	shalt  }
0x6a: {  	_ =	shalt  }
0x6b: {  	_ =	shalt  }
0x6c: {  	_ =	shalt  }
0x6d: {  	_ =	shalt  }
0x6e: {  	_ =	shalt  }
0x6f: {  	_ =	shalt  }
0x70: {  	_ =	shalt  }
0x71: {  	_ =	shalt  }
0x72: {  	_ =	shalt  }
0x73: {  	_ =	shalt  }
0x74: {  	_ =	shalt  }
0x75: {  	_ =	shalt  }
0x76: {  	_ =	shalt  }
0x77: {  	_ =	shalt  }
0x78: {  	_ =	shalt  }
0x79: {  	_ =	shalt  }
0x7a: {  	_ =	shalt  }
0x7b: {  	_ =	shalt  }
0x7c: {  	_ =	shalt  }
0x7d: {  	_ =	shalt  }
0x7e: {  	_ =	shalt  }
0x7f: {  	_ =	shalt  }
0x80: {  	_ =	shalt  }
0x81: {  	_ =	shalt  }
0x82: {  	_ =	shalt  }
0x83: {  	_ =	shalt  }
0x84: {  	_ =	shalt  }
0x85: {  	_ =	shalt  }
0x86: {  	_ =	shalt  }
0x87: {  	_ =	shalt  }
.Lfunc_end0:
.L_simem_size_0:
called_computation.1_lowered:
.L_overlay_start_0:
0x88: {  	s2 =	sld [smem:$0x3FD9]  }
0x89: {  	s3 =	sld [smem:$0x3FFE];
	_ =	sdelay $0x1  }
0x8a: {  	s1 =	srdreg.scid  }
0x8b: {  	s0 =	sand.u32 $0x1, s1  }
0x8c: {  	s17 =	sshll.u32 s0, $0xA;
	s2 =	sadd.s32 s3, s2  }
0x8d: {  	s2 =	sadd.s32 s2, s17  }
0x8e: {  	[smem:$0x3FC4] =	sst s2  }
0x8f: {  	_ = 	snop  }
0x90: {  	s2 =	sld [smem:$0x3FD0];
	(tm) =	ssettm $0x1  }
0x91: {  	s18 =	sld [smem:$0x3FFB];
	_ =	sdelay $0x3  }
0x92: {  	_ =	strace s18  }
0x93: {  	s3 =	sld [smem:$0x3FFC];
	_ =	sdelay $0x3  }
0x94: {  	_ =	strace s3  }
0x95: {  	s3 =	sld [smem:$0x3FFD];
	_ =	sdelay $0x3  }
0x96: {  	_ =	strace s3  }
0x97: {  	_ =	strace $0x8FFFFFFF  }
0x98: {  	s19 =	sld [smem:$0x3FDB];
	_ =	sdelay $0x1  }
0x99: {  	s4 =	simm.s32 $_scs_section_size  }
0x9a: {  	s5 =	simm.s32 $_size__tile_overlayer_lowered;
	s6 =	simm.s32 $_tile_overlayer_lowered  }
0x9b: {  	s22 =	simm.s32 $0x1BFF;
	s21 =	sshll.u32 s6, $0x1;
	s3 =	sadd.s32 s4, s19  }
0x9c: {  	s7 =	simm.s32 $0x0;
	s20 =	sshll.u32 s5, $0x1;
	s5 =	sadd.s32 s21, s3  }
0x9d: {  	[timem:s7], [sflag:s22] =	dma.local [hbm:s5], s20  }
0x9e: {  	_ =	swait.ge [sflag:s22], s20  }
0x9f: {  	s4 =	ssub.s32 $0x0, s20;
	[sflag:s22] =	ssyncset.done $0x0  }
0xa0: {  	[sflag:s22] =	ssyncadd.s32 s4;
	_ =	sdelay $0x1  }
0xa1: {  	s23 =	simm.s32 $0x1B8B  }
0xa2: {  	_ =	swait.ge [sflag:s23], $0x1  }
0xa3: {  	[sflag:s23] =	ssyncset.done $0x0  }
0xa4: {  	s25 =	simm.s32 $0x1B8E;
	s24 =	sld [smem:$0x3FFE];
	[sflag:s23] =	ssyncadd.s32 $0xFFFFFFFF  }
0xa5: {  	s26 =	simm.s32 $execute0_lowered;
	[smem:$0x3FD2] =	sst s25  }
0xa6: {  	s5 =	sshll.u32 s26, $0x1;
	_ =	strace $0x80000049;
	[dreg:$0x1] =	wrdreg $0xFFFFFFFF  }
0xa7: {  	s28 =	simm.s32 $_size_execute0_lowered;
	s3 =	sadd.s32 s3, s5;
	[dreg:$0x0] =	wrdreg $0x0  }
0xa8: {  	s5 =	sshll.u32 s28, $0x1;
	[dreg:$0x2] =	wrdreg s3  }
0xa9: {  	[dreg:$0x3] =	wrdreg s5  }
0xaa: {  	[dreg:$0x4] =	wrdreg $0xC0  }
0xab: {  	_ =	task [dreg:s7], $0x5FFFF  }
0xac: {  	[dreg:$0x1] =	wrdreg $0xFFFFFFFF  }
0xad: {  	[dreg:$0x0] =	wrdreg $0x60  }
0xae: {  	[dreg:$0x2] =	wrdreg s24  }
0xaf: {  	[dreg:$0x3] =	wrdreg s2  }
0xb0: {  	[dreg:$0x4] =	wrdreg $0x9  }
0xb1: {  	_ =	task.clear_ibuf [dreg:s7], $0x5FFFF;
	_ =	strace $0x90000049  }
0xb2: {  	s29 =	simm.s32 $0x9;
	_ =	strace $0x8000004B  }
0xb3: {  	_ =	swait.ge [sflag:s29], $0x1  }
0xb4: {  	[sflag:s29] =	ssyncadd.s32 $0xFFFFFFFF  }
0xb5: {  	_ =	strace $0x9000004B  }
0xb6: {  	_ =	sfence  }
0xb7: {  	s30 =	sld [smem:$0x0];
	_ =	sdelay $0x2  }
0xb8: {  	s31 =	sshll.u32 s1, $0xD;
	s1 =	sshrl.u32 s1, $0x2  }
0xb9: {  	s3 =	sand.u32 $0x4000, s31;
	s1 =	sadd.s32 s1, s30  }
0xba: {  	s0 =	sor.u32 s3, s0;
	s1 =	sshll.u32 s1, $0x11  }
0xbb: {  	s0 =	sor.u32 s1, s0  }
0xbc: {  	s0 =	sadd.s32 $0x8F2B, s0  }
0xbd: {  	[sflag:s0] =	ssyncadd.remote.s32 $0x1  }
0xbe: {  	_ =	sfence.sel $0xFFFF  }
0xbf: {  	[dreg:$0x0] =	wrdreg $0xFFFFFFFF;
	(pc) =	sbr.abs _section_cstart, $3  }
0xc0: {  	[dreg:$0x1] =	wrdreg $0xFFFFFFFF  }
0xc1: {  	_ =	task.clear_ibuf [dreg:s7], $0x2FFFF;
	_ =	strace $0x9FFFFFFF  }
0xc2: {  	(tm) =	ssettm $0x7FFFFFFF  }
0xc3: {  	_ =	shalt  }
tec
execute0_lowered:
.L_overlay_start_1:
0x0: {  	(tag) =	ssettag $0x1  }
0x1: {  	s0 =	rddreg [dreg:$0x0]  }
0x2: {  	s2 =	rddreg [dreg:$0x1];
	s1 =	simm.s32 $0x0  }
0x3: {  	s4 =	srdreg.scid;
	s7 =	stileid.u32;
	s14 =	simm.s32 $0x100  }
0x4: {  	s15 =	simm.s32 $0x80;
	s16 =	simm.s32 $0x180;
	s17 =	simm.s32 $0x1  }
0x5: {  	s18 =	simm.s32 $0x200;
	s19 =	simm.s32 $0x8200;
	s20 =	simm.s32 $0x2  }
0x6: {  	s21 =	simm.s32 $0x4200;
	s22 =	simm.s32 $0xC200;
	s24 =	simm.s32 $0x3  }
0x7: {  	s25 =	simm.s32 $0x0;
	[smem:$0x7FF] =	sst s1;
	s3 =	sadd.s32 $0xE00, s0  }
0x8: {  	s4 =	sand.u32 $0x1, s4;
	s7 =	sshll.u32 s7, $0xB;
	_ =	strace $0x8000004A  }
0x9: {  	s6 =	ssub.s32 $0x2, s4;
	s5 =	sshll.u32 s4, $0xF;
	s4 =	sadd.s32 $0x71A00, s0  }
0xa: {  	s8 =	sshrl.u32 s6, $0x1;
	s11 =	sor.u32 s7, s5;
	s5 =	sadd.s32 $0x73C00, s0  }
0xb: {  	s29 =	ssub.s32 s6, s8;
	s30 =	sshrl.u32 s11, $0x3;
	s10 =	sor.u32 $0x100, s11  }
0xc: {  	s11 =	sor.u32 $0x180, s11;
	s31 =	sadd.s32 s4, s30;
	s7 =	sadd.s32 s5, s30  }
0xd: {  	s9 =	sor.u32 $0x10, s30;
	s12 =	sadd.s32 s2, s30;
	s13 =	smax.u32 s29, $0x1  }
0xe: {  	v0 =	vlaneseq.u32;
	[dreg:$0x3] =	wrdreg s31;
	s8 =	sadd.s32 s4, s9;
	s9 =	sadd.s32 s5, s9  }
.LBB2_1:
0xf: {  	s0 =	rddreg [dreg:$0x3]  }
0x10: {  	[tilespmem:s1], [sflag:$0x1] =	stream.linear.gather [hbm4b:s0+s1], $0x80, $0x38;
	[tilespmem:$0x10A00] =	vst v63  }
0x11: {  	_ = 	snop  }
0x12: {  	[tilespmem:s14], [sflag:$0x1] =	stream.linear.gather [hbm4b:s7+s1], $0x80, $0x38;
	[tilespmem:$0x10A00] =	vst v63  }
0x13: {  	_ = 	snop  }
0x14: {  	[tilespmem:s15], [sflag:$0x1] =	stream.linear.gather [hbm4b:s8+s1], $0x80, $0x38;
	[tilespmem:$0x10A00] =	vst v63  }
0x15: {  	_ = 	snop  }
0x16: {  	[tilespmem:s16], [sflag:$0x1] =	stream.linear.gather [hbm4b:s9+s1], $0x80, $0x38;
	[tilespmem:$0x10A00] =	vst v63  }
0x17: {  	_ =	swait.ge [sflag:s17], $0x80  }
0x18: {  	[sflag:s17] =	ssyncset.done $0x0  }
0x19: {  	[sflag:s17] =	ssyncadd.s32 $0xFFFFFF80  }
0x1a: {  	_ =	swait.ge [sflag:s17], $0x80  }
0x1b: {  	[sflag:s17] =	ssyncset.done $0x0  }
0x1c: {  	[sflag:s17] =	ssyncadd.s32 $0xFFFFFF80  }
0x1d: {  	[tilespmem:s18], [sflag:$0x2] =	stream.indirect.gather [hbm4b:s3+s15], $0x80, s1, s15, $0xb8;
	[tilespmem:$0x10A00] =	vst v63  }
0x1e: {  	s23 =	simm.s32 $0x101F1;
	s28 =	simm.s32 $0x10271;
	s29 =	simm.s32 $0x0  }
0x1f: {  	[tilespmem:s19], [sflag:$0x2] =	stream.indirect.gather [hbm4b:s3+s15], $0x80, s14, s15, $0xb8;
	[tilespmem:$0x10A00] =	vst v63  }
.LBB2_2:
0x20: {  	_ =	swait.ge [sflag:s20], $0x4000  }
0x21: {  	[sflag:s20] =	ssyncset.done $0x0  }
0x22: {  	[sflag:s20] =	ssyncadd.s32 $0xFFFFC000  }
0x23: {  	_ =	swait.ge [sflag:s20], $0x4000  }
0x24: {  	[sflag:s20] =	ssyncset.done $0x0  }
0x25: {  	[sflag:s20] =	ssyncadd.s32 $0xFFFFC000  }
0x26: {  	_ =	swait.ge [sflag:s17], $0x80  }
0x27: {  	[sflag:s17] =	ssyncset.done $0x0  }
0x28: {  	[sflag:s17] =	ssyncadd.s32 $0xFFFFFF80  }
0x29: {  	_ =	swait.ge [sflag:s17], $0x80  }
0x2a: {  	s30 =	sshll.u32 s29, $0x8;
	[sflag:s17] =	ssyncset.done $0x0  }
0x2b: {  	s0 =	sadd.s32 s30, s10;
	[sflag:s17] =	ssyncadd.s32 $0xFFFFFF80  }
0x2c: {  	[tilespmem:s21], [sflag:$0x2] =	stream.indirect.gather [hbm4b:s3+s15], $0x80, s15, s15, $0xb8;
	[tilespmem:$0x10A00] =	vst v63  }
0x2d: {  	s0 =	sshrl.u32 s0, $0x3  }
0x2e: {  	[tilespmem:s22], [sflag:$0x2] =	stream.indirect.gather [hbm4b:s3+s15], $0x80, s16, s15, $0xb8;
	[tilespmem:$0x10A00] =	vst v63  }
0x2f: {  	s6 =	simm.s32 $0x0;
	s2 =	sadd.s32 s4, s0  }
0x30: {  	[tilespmem:s6], [sflag:$0x1] =	stream.linear.gather [hbm4b:s2+s6], $0x80, $0x38;
	[tilespmem:$0x10A00] =	vst v63  }
0x31: {  	s0 =	sadd.s32 s5, s0;
	s2 =	simm.s32 $0x8240  }
0x32: {  	[tilespmem:s14], [sflag:$0x1] =	stream.linear.gather [hbm4b:s0+s6], $0x80, $0x38;
	[tilespmem:$0x10A00] =	vst v63  }
0x33: {  	s31 =	simm.s32 $0x240;
	v1 =	vld [tilespmem:s2+$0xFFFFFFC0]  }
0x34: {  	v2 =	vld [tilespmem:s31+$0xFFFFFFC0]  }
0x35: {  	v3 =	vld [tilespmem:s31+$0xFFFFFFD0]  }
0x36: {  	v4 =	vld [tilespmem:s2+$0xFFFFFFD0]  }
0x37: {  	v5 =	vld [tilespmem:s31+$0xFFFFFFE0]  }
0x38: {  	v6 =	vld [tilespmem:s2+$0xFFFFFFE0]  }
0x39: {  	v7 =	vld [tilespmem:s31+$0xFFFFFFF0]  }
0x3a: {  	v8 =	vld [tilespmem:s2+$0xFFFFFFF0]  }
0x3b: {  	v58 =	vld [tilespmem:s2+$0x0];
	v1 =	vmul.f32 v1, v2;
	v2 =	vmul.f32 v4, v3  }
0x3c: {  	v3 =	vld [tilespmem:s31+$0x0]  }
0x3d: {  	v59 =	vld [tilespmem:s31+$0x10];
	v1 =	vadd.f32 v2, v1;
	v2 =	vmul.f32 v6, v5  }
0x3e: {  	v60 =	vld [tilespmem:s2+$0x10]  }
0x3f: {  	v61 =	vld [tilespmem:s31+$0x20];
	v1 =	vadd.f32 v2, v1;
	v2 =	vmul.f32 v8, v7  }
0x40: {  	v62 =	vld [tilespmem:s2+$0x20]  }
0x41: {  	v63 =	vld [tilespmem:s2+$0x30];
	v1 =	vadd.f32 v2, v1;
	v2 =	vmul.f32 v58, v3  }
0x42: {  	v3 =	vld [tilespmem:s31+$0x30]  }
0x43: {  	v1 =	vadd.f32 v2, v1;
	v2 =	vmul.f32 v60, v59;
	_ =	sdelay $0x1  }
0x44: {  	v1 =	vadd.f32 v2, v1;
	v2 =	vmul.f32 v62, v61;
	_ =	sdelay $0x1  }
0x45: {  	v1 =	vadd.f32 v2, v1;
	v2 =	vmul.f32 v63, v3;
	_ =	sdelay $0x1  }
0x46: {  	v1 =	vadd.f32 v2, v1;
	_ =	sdelay $0x1  }
0x47: {  	(xrf2) =	vadd.scan.msk.f32 $0xffff, v1;
	_ =	sdelay $0x9  }
0x48: {  	s26 =	sand.u32 $0xF, s6;
	v1, _, _ =	vpop (xrf2)  }
0x49: {  	v2 =	vmov s26;
	v1 =	vbroadcast v1, $0xF  }
0x4a: {  	v3 =	vimm.f32 $0.0e+00;
	vm0 =	veq.s32 v2, v0  }
0x4b: {  	p0 =	sne.s32 s26, $0xF;
	v1 =	vsel vm0, v1, v3  }
0x4c: {  	s0 =	simm.s32 $0x1;
	s2 =	simm.s32 $0x82C0;
	s26 =	smov.u32 s23;
	[tilespmem:s23+$0x0] =	vst @!p0 v1  }
.LBB2_3:
0x4d: {  	v2 =	vld [tilespmem:s2+$0xFFFFFFC0];
	s31 =	sadd.s32 $0x80, s31;
	s6 =	smov.u32 s0  }
0x4e: {  	v3 =	vld [tilespmem:s31+$0xFFFFFFC0]  }
0x4f: {  	v4 =	vld [tilespmem:s31+$0xFFFFFFD0]  }
0x50: {  	s0 =	sadd.s32 $0x1, s0;
	v5 =	vld [tilespmem:s2+$0xFFFFFFD0]  }
0x51: {  	p0 =	sne.s32 s0, $0x80;
	v6 =	vld [tilespmem:s31+$0xFFFFFFE0]  }
0x52: {  	v7 =	vld [tilespmem:s2+$0xFFFFFFE0]  }
0x53: {  	v8 =	vld [tilespmem:s31+$0xFFFFFFF0]  }
0x54: {  	v9 =	vld [tilespmem:s2+$0xFFFFFFF0]  }
0x55: {  	v2 =	vmul.f32 v2, v3;
	v3 =	vmul.f32 v5, v4;
	v4 =	vld [tilespmem:s31+$0x0]  }
0x56: {  	v5 =	vld [tilespmem:s2+$0x0]  }
0x57: {  	v2 =	vadd.f32 v3, v2;
	v3 =	vmul.f32 v7, v6;
	v6 =	vld [tilespmem:s31+$0x10]  }
0x58: {  	v7 =	vld [tilespmem:s2+$0x10]  }
0x59: {  	v2 =	vadd.f32 v3, v2;
	v3 =	vmul.f32 v9, v8;
	v8 =	vld [tilespmem:s31+$0x20]  }
0x5a: {  	v9 =	vld [tilespmem:s2+$0x20]  }
0x5b: {  	v2 =	vadd.f32 v3, v2;
	v3 =	vmul.f32 v5, v4;
	v4 =	vld [tilespmem:s31+$0x30]  }
0x5c: {  	v5 =	vld [tilespmem:s2+$0x30]  }
0x5d: {  	v2 =	vadd.f32 v3, v2;
	v3 =	vmul.f32 v7, v6;
	_ =	sdelay $0x1  }
0x5e: {  	v2 =	vadd.f32 v3, v2;
	v3 =	vmul.f32 v9, v8;
	_ =	sdelay $0x1  }
0x5f: {  	v2 =	vadd.f32 v3, v2;
	v3 =	vmul.f32 v5, v4;
	_ =	sdelay $0x1  }
0x60: {  	v2 =	vadd.f32 v3, v2;
	_ =	sdelay $0x1  }
0x61: {  	(xrf2) =	vadd.scan.msk.f32 $0xffff, v2;
	_ =	sdelay $0x9  }
.Ltmp0:
0x62: {  	s6 =	sand.u32 $0xF, s6;
	v2, _, _ =	vpop (xrf2);
	(pc) =	sbr.rel @p0 .LBB2_3-.Ltmp0, $4  }
0x63: {  	v3 =	vmov s6;
	v2 =	vbroadcast v2, $0xF  }
0x64: {  	vm0 =	veq.s32 v3, v0  }
0x65: {  	s26 =	sadd.s32 $0x1, s26;
	p1 =	sne.s32 s6, $0xF;
	v1 =	vsel vm0, v2, v1  }
0x66: {  	s2 =	sadd.s32 $0x80, s2;
	[tilespmem:s26+$0x0] =	vst @!p1 v1  }
0x67: {  	_ =	swait.ge [sflag:s20], $0x4000  }
0x68: {  	[sflag:s20] =	ssyncset.done $0x0  }
0x69: {  	[sflag:s20] =	ssyncadd.s32 $0xFFFFC000  }
0x6a: {  	_ =	swait.ge [sflag:s20], $0x4000  }
0x6b: {  	[sflag:s20] =	ssyncset.done $0x0  }
0x6c: {  	[sflag:s20] =	ssyncadd.s32 $0xFFFFC000  }
0x6d: {  	_ =	swait.ge [sflag:s17], $0x80  }
0x6e: {  	[sflag:s17] =	ssyncset.done $0x0  }
0x6f: {  	[sflag:s17] =	ssyncadd.s32 $0xFFFFFF80  }
0x70: {  	_ =	swait.ge [sflag:s17], $0x80  }
0x71: {  	[sflag:s17] =	ssyncset.done $0x0  }
0x72: {  	s0 =	simm.s32 $0x0;
	s2 =	sadd.s32 s30, s11;
	[sflag:s17] =	ssyncadd.s32 $0xFFFFFF80  }
0x73: {  	[tilespmem:s18], [sflag:$0x2] =	stream.indirect.gather [hbm4b:s3+s15], $0x80, s0, s15, $0xb8;
	[tilespmem:$0x10A00] =	vst v63  }
0x74: {  	s2 =	sshrl.u32 s2, $0x3  }
0x75: {  	[tilespmem:s19], [sflag:$0x2] =	stream.indirect.gather [hbm4b:s3+s15], $0x80, s14, s15, $0xb8;
	[tilespmem:$0x10A00] =	vst v63  }
0x76: {  	s6 =	sadd.s32 s4, s2  }
0x77: {  	[tilespmem:s15], [sflag:$0x1] =	stream.linear.gather [hbm4b:s6+s0], $0x80, $0x38;
	[tilespmem:$0x10A00] =	vst v63  }
0x78: {  	s31 =	simm.s32 $0xC240;
	s2 =	sadd.s32 s5, s2  }
0x79: {  	[tilespmem:s16], [sflag:$0x1] =	stream.linear.gather [hbm4b:s2+s0], $0x80, $0x38;
	[tilespmem:$0x10A00] =	vst v63  }
0x7a: {  	s30 =	simm.s32 $0x4240;
	v1 =	vld [tilespmem:s31+$0xFFFFFFC0]  }
0x7b: {  	v2 =	vld [tilespmem:s30+$0xFFFFFFC0]  }
0x7c: {  	v3 =	vld [tilespmem:s30+$0xFFFFFFD0]  }
0x7d: {  	v4 =	vld [tilespmem:s31+$0xFFFFFFD0]  }
0x7e: {  	v5 =	vld [tilespmem:s30+$0xFFFFFFE0]  }
0x7f: {  	v6 =	vld [tilespmem:s31+$0xFFFFFFE0]  }
0x80: {  	v7 =	vld [tilespmem:s30+$0xFFFFFFF0]  }
0x81: {  	v8 =	vld [tilespmem:s31+$0xFFFFFFF0]  }
0x82: {  	v58 =	vld [tilespmem:s31+$0x0];
	v1 =	vmul.f32 v1, v2;
	v2 =	vmul.f32 v4, v3  }
0x83: {  	v3 =	vld [tilespmem:s30+$0x0]  }
0x84: {  	v59 =	vld [tilespmem:s30+$0x10];
	v1 =	vadd.f32 v2, v1;
	v2 =	vmul.f32 v6, v5  }
0x85: {  	v60 =	vld [tilespmem:s31+$0x10]  }
0x86: {  	v61 =	vld [tilespmem:s30+$0x20];
	v1 =	vadd.f32 v2, v1;
	v2 =	vmul.f32 v8, v7  }
0x87: {  	v62 =	vld [tilespmem:s31+$0x20]  }
0x88: {  	v63 =	vld [tilespmem:s31+$0x30];
	v1 =	vadd.f32 v2, v1;
	v2 =	vmul.f32 v58, v3  }
0x89: {  	v3 =	vld [tilespmem:s30+$0x30]  }
0x8a: {  	v1 =	vadd.f32 v2, v1;
	v2 =	vmul.f32 v60, v59;
	_ =	sdelay $0x1  }
0x8b: {  	v1 =	vadd.f32 v2, v1;
	v2 =	vmul.f32 v62, v61;
	_ =	sdelay $0x1  }
0x8c: {  	v1 =	vadd.f32 v2, v1;
	v2 =	vmul.f32 v63, v3;
	_ =	sdelay $0x1  }
0x8d: {  	v1 =	vadd.f32 v2, v1;
	_ =	sdelay $0x1  }
0x8e: {  	(xrf2) =	vadd.scan.msk.f32 $0xffff, v1;
	_ =	sdelay $0x9  }
0x8f: {  	s0 =	sand.u32 $0xF, s0;
	v1, _, _ =	vpop (xrf2)  }
0x90: {  	v2 =	vmov s0;
	v1 =	vbroadcast v1, $0xF  }
0x91: {  	v3 =	vimm.f32 $0.0e+00;
	vm0 =	veq.s32 v2, v0  }
0x92: {  	p0 =	sne.s32 s0, $0xF;
	v1 =	vsel vm0, v1, v3  }
0x93: {  	s26 =	smov.u32 s28;
	s2 =	simm.s32 $0xC2C0;
	s0 =	simm.s32 $0x1;
	[tilespmem:s28+$0x0] =	vst @!p0 v1  }
.LBB2_5:
0x94: {  	v2 =	vld [tilespmem:s2+$0xFFFFFFC0];
	s30 =	sadd.s32 $0x80, s30;
	s6 =	smov.u32 s0  }
0x95: {  	v3 =	vld [tilespmem:s30+$0xFFFFFFC0]  }
0x96: {  	v4 =	vld [tilespmem:s30+$0xFFFFFFD0]  }
0x97: {  	s0 =	sadd.s32 $0x1, s0;
	v5 =	vld [tilespmem:s2+$0xFFFFFFD0]  }
0x98: {  	p0 =	sne.s32 s0, $0x80;
	v6 =	vld [tilespmem:s30+$0xFFFFFFE0]  }
0x99: {  	v7 =	vld [tilespmem:s2+$0xFFFFFFE0]  }
0x9a: {  	v8 =	vld [tilespmem:s30+$0xFFFFFFF0]  }
0x9b: {  	v9 =	vld [tilespmem:s2+$0xFFFFFFF0]  }
0x9c: {  	v2 =	vmul.f32 v2, v3;
	v3 =	vmul.f32 v5, v4;
	v4 =	vld [tilespmem:s30+$0x0]  }
0x9d: {  	v5 =	vld [tilespmem:s2+$0x0]  }
0x9e: {  	v2 =	vadd.f32 v3, v2;
	v3 =	vmul.f32 v7, v6;
	v6 =	vld [tilespmem:s30+$0x10]  }
0x9f: {  	v7 =	vld [tilespmem:s2+$0x10]  }
0xa0: {  	v2 =	vadd.f32 v3, v2;
	v3 =	vmul.f32 v9, v8;
	v8 =	vld [tilespmem:s30+$0x20]  }
0xa1: {  	v9 =	vld [tilespmem:s2+$0x20]  }
0xa2: {  	v2 =	vadd.f32 v3, v2;
	v3 =	vmul.f32 v5, v4;
	v4 =	vld [tilespmem:s30+$0x30]  }
0xa3: {  	v5 =	vld [tilespmem:s2+$0x30]  }
0xa4: {  	v2 =	vadd.f32 v3, v2;
	v3 =	vmul.f32 v7, v6;
	_ =	sdelay $0x1  }
0xa5: {  	v2 =	vadd.f32 v3, v2;
	v3 =	vmul.f32 v9, v8;
	_ =	sdelay $0x1  }
0xa6: {  	v2 =	vadd.f32 v3, v2;
	v3 =	vmul.f32 v5, v4;
	_ =	sdelay $0x1  }
0xa7: {  	v2 =	vadd.f32 v3, v2;
	_ =	sdelay $0x1  }
0xa8: {  	(xrf2) =	vadd.scan.msk.f32 $0xffff, v2;
	_ =	sdelay $0x9  }
.Ltmp1:
0xa9: {  	s6 =	sand.u32 $0xF, s6;
	v2, _, _ =	vpop (xrf2);
	(pc) =	sbr.rel @p0 .LBB2_5-.Ltmp1, $4  }
0xaa: {  	v3 =	vmov s6;
	v2 =	vbroadcast v2, $0xF  }
0xab: {  	vm0 =	veq.s32 v3, v0  }
0xac: {  	s26 =	sadd.s32 $0x1, s26;
	p1 =	sne.s32 s6, $0xF;
	v1 =	vsel vm0, v2, v1  }
0xad: {  	s2 =	sadd.s32 $0x80, s2;
	[tilespmem:s26+$0x0] =	vst @!p1 v1  }
0xae: {  	s29 =	sadd.s32 $0x1, s29  }
0xaf: {  	p0 =	sne.s32 s29, $0x8  }
.Ltmp2:
0xb0: {  	_ = 	snop;
	(pc) =	sbr.rel @p0 .LBB2_2-.Ltmp2, $2  }
0xb1: {  	_ =	sdelay $0x2  }
0xb2: {  	s23 =	sadd.s32 $0x100, s23;
	s28 =	sadd.s32 $0x100, s28  }
0xb3: {  	_ =	swait.ge [sflag:s20], $0x4000  }
0xb4: {  	[sflag:s20] =	ssyncset.done $0x0  }
0xb5: {  	[sflag:s20] =	ssyncadd.s32 $0xFFFFC000  }
0xb6: {  	_ =	swait.ge [sflag:s20], $0x4000  }
0xb7: {  	[sflag:s20] =	ssyncset.done $0x0  }
0xb8: {  	[sflag:s20] =	ssyncadd.s32 $0xFFFFC000  }
0xb9: {  	_ =	swait.ge [sflag:s17], $0x80  }
0xba: {  	[sflag:s17] =	ssyncset.done $0x0  }
0xbb: {  	[sflag:s17] =	ssyncadd.s32 $0xFFFFFF80  }
0xbc: {  	s25 =	sadd.s32 $0x1, s25;
	_ =	swait.ge [sflag:s17], $0x80  }
0xbd: {  	p0 =	sne.s32 s25, s13;
	[sflag:s17] =	ssyncset.done $0x0  }
.Ltmp3:
0xbe: {  	s0 =	simm.s32 $0x10200;
	[sflag:s17] =	ssyncadd.s32 $0xFFFFFF80;
	(pc) =	sbr.rel @p0 .LBB2_1-.Ltmp3, $4  }
0xbf: {  	[hbm4b:s12+s1] =	stream.linear.scatter [tilespmem:s0], [sflag:$0x3], $0x800, $0x38;
	[tilespmem:$0x10A00] =	vst v63  }
0xc0: {  	_ =	swait.ge [sflag:s24], $0x800  }
0xc1: {  	[sflag:s24] =	ssyncset.done $0x0  }
0xc2: {  	[sflag:s24] =	ssyncadd.s32 $0xFFFFF800  }
0xc3: {  	_ =	sfence.sel $0x180000  }
0xc4: {  	[bflag:$0x0] =	sbarrier.arrive $0xFFFF  }
0xc5: {  	_ =	strace $0x9000004A  }
0xc6: {  	s0 =	stileid.u32;
	[bflag:$0x2] =	sbarrier.arrive $0xFFFF  }
0xc7: {  	p0 =	sne.s32 s0, $0x0;
	s0 =	rddreg [dreg:$0x2]  }
0xc8: {  	s0 =	sadd.s32 @!p0 $0x100000, s0  }
0xc9: {  	[sflag:s0] =	ssyncadd.tile.s32 @!p0 $0x1;
	_ =	shalt  }
.Lfunc_end2:
_tile_overlayer_lowered:
.L_overlay_start_2:
0xca: {  	(tag) =	ssettag $0x2  }
0xcb: {  	s0 =	rddreg [dreg:$0x0];
	s2 =	stileid.u32  }
0xcc: {  	s1 =	rddreg [dreg:$0x1];
	p0 =	sne.s32 s2, $0x0  }
0xcd: {  	s3 =	rddreg [dreg:$0x2];
	[bflag:$0x3] =	sbarrier.arrive $0xFFFF;
	s2 =	simm.s32 @!p0 $0x1C03  }
0xce: {  	[timem:s3], [sflag:s2] =	dma.local @!p0 [hbm:s0], s1  }
0xcf: {  	s0 =	simm.s32 @!p0 $0x3  }
0xd0: {  	_ =	swait.ge @!p0 [sflag:s0], s1  }
0xd1: {  	s1 =	ssub.s32 @!p0 $0x0, s1;
	[sflag:s0] =	ssyncset.done @!p0 $0x0  }
0xd2: {  	[sflag:s0] =	ssyncadd.s32 @!p0 s1  }
0xd3: {  	[bflag:$0x3] =	sbarrier.arrive $0xFFFF  }
0xd4: {  	_ =	shalt  }

</sc_bundles>
